<compile_context>
chip_gen: v7x
topology: tpu7x:2x2x1
jax: 0.10.2.dev20260603
libtpu: 0.0.44.dev20260713+nightly
codegen_flags: <defaults>
</compile_context>

<pallas_src>
import functools

import jax
import jax.numpy as jnp
from jax import lax
from jax.experimental import pallas as pl
from jax.experimental.pallas import tpu as pltpu
from jax.experimental.pallas import tpu_sc as plsc

N = 10000
E = 320000
D = 128
NC = 2
NS = 16
NW = NC * NS
EPW = E // NW
CH = 125
NCH = EPW // CH
NR = 10240
RPS = NR // NS
ZR = 128
NV = 2
DEG_PAD = 10240
DPS = DEG_PAD // NS
RB = 1000


def _sc_mesh():
    return plsc.VectorSubcoreMesh(
        core_axis_name="c", subcore_axis_name="s",
        num_cores=NC, num_subcores=NS)


@functools.cache
def _deg_kernel():
    @functools.partial(
        pl.kernel,
        out_type=jax.ShapeDtypeStruct((NC * DEG_PAD,), jnp.float32),
        mesh=_sc_mesh(),
        scratch_types=[
            pltpu.VMEM((NCH, CH), jnp.int32),
            pltpu.VMEM((CH,), jnp.float32),
            pltpu.VMEM_SHARED((DEG_PAD,), jnp.float32),
        ],
    )
    def deg(ei_hbm, zrow_hbm, ones_hbm, out_hbm, idx_d2, ones_v, acc):
        c = lax.axis_index("c")
        s = lax.axis_index("s")
        w = c * NS + s
        pltpu.sync_copy(ei_hbm.at[1, w], idx_d2)
        pltpu.sync_copy(ones_hbm, ones_v)
        pltpu.sync_copy(zrow_hbm, acc.at[pl.ds(s * DPS, DPS)])
        plsc.subcore_barrier()

        @pl.loop(0, NCH)
        def _(i):
            pltpu.sync_copy(ones_v, acc.at[idx_d2.at[i]], add=True)

        plsc.subcore_barrier()
        pltpu.sync_copy(acc.at[pl.ds(s * DPS, DPS)],
                        out_hbm.at[pl.ds(c * DEG_PAD + s * DPS, DPS)])

    return deg


@functools.cache
def _agg_kernel(d):
    @functools.partial(
        pl.kernel,
        out_type=jax.ShapeDtypeStruct((NC, NR, d), jnp.float32),
        mesh=_sc_mesh(),
        scratch_types=[
            pltpu.VMEM((2, CH), jnp.int32),
            pltpu.VMEM((NCH, CH), jnp.int32),
            pltpu.VMEM((2, CH, d), jnp.float32),
            pltpu.VMEM_SHARED((NR, d), jnp.float32),
            pltpu.SemaphoreType.DMA,
            pltpu.SemaphoreType.DMA,
            pltpu.SemaphoreType.DMA,
            pltpu.SemaphoreType.DMA,
        ],
    )
    def agg(h_hbm, ei_hbm, zblk_hbm, out_hbm,
            sidx, idx_d2, rows, acc, gsem0, gsem1, ssem0, ssem1):
        c = lax.axis_index("c")
        s = lax.axis_index("s")
        w = c * NS + s
        gsems = (gsem0, gsem1)
        ssems = (ssem0, ssem1)

        def load_sidx(i, slot, sem):
            pltpu.async_copy(ei_hbm.at[0, w, i], sidx.at[slot], sem)

        def wait_sidx(slot, sem):
            pltpu.make_async_copy(
                ei_hbm.at[0, w, 0], sidx.at[slot], sem).wait()

        def issue_gather(slot, sem):
            pltpu.async_copy(h_hbm.at[sidx.at[slot]], rows.at[slot], sem)

        def wait_gather(slot, sem):
            pltpu.make_async_copy(
                h_hbm.at[sidx.at[slot]], rows.at[slot], sem).wait()

        def scatter(i, slot):
            pltpu.sync_copy(rows.at[slot], acc.at[idx_d2.at[i]], add=True)

        pltpu.sync_copy(ei_hbm.at[1, w], idx_d2)
        pltpu.sync_copy(ei_hbm.at[0, w, 0], sidx.at[0])
        load_sidx(1, 1, ssems[1])
        issue_gather(0, gsems[0])

        @pl.loop(0, RPS // ZR)
        def _(j):
            pltpu.sync_copy(zblk_hbm, acc.at[pl.ds(s * RPS + j * ZR, ZR)])

        plsc.subcore_barrier()

        @pl.loop(0, (NCH - 2) // 2)
        def _(j):
            for b in range(2):
                i = j * 2 + b
                wait_gather(b, gsems[b])
                wait_sidx(1 - b, ssems[1 - b])
                issue_gather(1 - b, gsems[1 - b])
                scatter(i, b)
                load_sidx(i + 2, b, ssems[b])

        i = NCH - 2
        b = i % 2
        wait_gather(b, gsems[b])
        wait_sidx(1 - b, ssems[1 - b])
        issue_gather(1 - b, gsems[1 - b])
        scatter(i, b)
        wait_gather(1 - b, gsems[1 - b])
        scatter(NCH - 1, 1 - b)

        plsc.subcore_barrier()

        @pl.loop(0, RPS // ZR)
        def _(j):
            r0 = s * RPS + j * ZR
            pltpu.sync_copy(acc.at[pl.ds(r0, ZR)], out_hbm.at[c, pl.ds(r0, ZR)])

    return agg


@functools.cache
def _aggn_kernel():
    @functools.partial(
        pl.kernel,
        out_type=jax.ShapeDtypeStruct((NC * NV * DEG_PAD,), jnp.float32),
        mesh=_sc_mesh(),
        scratch_types=[
            pltpu.VMEM((NCH, CH), jnp.int32),
            pltpu.VMEM((NCH, CH), jnp.int32),
            pltpu.VMEM((2, CH), jnp.float32),
            pltpu.VMEM_SHARED((DEG_PAD,), jnp.float32),
            pltpu.VMEM_SHARED((DEG_PAD,), jnp.float32),
            pltpu.VMEM_SHARED((DEG_PAD,), jnp.float32),
            pltpu.VMEM_SHARED((DEG_PAD,), jnp.float32),
            pltpu.SemaphoreType.DMA,
            pltpu.SemaphoreType.DMA,
        ],
    )
    def aggn(t_hbm, ei_hbm, zrow_hbm, out_hbm,
             sidx, didx, vals, tsp0, tsp1, acc0, acc1, sem0, sem1):
        c = lax.axis_index("c")
        s = lax.axis_index("s")
        w = c * NS + s

        pltpu.sync_copy(ei_hbm.at[0, w], sidx)
        pltpu.sync_copy(ei_hbm.at[1, w], didx)
        sl = pl.ds(s * DPS, DPS)
        pltpu.sync_copy(t_hbm.at[pl.ds(s * DPS, DPS)], tsp0.at[sl])
        pltpu.sync_copy(t_hbm.at[pl.ds(DEG_PAD + s * DPS, DPS)], tsp1.at[sl])
        pltpu.sync_copy(zrow_hbm, acc0.at[sl])
        pltpu.sync_copy(zrow_hbm, acc1.at[sl])
        plsc.subcore_barrier()

        def run_class(tspc, accc):
            def issue_gather(i, slot, sem):
                pltpu.async_copy(tspc.at[sidx.at[i]], vals.at[slot], sem)

            def wait_gather(slot, sem):
                pltpu.make_async_copy(
                    tspc.at[sidx.at[0]], vals.at[slot], sem).wait()

            def scatter(i, slot):
                pltpu.sync_copy(vals.at[slot], accc.at[didx.at[i]], add=True)

            issue_gather(0, 0, sem0)
            issue_gather(1, 1, sem1)

            @pl.loop(0, (NCH - 2) // 2)
            def _(j):
                for b in range(2):
                    i = j * 2 + b
                    sem = sem0 if b == 0 else sem1
                    wait_gather(b, sem)
                    scatter(i, b)
                    issue_gather(i + 2, b, sem)

            wait_gather(0, sem0)
            scatter(NCH - 2, 0)
            wait_gather(1, sem1)
            scatter(NCH - 1, 1)

        run_class(tsp0, acc0)
        run_class(tsp1, acc1)

        plsc.subcore_barrier()
        pltpu.sync_copy(acc0.at[sl],
                        out_hbm.at[pl.ds(c * NV * DEG_PAD + s * DPS, DPS)])
        pltpu.sync_copy(acc1.at[sl],
                        out_hbm.at[pl.ds(c * NV * DEG_PAD + DEG_PAD + s * DPS,
                                         DPS)])

    return aggn


def _dinv_block(degp_ref):
    deg = degp_ref[0] + degp_ref[1] + 1.0
    return lax.rsqrt(deg)


def _mm_scale_body(x_ref, w_ref, degp_ref, o_ref):
    h = jnp.dot(x_ref[...], w_ref[...], preferred_element_type=jnp.float32)
    o_ref[...] = h * _dinv_block(degp_ref)


def _epilogue1_body(aggp_ref, h1p_ref, degp_ref, b1_ref, w2_ref, o_ref):
    dinv = _dinv_block(degp_ref)
    s = aggp_ref[0] + aggp_ref[1] + h1p_ref[...]
    h = jnp.maximum(s * dinv + b1_ref[...], 0.0) * dinv
    o_ref[...] = jnp.dot(h, w2_ref[...], preferred_element_type=jnp.float32)


def _epilogue2_body(aggp_ref, tc_ref, degr_ref, b2_ref, o_ref):
    deg = degr_ref[0] + degr_ref[1] + 1.0
    dinv = lax.rsqrt(deg)
    s = aggp_ref[0] + aggp_ref[1] + tc_ref[...]
    o_ref[...] = s * dinv + b2_ref[...]


_GRID = N // RB
CB = 1024
_GRID2 = DEG_PAD // CB
_spec_rows = pl.BlockSpec((RB, D), lambda i: (i, 0))
_spec_pair = pl.BlockSpec((NC, RB, D), lambda i: (0, i, 0))
_spec_cpair = pl.BlockSpec((NC, NV, CB), lambda i: (0, 0, i))
_spec_deg = pl.BlockSpec((NC, RB, 1), lambda i: (0, i, 0))
_spec_degr = pl.BlockSpec((NC, CB), lambda i: (0, i))
_spec_w = pl.BlockSpec((D, D), lambda i: (0, 0))
_spec_wn = pl.BlockSpec((D, NV), lambda i: (0, 0))
_spec_b = pl.BlockSpec((1, D), lambda i: (0, 0))
_spec_bc = pl.BlockSpec((NV, 1), lambda i: (0, 0))
_spec_t = pl.BlockSpec((RB, NV), lambda i: (i, 0))
_spec_tcol = pl.BlockSpec((NV, CB), lambda i: (0, i))
_out_rows = jax.ShapeDtypeStruct((N, D), jnp.float32)
_out_t = jax.ShapeDtypeStruct((N, NV), jnp.float32)
_out_cols = jax.ShapeDtypeStruct((NV, DEG_PAD), jnp.float32)


def kernel(x, edge_index, W1, b1, W2, b2):
    ei = edge_index.reshape(2, NW, NCH, CH)
    zrow = jnp.zeros((DPS,), jnp.float32)
    ones = jnp.ones((CH,), jnp.float32)
    zblk = jnp.zeros((ZR, D), jnp.float32)
    b1r = b1.reshape(1, D)
    b2c = b2.reshape(NV, 1)

    degp = _deg_kernel()(ei, zrow, ones)
    degp3 = degp.reshape(NC, DEG_PAD, 1)

    h1p = pl.pallas_call(
        _mm_scale_body,
        grid=(_GRID,),
        in_specs=[_spec_rows, _spec_w, _spec_deg],
        out_specs=_spec_rows,
        out_shape=_out_rows,
    )(x, W1, degp3)

    aggp1 = _agg_kernel(D)(h1p, ei, zblk)

    t = pl.pallas_call(
        _epilogue1_body,
        grid=(_GRID,),
        in_specs=[_spec_pair, _spec_rows, _spec_deg, _spec_b, _spec_wn],
        out_specs=_spec_t,
        out_shape=_out_t,
    )(aggp1, h1p, degp3, b1r, W2)

    pad = DEG_PAD - N
    tcol = jnp.concatenate([jnp.pad(t[:, 0], (0, pad)),
                            jnp.pad(t[:, 1], (0, pad))])
    aggp2 = _aggn_kernel()(tcol, ei, zrow)
    aggp2 = aggp2.reshape(NC, NV, DEG_PAD)

    outc = pl.pallas_call(
        _epilogue2_body,
        grid=(_GRID2,),
        in_specs=[_spec_cpair, _spec_tcol, _spec_degr, _spec_bc],
        out_specs=_spec_tcol,
        out_shape=_out_cols,
    )(aggp2, tcol.reshape(NV, DEG_PAD), degp.reshape(NC, DEG_PAD), b2c)

    return outc[:, :N].T

# --- scband reference (transcript-rebuilt; emitter-appended) ---
"""Pipeline reference for scband-gnnclassifier-21088289423523 (READ-ONLY COPY).

The authoritative reference and input builder live on the scoring server;
editing this copy changes nothing except your own understanding.
"""

import jax, jax.numpy as jnp
import numpy as np

N = 10000
E = 320000
D_IN = 128
D_HID = 128
N_CLS = 2


def setup_inputs(seed: int = 0) -> dict:
    key = jax.random.key(seed)
    k1, k2, k3, k4 = jax.random.split(key, 4)
    x = jax.random.normal(k1, (N, D_IN), dtype=jnp.float32)
    edge_index = jax.random.randint(k2, (2, E), 0, N)
    W1 = jax.random.normal(k3, (D_IN, D_HID), dtype=jnp.float32) * (1.0 / np.sqrt(D_IN))
    b1 = jnp.zeros((D_HID,), dtype=jnp.float32)
    W2 = jax.random.normal(k4, (D_HID, N_CLS), dtype=jnp.float32) * (1.0 / np.sqrt(D_HID))
    b2 = jnp.zeros((N_CLS,), dtype=jnp.float32)
    return {"x": x, "edge_index": edge_index, "W1": W1, "b1": b1, "W2": W2, "b2": b2}


def gcn_conv(x, edge_index, W, b):
    # PyG GCNConv: add self-loops, symmetric D^{-1/2}(A+I)D^{-1/2} normalization,
    # linear transform, scatter-add aggregation at dst, then bias.
    n = x.shape[0]
    loop = jnp.arange(n, dtype=edge_index.dtype)
    src = jnp.concatenate([edge_index[0], loop])
    dst = jnp.concatenate([edge_index[1], loop])
    h = x @ W
    ones = jnp.ones(src.shape[0], dtype=h.dtype)
    deg = jax.ops.segment_sum(ones, dst, num_segments=n)
    deg_inv_sqrt = jnp.where(deg > 0, jax.lax.rsqrt(jnp.maximum(deg, 1e-12)), 0.0)
    norm = deg_inv_sqrt[src] * deg_inv_sqrt[dst]
    msgs = h[src] * norm[:, None]
    out = jax.ops.segment_sum(msgs, dst, num_segments=n)
    return out + b


def reference(x, edge_index, W1, b1, W2, b2):
    h = jax.nn.relu(gcn_conv(x, edge_index, W1, b1))
    return gcn_conv(h, edge_index, W2, b2)

if __name__ == "__main__":
    import jax
    _d = setup_inputs()
    print(jax.jit(kernel)(*tuple(_d.values())))

</pallas_src>

<mosaic_0001>
#map = affine_map<(d0, d1) -> (0, 0, 0, 0)>
#map1 = affine_map<(d0, d1) -> (0)>
module attributes {stable_mosaic.version = 14 : i64} {
  func.func @deg(%arg0: i32, %arg1: i32, %arg2: memref<2x32x80x125xi32, #tpu.memory_space<hbm>>, %arg3: memref<640xf32, #tpu.memory_space<hbm>>, %arg4: memref<125xf32, #tpu.memory_space<hbm>>, %arg5: memref<20480xf32, #tpu.memory_space<hbm>>, %arg6: memref<80x125xi32, #tpu.memory_space<vmem>>, %arg7: memref<125xf32, #tpu.memory_space<vmem>>, %arg8: memref<10240xf32, #tpu.memory_space<vmem_shared>>) attributes {dimension_semantics = [#tpu.dimension_semantics<core_parallel>, #tpu.dimension_semantics<subcore_parallel>], iteration_bounds = array<i64: 2, 16>, scalar_prefetch = 0 : i64, scratch_operands = 3 : i64, tpu.core_type = #tpu.core_type<sc_vector_subcore>, window_params = [{transform_indices = #map}, {transform_indices = #map1}, {transform_indices = #map1}, {transform_indices = #map1}]} {
    %mul3A = arith.constant 16 : i32
    %mul3A_0 = arith.muli %arg0, %mul3A : i32
    %add3A = arith.addi %mul3A_0, %arg1 : i32
    %run_scoped3A = arith.constant 1 : i32
    "tpu.region"() ({
      %run_scoped3A_15 = tpu.sem_alloc : memref<!tpu.dma_semaphore, #tpu.memory_space<semaphore_mem>>
      %dma_start3A = arith.constant 0 : i32
      %dma_start3A_16 = arith.constant 0 : i32
      %dma_start3A_17 = tpu.memref_slice %arg2[%run_scoped3A, %add3A, %dma_start3A, %dma_start3A_16] : memref<2x32x80x125xi32, #tpu.memory_space<hbm>> -> memref<1x1x80x125xi32, #tpu.memory_space<hbm>>
      %dma_start3A_18 = tpu.memref_squeeze %dma_start3A_17 : memref<1x1x80x125xi32, #tpu.memory_space<hbm>> -> memref<80x125xi32, #tpu.memory_space<hbm>>
      %dma_start3A_19 = arith.constant 0 : i32
      %dma_start3A_20 = arith.constant 0 : i32
      %dma_start3A_21 = tpu.memref_slice %arg2[%run_scoped3A, %add3A, %dma_start3A_19, %dma_start3A_20] : memref<2x32x80x125xi32, #tpu.memory_space<hbm>> -> memref<1x1x80x125xi32, #tpu.memory_space<hbm>>
      %dma_start3A_22 = tpu.memref_squeeze %dma_start3A_21 : memref<1x1x80x125xi32, #tpu.memory_space<hbm>> -> memref<80x125xi32, #tpu.memory_space<hbm>>
      tpu.enqueue_dma source(%dma_start3A_22 : memref<80x125xi32, #tpu.memory_space<hbm>>) target(%arg6 : memref<80x125xi32, #tpu.memory_space<vmem>>) target_semaphore(%run_scoped3A_15 : memref<!tpu.dma_semaphore, #tpu.memory_space<semaphore_mem>>)
      %dma_wait3A = arith.constant 0 : i32
      %dma_wait3A_23 = arith.constant 0 : i32
      %dma_wait3A_24 = tpu.memref_slice %arg2[%run_scoped3A, %add3A, %dma_wait3A, %dma_wait3A_23] : memref<2x32x80x125xi32, #tpu.memory_space<hbm>> -> memref<1x1x80x125xi32, #tpu.memory_space<hbm>>
      %dma_wait3A_25 = tpu.memref_squeeze %dma_wait3A_24 : memref<1x1x80x125xi32, #tpu.memory_space<hbm>> -> memref<80x125xi32, #tpu.memory_space<hbm>>
      %dma_wait3A_26 = arith.constant 0 : i32
      %dma_wait3A_27 = arith.constant 0 : i32
      %dma_wait3A_28 = tpu.memref_slice %arg2[%run_scoped3A, %add3A, %dma_wait3A_26, %dma_wait3A_27] : memref<2x32x80x125xi32, #tpu.memory_space<hbm>> -> memref<1x1x80x125xi32, #tpu.memory_space<hbm>>
      %dma_wait3A_29 = tpu.memref_squeeze %dma_wait3A_28 : memref<1x1x80x125xi32, #tpu.memory_space<hbm>> -> memref<80x125xi32, #tpu.memory_space<hbm>>
      tpu.wait_dma2 semaphore(%run_scoped3A_15 : memref<!tpu.dma_semaphore, #tpu.memory_space<semaphore_mem>>) src(%dma_wait3A_29 : memref<80x125xi32, #tpu.memory_space<hbm>>) dst(%arg6 : memref<80x125xi32, #tpu.memory_space<vmem>>)
      tpu.yield
    }) : () -> ()
    "tpu.region"() ({
      %run_scoped3A_15 = tpu.sem_alloc : memref<!tpu.dma_semaphore, #tpu.memory_space<semaphore_mem>>
      tpu.enqueue_dma source(%arg4 : memref<125xf32, #tpu.memory_space<hbm>>) target(%arg7 : memref<125xf32, #tpu.memory_space<vmem>>) target_semaphore(%run_scoped3A_15 : memref<!tpu.dma_semaphore, #tpu.memory_space<semaphore_mem>>)
      tpu.wait_dma2 semaphore(%run_scoped3A_15 : memref<!tpu.dma_semaphore, #tpu.memory_space<semaphore_mem>>) src(%arg4 : memref<125xf32, #tpu.memory_space<hbm>>) dst(%arg7 : memref<125xf32, #tpu.memory_space<vmem>>)
      tpu.yield
    }) : () -> ()
    %mul3A_1 = arith.constant 640 : i32
    %mul3A_2 = arith.muli %arg1, %mul3A_1 : i32
    "tpu.region"() ({
      %run_scoped3A_15 = tpu.sem_alloc : memref<!tpu.dma_semaphore, #tpu.memory_space<semaphore_mem>>
      %dma_start3A = tpu.memref_slice %arg8[%mul3A_2] : memref<10240xf32, #tpu.memory_space<vmem_shared>> -> memref<640xf32, #tpu.memory_space<vmem_shared>>
      tpu.enqueue_dma source(%arg3 : memref<640xf32, #tpu.memory_space<hbm>>) target(%dma_start3A : memref<640xf32, #tpu.memory_space<vmem_shared>>) target_semaphore(%run_scoped3A_15 : memref<!tpu.dma_semaphore, #tpu.memory_space<semaphore_mem>>)
      %dma_wait3A = tpu.memref_slice %arg8[%mul3A_2] : memref<10240xf32, #tpu.memory_space<vmem_shared>> -> memref<640xf32, #tpu.memory_space<vmem_shared>>
      tpu.wait_dma2 semaphore(%run_scoped3A_15 : memref<!tpu.dma_semaphore, #tpu.memory_space<semaphore_mem>>) src(%arg3 : memref<640xf32, #tpu.memory_space<hbm>>) dst(%dma_wait3A : memref<640xf32, #tpu.memory_space<vmem_shared>>)
      tpu.yield
    }) : () -> ()
    %barrier3A = arith.constant 0 : index
    tpu.barrier barrier_id(%barrier3A)
    %scan3A = arith.constant 0 : i32
    %scan3A_3 = arith.constant 80 : i32
    %scan3A_4 = arith.addi %scan3A, %scan3A_3 : i32
    %scan3A_5 = arith.constant 1 : i32
    scf.for %scan3A_15 = %scan3A to %scan3A_4 step %scan3A_5  : i32 {
      %mul3A_16 = arith.constant 1 : i32
      %mul3A_17 = arith.muli %scan3A_15, %mul3A_16 : i32
      %add3A_18 = arith.constant 0 : i32
      %add3A_19 = arith.addi %add3A_18, %mul3A_17 : i32
      "tpu.region"() ({
        %run_scoped3A_20 = tpu.sem_alloc : memref<!tpu.dma_semaphore, #tpu.memory_space<semaphore_mem>>
        %dma_start3A = arith.constant 0 : i32
        %dma_start3A_21 = tpu.memref_slice %arg6[%add3A_19, %dma_start3A] : memref<80x125xi32, #tpu.memory_space<vmem>> -> memref<1x125xi32, #tpu.memory_space<vmem>>
        %dma_start3A_22 = tpu.memref_squeeze %dma_start3A_21 : memref<1x125xi32, #tpu.memory_space<vmem>> -> memref<125xi32, #tpu.memory_space<vmem>>
        %dma_start3A_23 = arith.constant 0 : i32
        %dma_start3A_24 = tpu.memref_slice %arg8[%dma_start3A_23] : memref<10240xf32, #tpu.memory_space<vmem_shared>> -> memref<10240xf32, #tpu.memory_space<vmem_shared>>
        tpu.enqueue_indirect_dma source(%arg7 : memref<125xf32, #tpu.memory_space<vmem>>) target(%dma_start3A_24 : memref<10240xf32, #tpu.memory_space<vmem_shared>>) offsets(%dma_start3A_22 : memref<125xi32, #tpu.memory_space<vmem>>) semaphore(%run_scoped3A_20 : memref<!tpu.dma_semaphore, #tpu.memory_space<semaphore_mem>>) {add = true}
        %dma_wait3A = arith.constant 0 : i32
        %dma_wait3A_25 = tpu.memref_slice %arg6[%add3A_19, %dma_wait3A] : memref<80x125xi32, #tpu.memory_space<vmem>> -> memref<1x125xi32, #tpu.memory_space<vmem>>
        %dma_wait3A_26 = tpu.memref_squeeze %dma_wait3A_25 : memref<1x125xi32, #tpu.memory_space<vmem>> -> memref<125xi32, #tpu.memory_space<vmem>>
        %dma_wait3A_27 = arith.constant 0 : i32
        %dma_wait3A_28 = tpu.memref_slice %arg8[%dma_wait3A_27] : memref<10240xf32, #tpu.memory_space<vmem_shared>> -> memref<10240xf32, #tpu.memory_space<vmem_shared>>
        tpu.wait_indirect_dma semaphore(%run_scoped3A_20 : memref<!tpu.dma_semaphore, #tpu.memory_space<semaphore_mem>>) src(%arg7 : memref<125xf32, #tpu.memory_space<vmem>>) dst(%dma_wait3A_28 : memref<10240xf32, #tpu.memory_space<vmem_shared>>)
        tpu.yield
      }) : () -> ()
    }
    %scan3A_6 = arith.constant 80 : i32
    %barrier3A_7 = arith.constant 0 : index
    tpu.barrier barrier_id(%barrier3A_7)
    %mul3A_8 = arith.constant 640 : i32
    %mul3A_9 = arith.muli %arg1, %mul3A_8 : i32
    %mul3A_10 = arith.constant 10240 : i32
    %mul3A_11 = arith.muli %arg0, %mul3A_10 : i32
    %mul3A_12 = arith.constant 640 : i32
    %mul3A_13 = arith.muli %arg1, %mul3A_12 : i32
    %add3A_14 = arith.addi %mul3A_11, %mul3A_13 : i32
    "tpu.region"() ({
      %run_scoped3A_15 = tpu.sem_alloc : memref<!tpu.dma_semaphore, #tpu.memory_space<semaphore_mem>>
      %dma_start3A = tpu.memref_slice %arg5[%add3A_14] : memref<20480xf32, #tpu.memory_space<hbm>> -> memref<640xf32, #tpu.memory_space<hbm>>
      %dma_start3A_16 = tpu.memref_slice %arg8[%mul3A_9] : memref<10240xf32, #tpu.memory_space<vmem_shared>> -> memref<640xf32, #tpu.memory_space<vmem_shared>>
      tpu.enqueue_dma source(%dma_start3A_16 : memref<640xf32, #tpu.memory_space<vmem_shared>>) target(%dma_start3A : memref<640xf32, #tpu.memory_space<hbm>>) target_semaphore(%run_scoped3A_15 : memref<!tpu.dma_semaphore, #tpu.memory_space<semaphore_mem>>)
      %dma_wait3A = tpu.memref_slice %arg5[%add3A_14] : memref<20480xf32, #tpu.memory_space<hbm>> -> memref<640xf32, #tpu.memory_space<hbm>>
      %dma_wait3A_17 = tpu.memref_slice %arg8[%mul3A_9] : memref<10240xf32, #tpu.memory_space<vmem_shared>> -> memref<640xf32, #tpu.memory_space<vmem_shared>>
      tpu.wait_dma2 semaphore(%run_scoped3A_15 : memref<!tpu.dma_semaphore, #tpu.memory_space<semaphore_mem>>) src(%dma_wait3A_17 : memref<640xf32, #tpu.memory_space<vmem_shared>>) dst(%dma_wait3A : memref<640xf32, #tpu.memory_space<hbm>>)
      tpu.yield
    }) : () -> ()
    return
  }
}

#map = affine_map<(d0, d1) -> (0, 0)>
#map1 = affine_map<(d0, d1) -> (0, 0, 0, 0)>
#map2 = affine_map<(d0, d1) -> (0, 0, 0)>
module attributes {stable_mosaic.version = 14 : i64} {
  func.func @agg(%arg0: i32, %arg1: i32, %arg2: memref<10000x128xf32, #tpu.memory_space<hbm>>, %arg3: memref<2x32x80x125xi32, #tpu.memory_space<hbm>>, %arg4: memref<128x128xf32, #tpu.memory_space<hbm>>, %arg5: memref<2x10240x128xf32, #tpu.memory_space<hbm>>, %arg6: memref<2x125xi32, #tpu.memory_space<vmem>>, %arg7: memref<80x125xi32, #tpu.memory_space<vmem>>, %arg8: memref<2x125x128xf32, #tpu.memory_space<vmem>>, %arg9: memref<10240x128xf32, #tpu.memory_space<vmem_shared>>, %arg10: memref<!tpu.dma_semaphore, #tpu.memory_space<semaphore_mem>>, %arg11: memref<!tpu.dma_semaphore, #tpu.memory_space<semaphore_mem>>, %arg12: memref<!tpu.dma_semaphore, #tpu.memory_space<semaphore_mem>>, %arg13: memref<!tpu.dma_semaphore, #tpu.memory_space<semaphore_mem>>) attributes {dimension_semantics = [#tpu.dimension_semantics<core_parallel>, #tpu.dimension_semantics<subcore_parallel>], iteration_bounds = array<i64: 2, 16>, scalar_prefetch = 0 : i64, scratch_operands = 8 : i64, tpu.core_type = #tpu.core_type<sc_vector_subcore>, window_params = [{transform_indices = #map}, {transform_indices = #map1}, {transform_indices = #map}, {transform_indices = #map2}]} {
    %mul3A = arith.constant 16 : i32
    %mul3A_0 = arith.muli %arg0, %mul3A : i32
    %add3A = arith.addi %mul3A_0, %arg1 : i32
    %run_scoped3A = arith.constant 1 : i32
    "tpu.region"() ({
      %run_scoped3A_99 = tpu.sem_alloc : memref<!tpu.dma_semaphore, #tpu.memory_space<semaphore_mem>>
      %dma_start3A_100 = arith.constant 0 : i32
      %dma_start3A_101 = arith.constant 0 : i32
      %dma_start3A_102 = tpu.memref_slice %arg3[%run_scoped3A, %add3A, %dma_start3A_100, %dma_start3A_101] : memref<2x32x80x125xi32, #tpu.memory_space<hbm>> -> memref<1x1x80x125xi32, #tpu.memory_space<hbm>>
      %dma_start3A_103 = tpu.memref_squeeze %dma_start3A_102 : memref<1x1x80x125xi32, #tpu.memory_space<hbm>> -> memref<80x125xi32, #tpu.memory_space<hbm>>
      %dma_start3A_104 = arith.constant 0 : i32
      %dma_start3A_105 = arith.constant 0 : i32
      %dma_start3A_106 = tpu.memref_slice %arg3[%run_scoped3A, %add3A, %dma_start3A_104, %dma_start3A_105] : memref<2x32x80x125xi32, #tpu.memory_space<hbm>> -> memref<1x1x80x125xi32, #tpu.memory_space<hbm>>
      %dma_start3A_107 = tpu.memref_squeeze %dma_start3A_106 : memref<1x1x80x125xi32, #tpu.memory_space<hbm>> -> memref<80x125xi32, #tpu.memory_space<hbm>>
      tpu.enqueue_dma source(%dma_start3A_107 : memref<80x125xi32, #tpu.memory_space<hbm>>) target(%arg7 : memref<80x125xi32, #tpu.memory_space<vmem>>) target_semaphore(%run_scoped3A_99 : memref<!tpu.dma_semaphore, #tpu.memory_space<semaphore_mem>>)
      %dma_wait3A_108 = arith.constant 0 : i32
      %dma_wait3A_109 = arith.constant 0 : i32
      %dma_wait3A_110 = tpu.memref_slice %arg3[%run_scoped3A, %add3A, %dma_wait3A_108, %dma_wait3A_109] : memref<2x32x80x125xi32, #tpu.memory_space<hbm>> -> memref<1x1x80x125xi32, #tpu.memory_space<hbm>>
      %dma_wait3A_111 = tpu.memref_squeeze %dma_wait3A_110 : memref<1x1x80x125xi32, #tpu.memory_space<hbm>> -> memref<80x125xi32, #tpu.memory_space<hbm>>
      %dma_wait3A_112 = arith.constant 0 : i32
      %dma_wait3A_113 = arith.constant 0 : i32
      %dma_wait3A_114 = tpu.memref_slice %arg3[%run_scoped3A, %add3A, %dma_wait3A_112, %dma_wait3A_113] : memref<2x32x80x125xi32, #tpu.memory_space<hbm>> -> memref<1x1x80x125xi32, #tpu.memory_space<hbm>>
      %dma_wait3A_115 = tpu.memref_squeeze %dma_wait3A_114 : memref<1x1x80x125xi32, #tpu.memory_space<hbm>> -> memref<80x125xi32, #tpu.memory_space<hbm>>
      tpu.wait_dma2 semaphore(%run_scoped3A_99 : memref<!tpu.dma_semaphore, #tpu.memory_space<semaphore_mem>>) src(%dma_wait3A_115 : memref<80x125xi32, #tpu.memory_space<hbm>>) dst(%arg7 : memref<80x125xi32, #tpu.memory_space<vmem>>)
      tpu.yield
    }) : () -> ()
    %run_scoped3A_1 = arith.constant 0 : i32
    %run_scoped3A_2 = arith.constant 0 : i32
    %run_scoped3A_3 = arith.constant 0 : i32
    "tpu.region"() ({
      %run_scoped3A_99 = tpu.sem_alloc : memref<!tpu.dma_semaphore, #tpu.memory_space<semaphore_mem>>
      %dma_start3A_100 = arith.constant 0 : i32
      %dma_start3A_101 = tpu.memref_slice %arg6[%run_scoped3A_3, %dma_start3A_100] : memref<2x125xi32, #tpu.memory_space<vmem>> -> memref<1x125xi32, #tpu.memory_space<vmem>>
      %dma_start3A_102 = tpu.memref_squeeze %dma_start3A_101 : memref<1x125xi32, #tpu.memory_space<vmem>> -> memref<125xi32, #tpu.memory_space<vmem>>
      %dma_start3A_103 = arith.constant 0 : i32
      %dma_start3A_104 = tpu.memref_slice %arg3[%run_scoped3A_1, %add3A, %run_scoped3A_2, %dma_start3A_103] : memref<2x32x80x125xi32, #tpu.memory_space<hbm>> -> memref<1x1x1x125xi32, #tpu.memory_space<hbm>>
      %dma_start3A_105 = tpu.memref_squeeze %dma_start3A_104 : memref<1x1x1x125xi32, #tpu.memory_space<hbm>> -> memref<125xi32, #tpu.memory_space<hbm>>
      %dma_start3A_106 = arith.constant 0 : i32
      %dma_start3A_107 = tpu.memref_slice %arg6[%run_scoped3A_3, %dma_start3A_106] : memref<2x125xi32, #tpu.memory_space<vmem>> -> memref<1x125xi32, #tpu.memory_space<vmem>>
      %dma_start3A_108 = tpu.memref_squeeze %dma_start3A_107 : memref<1x125xi32, #tpu.memory_space<vmem>> -> memref<125xi32, #tpu.memory_space<vmem>>
      %dma_start3A_109 = arith.constant 0 : i32
      %dma_start3A_110 = tpu.memref_slice %arg3[%run_scoped3A_1, %add3A, %run_scoped3A_2, %dma_start3A_109] : memref<2x32x80x125xi32, #tpu.memory_space<hbm>> -> memref<1x1x1x125xi32, #tpu.memory_space<hbm>>
      %dma_start3A_111 = tpu.memref_squeeze %dma_start3A_110 : memref<1x1x1x125xi32, #tpu.memory_space<hbm>> -> memref<125xi32, #tpu.memory_space<hbm>>
      tpu.enqueue_dma source(%dma_start3A_111 : memref<125xi32, #tpu.memory_space<hbm>>) target(%dma_start3A_108 : memref<125xi32, #tpu.memory_space<vmem>>) target_semaphore(%run_scoped3A_99 : memref<!tpu.dma_semaphore, #tpu.memory_space<semaphore_mem>>)
      %dma_wait3A_112 = arith.constant 0 : i32
      %dma_wait3A_113 = tpu.memref_slice %arg6[%run_scoped3A_3, %dma_wait3A_112] : memref<2x125xi32, #tpu.memory_space<vmem>> -> memref<1x125xi32, #tpu.memory_space<vmem>>
      %dma_wait3A_114 = tpu.memref_squeeze %dma_wait3A_113 : memref<1x125xi32, #tpu.memory_space<vmem>> -> memref<125xi32, #tpu.memory_space<vmem>>
      %dma_wait3A_115 = arith.constant 0 : i32
      %dma_wait3A_116 = tpu.memref_slice %arg3[%run_scoped3A_1, %add3A, %run_scoped3A_2, %dma_wait3A_115] : memref<2x32x80x125xi32, #tpu.memory_space<hbm>> -> memref<1x1x1x125xi32, #tpu.memory_space<hbm>>
      %dma_wait3A_117 = tpu.memref_squeeze %dma_wait3A_116 : memref<1x1x1x125xi32, #tpu.memory_space<hbm>> -> memref<125xi32, #tpu.memory_space<hbm>>
      %dma_wait3A_118 = arith.constant 0 : i32
      %dma_wait3A_119 = tpu.memref_slice %arg6[%run_scoped3A_3, %dma_wait3A_118] : memref<2x125xi32, #tpu.memory_space<vmem>> -> memref<1x125xi32, #tpu.memory_space<vmem>>
      %dma_wait3A_120 = tpu.memref_squeeze %dma_wait3A_119 : memref<1x125xi32, #tpu.memory_space<vmem>> -> memref<125xi32, #tpu.memory_space<vmem>>
      %dma_wait3A_121 = arith.constant 0 : i32
      %dma_wait3A_122 = tpu.memref_slice %arg3[%run_scoped3A_1, %add3A, %run_scoped3A_2, %dma_wait3A_121] : memref<2x32x80x125xi32, #tpu.memory_space<hbm>> -> memref<1x1x1x125xi32, #tpu.memory_space<hbm>>
      %dma_wait3A_123 = tpu.memref_squeeze %dma_wait3A_122 : memref<1x1x1x125xi32, #tpu.memory_space<hbm>> -> memref<125xi32, #tpu.memory_space<hbm>>
      tpu.wait_dma2 semaphore(%run_scoped3A_99 : memref<!tpu.dma_semaphore, #tpu.memory_space<semaphore_mem>>) src(%dma_wait3A_123 : memref<125xi32, #tpu.memory_space<hbm>>) dst(%dma_wait3A_120 : memref<125xi32, #tpu.memory_space<vmem>>)
      tpu.yield
    }) : () -> ()
    %dma_start3A = arith.constant 0 : i32
    %dma_start3A_4 = arith.constant 1 : i32
    %dma_start3A_5 = arith.constant 1 : i32
    %dma_start3A_6 = arith.constant 0 : i32
    %dma_start3A_7 = tpu.memref_slice %arg6[%dma_start3A_5, %dma_start3A_6] : memref<2x125xi32, #tpu.memory_space<vmem>> -> memref<1x125xi32, #tpu.memory_space<vmem>>
    %dma_start3A_8 = tpu.memref_squeeze %dma_start3A_7 : memref<1x125xi32, #tpu.memory_space<vmem>> -> memref<125xi32, #tpu.memory_space<vmem>>
    %dma_start3A_9 = arith.constant 0 : i32
    %dma_start3A_10 = tpu.memref_slice %arg3[%dma_start3A, %add3A, %dma_start3A_4, %dma_start3A_9] : memref<2x32x80x125xi32, #tpu.memory_space<hbm>> -> memref<1x1x1x125xi32, #tpu.memory_space<hbm>>
    %dma_start3A_11 = tpu.memref_squeeze %dma_start3A_10 : memref<1x1x1x125xi32, #tpu.memory_space<hbm>> -> memref<125xi32, #tpu.memory_space<hbm>>
    %dma_start3A_12 = arith.constant 0 : i32
    %dma_start3A_13 = tpu.memref_slice %arg6[%dma_start3A_5, %dma_start3A_12] : memref<2x125xi32, #tpu.memory_space<vmem>> -> memref<1x125xi32, #tpu.memory_space<vmem>>
    %dma_start3A_14 = tpu.memref_squeeze %dma_start3A_13 : memref<1x125xi32, #tpu.memory_space<vmem>> -> memref<125xi32, #tpu.memory_space<vmem>>
    %dma_start3A_15 = arith.constant 0 : i32
    %dma_start3A_16 = tpu.memref_slice %arg3[%dma_start3A, %add3A, %dma_start3A_4, %dma_start3A_15] : memref<2x32x80x125xi32, #tpu.memory_space<hbm>> -> memref<1x1x1x125xi32, #tpu.memory_space<hbm>>
    %dma_start3A_17 = tpu.memref_squeeze %dma_start3A_16 : memref<1x1x1x125xi32, #tpu.memory_space<hbm>> -> memref<125xi32, #tpu.memory_space<hbm>>
    tpu.enqueue_dma source(%dma_start3A_17 : memref<125xi32, #tpu.memory_space<hbm>>) target(%dma_start3A_14 : memref<125xi32, #tpu.memory_space<vmem>>) target_semaphore(%arg13 : memref<!tpu.dma_semaphore, #tpu.memory_space<semaphore_mem>>)
    %dma_start3A_18 = arith.constant 0 : i32
    %dma_start3A_19 = arith.constant 0 : i32
    %dma_start3A_20 = arith.constant 0 : i32
    %dma_start3A_21 = arith.constant 0 : i32
    %dma_start3A_22 = tpu.memref_slice %arg8[%dma_start3A_19, %dma_start3A_20, %dma_start3A_21] : memref<2x125x128xf32, #tpu.memory_space<vmem>> -> memref<1x125x128xf32, #tpu.memory_space<vmem>>
    %dma_start3A_23 = tpu.memref_squeeze %dma_start3A_22 : memref<1x125x128xf32, #tpu.memory_space<vmem>> -> memref<125x128xf32, #tpu.memory_space<vmem>>
    %dma_start3A_24 = arith.constant 0 : i32
    %dma_start3A_25 = tpu.memref_slice %arg6[%dma_start3A_18, %dma_start3A_24] : memref<2x125xi32, #tpu.memory_space<vmem>> -> memref<1x125xi32, #tpu.memory_space<vmem>>
    %dma_start3A_26 = tpu.memref_squeeze %dma_start3A_25 : memref<1x125xi32, #tpu.memory_space<vmem>> -> memref<125xi32, #tpu.memory_space<vmem>>
    %dma_start3A_27 = arith.constant 0 : i32
    %dma_start3A_28 = arith.constant 0 : i32
    %dma_start3A_29 = tpu.memref_slice %arg2[%dma_start3A_27, %dma_start3A_28] : memref<10000x128xf32, #tpu.memory_space<hbm>> -> memref<10000x128xf32, #tpu.memory_space<hbm>>
    tpu.enqueue_indirect_dma source(%dma_start3A_29 : memref<10000x128xf32, #tpu.memory_space<hbm>>) target(%dma_start3A_23 : memref<125x128xf32, #tpu.memory_space<vmem>>) offsets(%dma_start3A_26 : memref<125xi32, #tpu.memory_space<vmem>>) semaphore(%arg10 : memref<!tpu.dma_semaphore, #tpu.memory_space<semaphore_mem>>)
    %scan3A = arith.constant 0 : i32
    %scan3A_30 = arith.constant 5 : i32
    %scan3A_31 = arith.addi %scan3A, %scan3A_30 : i32
    %scan3A_32 = arith.constant 1 : i32
    scf.for %scan3A_99 = %scan3A to %scan3A_31 step %scan3A_32  : i32 {
      %mul3A_100 = arith.constant 1 : i32
      %mul3A_101 = arith.muli %scan3A_99, %mul3A_100 : i32
      %add3A_102 = arith.constant 0 : i32
      %add3A_103 = arith.addi %add3A_102, %mul3A_101 : i32
      %mul3A_104 = arith.constant 640 : i32
      %mul3A_105 = arith.muli %arg1, %mul3A_104 : i32
      %mul3A_106 = arith.constant 128 : i32
      %mul3A_107 = arith.muli %add3A_103, %mul3A_106 : i32
      %add3A_108 = arith.addi %mul3A_105, %mul3A_107 : i32
      "tpu.region"() ({
        %run_scoped3A_109 = tpu.sem_alloc : memref<!tpu.dma_semaphore, #tpu.memory_space<semaphore_mem>>
        %dma_start3A_110 = arith.constant 0 : i32
        %dma_start3A_111 = tpu.memref_slice %arg9[%add3A_108, %dma_start3A_110] : memref<10240x128xf32, #tpu.memory_space<vmem_shared>> -> memref<128x128xf32, #tpu.memory_space<vmem_shared>>
        tpu.enqueue_dma source(%arg4 : memref<128x128xf32, #tpu.memory_space<hbm>>) target(%dma_start3A_111 : memref<128x128xf32, #tpu.memory_space<vmem_shared>>) target_semaphore(%run_scoped3A_109 : memref<!tpu.dma_semaphore, #tpu.memory_space<semaphore_mem>>)
        %dma_wait3A_112 = arith.constant 0 : i32
        %dma_wait3A_113 = tpu.memref_slice %arg9[%add3A_108, %dma_wait3A_112] : memref<10240x128xf32, #tpu.memory_space<vmem_shared>> -> memref<128x128xf32, #tpu.memory_space<vmem_shared>>
        tpu.wait_dma2 semaphore(%run_scoped3A_109 : memref<!tpu.dma_semaphore, #tpu.memory_space<semaphore_mem>>) src(%arg4 : memref<128x128xf32, #tpu.memory_space<hbm>>) dst(%dma_wait3A_113 : memref<128x128xf32, #tpu.memory_space<vmem_shared>>)
        tpu.yield
      }) : () -> ()
    }
    %scan3A_33 = arith.constant 5 : i32
    %barrier3A = arith.constant 0 : index
    tpu.barrier barrier_id(%barrier3A)
    %scan3A_34 = arith.constant 0 : i32
    %scan3A_35 = arith.constant 39 : i32
    %scan3A_36 = arith.addi %scan3A_34, %scan3A_35 : i32
    %scan3A_37 = arith.constant 1 : i32
    scf.for %scan3A_99 = %scan3A_34 to %scan3A_36 step %scan3A_37  : i32 {
      %mul3A_100 = arith.constant 1 : i32
      %mul3A_101 = arith.muli %scan3A_99, %mul3A_100 : i32
      %add3A_102 = arith.constant 0 : i32
      %add3A_103 = arith.addi %add3A_102, %mul3A_101 : i32
      %mul3A_104 = arith.constant 2 : i32
      %mul3A_105 = arith.muli %add3A_103, %mul3A_104 : i32
      %add3A_106 = arith.constant 0 : i32
      %add3A_107 = arith.addi %mul3A_105, %add3A_106 : i32
      %dma_wait3A_108 = arith.constant 0 : i32
      %dma_wait3A_109 = arith.constant 0 : i32
      %dma_wait3A_110 = arith.constant 0 : i32
      %dma_wait3A_111 = arith.constant 0 : i32
      %dma_wait3A_112 = tpu.memref_slice %arg8[%dma_wait3A_109, %dma_wait3A_110, %dma_wait3A_111] : memref<2x125x128xf32, #tpu.memory_space<vmem>> -> memref<1x125x128xf32, #tpu.memory_space<vmem>>
      %dma_wait3A_113 = tpu.memref_squeeze %dma_wait3A_112 : memref<1x125x128xf32, #tpu.memory_space<vmem>> -> memref<125x128xf32, #tpu.memory_space<vmem>>
      %dma_wait3A_114 = arith.constant 0 : i32
      %dma_wait3A_115 = tpu.memref_slice %arg6[%dma_wait3A_108, %dma_wait3A_114] : memref<2x125xi32, #tpu.memory_space<vmem>> -> memref<1x125xi32, #tpu.memory_space<vmem>>
      %dma_wait3A_116 = tpu.memref_squeeze %dma_wait3A_115 : memref<1x125xi32, #tpu.memory_space<vmem>> -> memref<125xi32, #tpu.memory_space<vmem>>
      %dma_wait3A_117 = arith.constant 0 : i32
      %dma_wait3A_118 = arith.constant 0 : i32
      %dma_wait3A_119 = tpu.memref_slice %arg2[%dma_wait3A_117, %dma_wait3A_118] : memref<10000x128xf32, #tpu.memory_space<hbm>> -> memref<10000x128xf32, #tpu.memory_space<hbm>>
      tpu.wait_indirect_dma semaphore(%arg10 : memref<!tpu.dma_semaphore, #tpu.memory_space<semaphore_mem>>) src(%dma_wait3A_119 : memref<10000x128xf32, #tpu.memory_space<hbm>>) dst(%dma_wait3A_113 : memref<125x128xf32, #tpu.memory_space<vmem>>)
      %dma_wait3A_120 = arith.constant 0 : i32
      %dma_wait3A_121 = arith.constant 0 : i32
      %dma_wait3A_122 = arith.constant 1 : i32
      %dma_wait3A_123 = arith.constant 0 : i32
      %dma_wait3A_124 = tpu.memref_slice %arg6[%dma_wait3A_122, %dma_wait3A_123] : memref<2x125xi32, #tpu.memory_space<vmem>> -> memref<1x125xi32, #tpu.memory_space<vmem>>
      %dma_wait3A_125 = tpu.memref_squeeze %dma_wait3A_124 : memref<1x125xi32, #tpu.memory_space<vmem>> -> memref<125xi32, #tpu.memory_space<vmem>>
      %dma_wait3A_126 = arith.constant 0 : i32
      %dma_wait3A_127 = tpu.memref_slice %arg3[%dma_wait3A_120, %add3A, %dma_wait3A_121, %dma_wait3A_126] : memref<2x32x80x125xi32, #tpu.memory_space<hbm>> -> memref<1x1x1x125xi32, #tpu.memory_space<hbm>>
      %dma_wait3A_128 = tpu.memref_squeeze %dma_wait3A_127 : memref<1x1x1x125xi32, #tpu.memory_space<hbm>> -> memref<125xi32, #tpu.memory_space<hbm>>
      %dma_wait3A_129 = arith.constant 0 : i32
      %dma_wait3A_130 = tpu.memref_slice %arg6[%dma_wait3A_122, %dma_wait3A_129] : memref<2x125xi32, #tpu.memory_space<vmem>> -> memref<1x125xi32, #tpu.memory_space<vmem>>
      %dma_wait3A_131 = tpu.memref_squeeze %dma_wait3A_130 : memref<1x125xi32, #tpu.memory_space<vmem>> -> memref<125xi32, #tpu.memory_space<vmem>>
      %dma_wait3A_132 = arith.constant 0 : i32
      %dma_wait3A_133 = tpu.memref_slice %arg3[%dma_wait3A_120, %add3A, %dma_wait3A_121, %dma_wait3A_132] : memref<2x32x80x125xi32, #tpu.memory_space<hbm>> -> memref<1x1x1x125xi32, #tpu.memory_space<hbm>>
      %dma_wait3A_134 = tpu.memref_squeeze %dma_wait3A_133 : memref<1x1x1x125xi32, #tpu.memory_space<hbm>> -> memref<125xi32, #tpu.memory_space<hbm>>
      tpu.wait_dma2 semaphore(%arg13 : memref<!tpu.dma_semaphore, #tpu.memory_space<semaphore_mem>>) src(%dma_wait3A_134 : memref<125xi32, #tpu.memory_space<hbm>>) dst(%dma_wait3A_131 : memref<125xi32, #tpu.memory_space<vmem>>)
      %dma_start3A_135 = arith.constant 1 : i32
      %dma_start3A_136 = arith.constant 1 : i32
      %dma_start3A_137 = arith.constant 0 : i32
      %dma_start3A_138 = arith.constant 0 : i32
      %dma_start3A_139 = tpu.memref_slice %arg8[%dma_start3A_136, %dma_start3A_137, %dma_start3A_138] : memref<2x125x128xf32, #tpu.memory_space<vmem>> -> memref<1x125x128xf32, #tpu.memory_space<vmem>>
      %dma_start3A_140 = tpu.memref_squeeze %dma_start3A_139 : memref<1x125x128xf32, #tpu.memory_space<vmem>> -> memref<125x128xf32, #tpu.memory_space<vmem>>
      %dma_start3A_141 = arith.constant 0 : i32
      %dma_start3A_142 = tpu.memref_slice %arg6[%dma_start3A_135, %dma_start3A_141] : memref<2x125xi32, #tpu.memory_space<vmem>> -> memref<1x125xi32, #tpu.memory_space<vmem>>
      %dma_start3A_143 = tpu.memref_squeeze %dma_start3A_142 : memref<1x125xi32, #tpu.memory_space<vmem>> -> memref<125xi32, #tpu.memory_space<vmem>>
      %dma_start3A_144 = arith.constant 0 : i32
      %dma_start3A_145 = arith.constant 0 : i32
      %dma_start3A_146 = tpu.memref_slice %arg2[%dma_start3A_144, %dma_start3A_145] : memref<10000x128xf32, #tpu.memory_space<hbm>> -> memref<10000x128xf32, #tpu.memory_space<hbm>>
      tpu.enqueue_indirect_dma source(%dma_start3A_146 : memref<10000x128xf32, #tpu.memory_space<hbm>>) target(%dma_start3A_140 : memref<125x128xf32, #tpu.memory_space<vmem>>) offsets(%dma_start3A_143 : memref<125xi32, #tpu.memory_space<vmem>>) semaphore(%arg11 : memref<!tpu.dma_semaphore, #tpu.memory_space<semaphore_mem>>)
      %run_scoped3A_147 = arith.constant 0 : i32
      "tpu.region"() ({
        %run_scoped3A_224 = tpu.sem_alloc : memref<!tpu.dma_semaphore, #tpu.memory_space<semaphore_mem>>
        %dma_start3A_225 = arith.constant 0 : i32
        %dma_start3A_226 = arith.constant 0 : i32
        %dma_start3A_227 = tpu.memref_slice %arg8[%run_scoped3A_147, %dma_start3A_225, %dma_start3A_226] : memref<2x125x128xf32, #tpu.memory_space<vmem>> -> memref<1x125x128xf32, #tpu.memory_space<vmem>>
        %dma_start3A_228 = tpu.memref_squeeze %dma_start3A_227 : memref<1x125x128xf32, #tpu.memory_space<vmem>> -> memref<125x128xf32, #tpu.memory_space<vmem>>
        %dma_start3A_229 = arith.constant 0 : i32
        %dma_start3A_230 = tpu.memref_slice %arg7[%add3A_107, %dma_start3A_229] : memref<80x125xi32, #tpu.memory_space<vmem>> -> memref<1x125xi32, #tpu.memory_space<vmem>>
        %dma_start3A_231 = tpu.memref_squeeze %dma_start3A_230 : memref<1x125xi32, #tpu.memory_space<vmem>> -> memref<125xi32, #tpu.memory_space<vmem>>
        %dma_start3A_232 = arith.constant 0 : i32
        %dma_start3A_233 = arith.constant 0 : i32
        %dma_start3A_234 = tpu.memref_slice %arg9[%dma_start3A_232, %dma_start3A_233] : memref<10240x128xf32, #tpu.memory_space<vmem_shared>> -> memref<10240x128xf32, #tpu.memory_space<vmem_shared>>
        tpu.enqueue_indirect_dma source(%dma_start3A_228 : memref<125x128xf32, #tpu.memory_space<vmem>>) target(%dma_start3A_234 : memref<10240x128xf32, #tpu.memory_space<vmem_shared>>) offsets(%dma_start3A_231 : memref<125xi32, #tpu.memory_space<vmem>>) semaphore(%run_scoped3A_224 : memref<!tpu.dma_semaphore, #tpu.memory_space<semaphore_mem>>) {add = true}
        %dma_wait3A_235 = arith.constant 0 : i32
        %dma_wait3A_236 = arith.constant 0 : i32
        %dma_wait3A_237 = tpu.memref_slice %arg8[%run_scoped3A_147, %dma_wait3A_235, %dma_wait3A_236] : memref<2x125x128xf32, #tpu.memory_space<vmem>> -> memref<1x125x128xf32, #tpu.memory_space<vmem>>
        %dma_wait3A_238 = tpu.memref_squeeze %dma_wait3A_237 : memref<1x125x128xf32, #tpu.memory_space<vmem>> -> memref<125x128xf32, #tpu.memory_space<vmem>>
        %dma_wait3A_239 = arith.constant 0 : i32
        %dma_wait3A_240 = tpu.memref_slice %arg7[%add3A_107, %dma_wait3A_239] : memref<80x125xi32, #tpu.memory_space<vmem>> -> memref<1x125xi32, #tpu.memory_space<vmem>>
        %dma_wait3A_241 = tpu.memref_squeeze %dma_wait3A_240 : memref<1x125xi32, #tpu.memory_space<vmem>> -> memref<125xi32, #tpu.memory_space<vmem>>
        %dma_wait3A_242 = arith.constant 0 : i32
        %dma_wait3A_243 = arith.constant 0 : i32
        %dma_wait3A_244 = tpu.memref_slice %arg9[%dma_wait3A_242, %dma_wait3A_243] : memref<10240x128xf32, #tpu.memory_space<vmem_shared>> -> memref<10240x128xf32, #tpu.memory_space<vmem_shared>>
        tpu.wait_indirect_dma semaphore(%run_scoped3A_224 : memref<!tpu.dma_semaphore, #tpu.memory_space<semaphore_mem>>) src(%dma_wait3A_238 : memref<125x128xf32, #tpu.memory_space<vmem>>) dst(%dma_wait3A_244 : memref<10240x128xf32, #tpu.memory_space<vmem_shared>>)
        tpu.yield
      }) : () -> ()
      %add3A_148 = arith.constant 2 : i32
      %add3A_149 = arith.addi %add3A_107, %add3A_148 : i32
      %dma_start3A_150 = arith.constant 0 : i32
      %dma_start3A_151 = arith.constant 0 : i32
      %dma_start3A_152 = arith.constant 0 : i32
      %dma_start3A_153 = tpu.memref_slice %arg6[%dma_start3A_151, %dma_start3A_152] : memref<2x125xi32, #tpu.memory_space<vmem>> -> memref<1x125xi32, #tpu.memory_space<vmem>>
      %dma_start3A_154 = tpu.memref_squeeze %dma_start3A_153 : memref<1x125xi32, #tpu.memory_space<vmem>> -> memref<125xi32, #tpu.memory_space<vmem>>
      %dma_start3A_155 = arith.constant 0 : i32
      %dma_start3A_156 = tpu.memref_slice %arg3[%dma_start3A_150, %add3A, %add3A_149, %dma_start3A_155] : memref<2x32x80x125xi32, #tpu.memory_space<hbm>> -> memref<1x1x1x125xi32, #tpu.memory_space<hbm>>
      %dma_start3A_157 = tpu.memref_squeeze %dma_start3A_156 : memref<1x1x1x125xi32, #tpu.memory_space<hbm>> -> memref<125xi32, #tpu.memory_space<hbm>>
      %dma_start3A_158 = arith.constant 0 : i32
      %dma_start3A_159 = tpu.memref_slice %arg6[%dma_start3A_151, %dma_start3A_158] : memref<2x125xi32, #tpu.memory_space<vmem>> -> memref<1x125xi32, #tpu.memory_space<vmem>>
      %dma_start3A_160 = tpu.memref_squeeze %dma_start3A_159 : memref<1x125xi32, #tpu.memory_space<vmem>> -> memref<125xi32, #tpu.memory_space<vmem>>
      %dma_start3A_161 = arith.constant 0 : i32
      %dma_start3A_162 = tpu.memref_slice %arg3[%dma_start3A_150, %add3A, %add3A_149, %dma_start3A_161] : memref<2x32x80x125xi32, #tpu.memory_space<hbm>> -> memref<1x1x1x125xi32, #tpu.memory_space<hbm>>
      %dma_start3A_163 = tpu.memref_squeeze %dma_start3A_162 : memref<1x1x1x125xi32, #tpu.memory_space<hbm>> -> memref<125xi32, #tpu.memory_space<hbm>>
      tpu.enqueue_dma source(%dma_start3A_163 : memref<125xi32, #tpu.memory_space<hbm>>) target(%dma_start3A_160 : memref<125xi32, #tpu.memory_space<vmem>>) target_semaphore(%arg12 : memref<!tpu.dma_semaphore, #tpu.memory_space<semaphore_mem>>)
      %mul3A_164 = arith.constant 2 : i32
      %mul3A_165 = arith.muli %add3A_103, %mul3A_164 : i32
      %add3A_166 = arith.constant 1 : i32
      %add3A_167 = arith.addi %mul3A_165, %add3A_166 : i32
      %dma_wait3A_168 = arith.constant 1 : i32
      %dma_wait3A_169 = arith.constant 1 : i32
      %dma_wait3A_170 = arith.constant 0 : i32
      %dma_wait3A_171 = arith.constant 0 : i32
      %dma_wait3A_172 = tpu.memref_slice %arg8[%dma_wait3A_169, %dma_wait3A_170, %dma_wait3A_171] : memref<2x125x128xf32, #tpu.memory_space<vmem>> -> memref<1x125x128xf32, #tpu.memory_space<vmem>>
      %dma_wait3A_173 = tpu.memref_squeeze %dma_wait3A_172 : memref<1x125x128xf32, #tpu.memory_space<vmem>> -> memref<125x128xf32, #tpu.memory_space<vmem>>
      %dma_wait3A_174 = arith.constant 0 : i32
      %dma_wait3A_175 = tpu.memref_slice %arg6[%dma_wait3A_168, %dma_wait3A_174] : memref<2x125xi32, #tpu.memory_space<vmem>> -> memref<1x125xi32, #tpu.memory_space<vmem>>
      %dma_wait3A_176 = tpu.memref_squeeze %dma_wait3A_175 : memref<1x125xi32, #tpu.memory_space<vmem>> -> memref<125xi32, #tpu.memory_space<vmem>>
      %dma_wait3A_177 = arith.constant 0 : i32
      %dma_wait3A_178 = arith.constant 0 : i32
      %dma_wait3A_179 = tpu.memref_slice %arg2[%dma_wait3A_177, %dma_wait3A_178] : memref<10000x128xf32, #tpu.memory_space<hbm>> -> memref<10000x128xf32, #tpu.memory_space<hbm>>
      tpu.wait_indirect_dma semaphore(%arg11 : memref<!tpu.dma_semaphore, #tpu.memory_space<semaphore_mem>>) src(%dma_wait3A_179 : memref<10000x128xf32, #tpu.memory_space<hbm>>) dst(%dma_wait3A_173 : memref<125x128xf32, #tpu.memory_space<vmem>>)
      %dma_wait3A_180 = arith.constant 0 : i32
      %dma_wait3A_181 = arith.constant 0 : i32
      %dma_wait3A_182 = arith.constant 0 : i32
      %dma_wait3A_183 = arith.constant 0 : i32
      %dma_wait3A_184 = tpu.memref_slice %arg6[%dma_wait3A_182, %dma_wait3A_183] : memref<2x125xi32, #tpu.memory_space<vmem>> -> memref<1x125xi32, #tpu.memory_space<vmem>>
      %dma_wait3A_185 = tpu.memref_squeeze %dma_wait3A_184 : memref<1x125xi32, #tpu.memory_space<vmem>> -> memref<125xi32, #tpu.memory_space<vmem>>
      %dma_wait3A_186 = arith.constant 0 : i32
      %dma_wait3A_187 = tpu.memref_slice %arg3[%dma_wait3A_180, %add3A, %dma_wait3A_181, %dma_wait3A_186] : memref<2x32x80x125xi32, #tpu.memory_space<hbm>> -> memref<1x1x1x125xi32, #tpu.memory_space<hbm>>
      %dma_wait3A_188 = tpu.memref_squeeze %dma_wait3A_187 : memref<1x1x1x125xi32, #tpu.memory_space<hbm>> -> memref<125xi32, #tpu.memory_space<hbm>>
      %dma_wait3A_189 = arith.constant 0 : i32
      %dma_wait3A_190 = tpu.memref_slice %arg6[%dma_wait3A_182, %dma_wait3A_189] : memref<2x125xi32, #tpu.memory_space<vmem>> -> memref<1x125xi32, #tpu.memory_space<vmem>>
      %dma_wait3A_191 = tpu.memref_squeeze %dma_wait3A_190 : memref<1x125xi32, #tpu.memory_space<vmem>> -> memref<125xi32, #tpu.memory_space<vmem>>
      %dma_wait3A_192 = arith.constant 0 : i32
      %dma_wait3A_193 = tpu.memref_slice %arg3[%dma_wait3A_180, %add3A, %dma_wait3A_181, %dma_wait3A_192] : memref<2x32x80x125xi32, #tpu.memory_space<hbm>> -> memref<1x1x1x125xi32, #tpu.memory_space<hbm>>
      %dma_wait3A_194 = tpu.memref_squeeze %dma_wait3A_193 : memref<1x1x1x125xi32, #tpu.memory_space<hbm>> -> memref<125xi32, #tpu.memory_space<hbm>>
      tpu.wait_dma2 semaphore(%arg12 : memref<!tpu.dma_semaphore, #tpu.memory_space<semaphore_mem>>) src(%dma_wait3A_194 : memref<125xi32, #tpu.memory_space<hbm>>) dst(%dma_wait3A_191 : memref<125xi32, #tpu.memory_space<vmem>>)
      %dma_start3A_195 = arith.constant 0 : i32
      %dma_start3A_196 = arith.constant 0 : i32
      %dma_start3A_197 = arith.constant 0 : i32
      %dma_start3A_198 = arith.constant 0 : i32
      %dma_start3A_199 = tpu.memref_slice %arg8[%dma_start3A_196, %dma_start3A_197, %dma_start3A_198] : memref<2x125x128xf32, #tpu.memory_space<vmem>> -> memref<1x125x128xf32, #tpu.memory_space<vmem>>
      %dma_start3A_200 = tpu.memref_squeeze %dma_start3A_199 : memref<1x125x128xf32, #tpu.memory_space<vmem>> -> memref<125x128xf32, #tpu.memory_space<vmem>>
      %dma_start3A_201 = arith.constant 0 : i32
      %dma_start3A_202 = tpu.memref_slice %arg6[%dma_start3A_195, %dma_start3A_201] : memref<2x125xi32, #tpu.memory_space<vmem>> -> memref<1x125xi32, #tpu.memory_space<vmem>>
      %dma_start3A_203 = tpu.memref_squeeze %dma_start3A_202 : memref<1x125xi32, #tpu.memory_space<vmem>> -> memref<125xi32, #tpu.memory_space<vmem>>
      %dma_start3A_204 = arith.constant 0 : i32
      %dma_start3A_205 = arith.constant 0 : i32
      %dma_start3A_206 = tpu.memref_slice %arg2[%dma_start3A_204, %dma_start3A_205] : memref<10000x128xf32, #tpu.memory_space<hbm>> -> memref<10000x128xf32, #tpu.memory_space<hbm>>
      tpu.enqueue_indirect_dma source(%dma_start3A_206 : memref<10000x128xf32, #tpu.memory_space<hbm>>) target(%dma_start3A_200 : memref<125x128xf32, #tpu.memory_space<vmem>>) offsets(%dma_start3A_203 : memref<125xi32, #tpu.memory_space<vmem>>) semaphore(%arg10 : memref<!tpu.dma_semaphore, #tpu.memory_space<semaphore_mem>>)
      %run_scoped3A_207 = arith.constant 1 : i32
      "tpu.region"() ({
        %run_scoped3A_224 = tpu.sem_alloc : memref<!tpu.dma_semaphore, #tpu.memory_space<semaphore_mem>>
        %dma_start3A_225 = arith.constant 0 : i32
        %dma_start3A_226 = arith.constant 0 : i32
        %dma_start3A_227 = tpu.memref_slice %arg8[%run_scoped3A_207, %dma_start3A_225, %dma_start3A_226] : memref<2x125x128xf32, #tpu.memory_space<vmem>> -> memref<1x125x128xf32, #tpu.memory_space<vmem>>
        %dma_start3A_228 = tpu.memref_squeeze %dma_start3A_227 : memref<1x125x128xf32, #tpu.memory_space<vmem>> -> memref<125x128xf32, #tpu.memory_space<vmem>>
        %dma_start3A_229 = arith.constant 0 : i32
        %dma_start3A_230 = tpu.memref_slice %arg7[%add3A_167, %dma_start3A_229] : memref<80x125xi32, #tpu.memory_space<vmem>> -> memref<1x125xi32, #tpu.memory_space<vmem>>
        %dma_start3A_231 = tpu.memref_squeeze %dma_start3A_230 : memref<1x125xi32, #tpu.memory_space<vmem>> -> memref<125xi32, #tpu.memory_space<vmem>>
        %dma_start3A_232 = arith.constant 0 : i32
        %dma_start3A_233 = arith.constant 0 : i32
        %dma_start3A_234 = tpu.memref_slice %arg9[%dma_start3A_232, %dma_start3A_233] : memref<10240x128xf32, #tpu.memory_space<vmem_shared>> -> memref<10240x128xf32, #tpu.memory_space<vmem_shared>>
        tpu.enqueue_indirect_dma source(%dma_start3A_228 : memref<125x128xf32, #tpu.memory_space<vmem>>) target(%dma_start3A_234 : memref<10240x128xf32, #tpu.memory_space<vmem_shared>>) offsets(%dma_start3A_231 : memref<125xi32, #tpu.memory_space<vmem>>) semaphore(%run_scoped3A_224 : memref<!tpu.dma_semaphore, #tpu.memory_space<semaphore_mem>>) {add = true}
        %dma_wait3A_235 = arith.constant 0 : i32
        %dma_wait3A_236 = arith.constant 0 : i32
        %dma_wait3A_237 = tpu.memref_slice %arg8[%run_scoped3A_207, %dma_wait3A_235, %dma_wait3A_236] : memref<2x125x128xf32, #tpu.memory_space<vmem>> -> memref<1x125x128xf32, #tpu.memory_space<vmem>>
        %dma_wait3A_238 = tpu.memref_squeeze %dma_wait3A_237 : memref<1x125x128xf32, #tpu.memory_space<vmem>> -> memref<125x128xf32, #tpu.memory_space<vmem>>
        %dma_wait3A_239 = arith.constant 0 : i32
        %dma_wait3A_240 = tpu.memref_slice %arg7[%add3A_167, %dma_wait3A_239] : memref<80x125xi32, #tpu.memory_space<vmem>> -> memref<1x125xi32, #tpu.memory_space<vmem>>
        %dma_wait3A_241 = tpu.memref_squeeze %dma_wait3A_240 : memref<1x125xi32, #tpu.memory_space<vmem>> -> memref<125xi32, #tpu.memory_space<vmem>>
        %dma_wait3A_242 = arith.constant 0 : i32
        %dma_wait3A_243 = arith.constant 0 : i32
        %dma_wait3A_244 = tpu.memref_slice %arg9[%dma_wait3A_242, %dma_wait3A_243] : memref<10240x128xf32, #tpu.memory_space<vmem_shared>> -> memref<10240x128xf32, #tpu.memory_space<vmem_shared>>
        tpu.wait_indirect_dma semaphore(%run_scoped3A_224 : memref<!tpu.dma_semaphore, #tpu.memory_space<semaphore_mem>>) src(%dma_wait3A_238 : memref<125x128xf32, #tpu.memory_space<vmem>>) dst(%dma_wait3A_244 : memref<10240x128xf32, #tpu.memory_space<vmem_shared>>)
        tpu.yield
      }) : () -> ()
      %add3A_208 = arith.constant 2 : i32
      %add3A_209 = arith.addi %add3A_167, %add3A_208 : i32
      %dma_start3A_210 = arith.constant 0 : i32
      %dma_start3A_211 = arith.constant 1 : i32
      %dma_start3A_212 = arith.constant 0 : i32
      %dma_start3A_213 = tpu.memref_slice %arg6[%dma_start3A_211, %dma_start3A_212] : memref<2x125xi32, #tpu.memory_space<vmem>> -> memref<1x125xi32, #tpu.memory_space<vmem>>
      %dma_start3A_214 = tpu.memref_squeeze %dma_start3A_213 : memref<1x125xi32, #tpu.memory_space<vmem>> -> memref<125xi32, #tpu.memory_space<vmem>>
      %dma_start3A_215 = arith.constant 0 : i32
      %dma_start3A_216 = tpu.memref_slice %arg3[%dma_start3A_210, %add3A, %add3A_209, %dma_start3A_215] : memref<2x32x80x125xi32, #tpu.memory_space<hbm>> -> memref<1x1x1x125xi32, #tpu.memory_space<hbm>>
      %dma_start3A_217 = tpu.memref_squeeze %dma_start3A_216 : memref<1x1x1x125xi32, #tpu.memory_space<hbm>> -> memref<125xi32, #tpu.memory_space<hbm>>
      %dma_start3A_218 = arith.constant 0 : i32
      %dma_start3A_219 = tpu.memref_slice %arg6[%dma_start3A_211, %dma_start3A_218] : memref<2x125xi32, #tpu.memory_space<vmem>> -> memref<1x125xi32, #tpu.memory_space<vmem>>
      %dma_start3A_220 = tpu.memref_squeeze %dma_start3A_219 : memref<1x125xi32, #tpu.memory_space<vmem>> -> memref<125xi32, #tpu.memory_space<vmem>>
      %dma_start3A_221 = arith.constant 0 : i32
      %dma_start3A_222 = tpu.memref_slice %arg3[%dma_start3A_210, %add3A, %add3A_209, %dma_start3A_221] : memref<2x32x80x125xi32, #tpu.memory_space<hbm>> -> memref<1x1x1x125xi32, #tpu.memory_space<hbm>>
      %dma_start3A_223 = tpu.memref_squeeze %dma_start3A_222 : memref<1x1x1x125xi32, #tpu.memory_space<hbm>> -> memref<125xi32, #tpu.memory_space<hbm>>
      tpu.enqueue_dma source(%dma_start3A_223 : memref<125xi32, #tpu.memory_space<hbm>>) target(%dma_start3A_220 : memref<125xi32, #tpu.memory_space<vmem>>) target_semaphore(%arg13 : memref<!tpu.dma_semaphore, #tpu.memory_space<semaphore_mem>>)
    }
    %scan3A_38 = arith.constant 39 : i32
    %dma_wait3A = arith.constant 0 : i32
    %dma_wait3A_39 = arith.constant 0 : i32
    %dma_wait3A_40 = arith.constant 0 : i32
    %dma_wait3A_41 = arith.constant 0 : i32
    %dma_wait3A_42 = tpu.memref_slice %arg8[%dma_wait3A_39, %dma_wait3A_40, %dma_wait3A_41] : memref<2x125x128xf32, #tpu.memory_space<vmem>> -> memref<1x125x128xf32, #tpu.memory_space<vmem>>
    %dma_wait3A_43 = tpu.memref_squeeze %dma_wait3A_42 : memref<1x125x128xf32, #tpu.memory_space<vmem>> -> memref<125x128xf32, #tpu.memory_space<vmem>>
    %dma_wait3A_44 = arith.constant 0 : i32
    %dma_wait3A_45 = tpu.memref_slice %arg6[%dma_wait3A, %dma_wait3A_44] : memref<2x125xi32, #tpu.memory_space<vmem>> -> memref<1x125xi32, #tpu.memory_space<vmem>>
    %dma_wait3A_46 = tpu.memref_squeeze %dma_wait3A_45 : memref<1x125xi32, #tpu.memory_space<vmem>> -> memref<125xi32, #tpu.memory_space<vmem>>
    %dma_wait3A_47 = arith.constant 0 : i32
    %dma_wait3A_48 = arith.constant 0 : i32
    %dma_wait3A_49 = tpu.memref_slice %arg2[%dma_wait3A_47, %dma_wait3A_48] : memref<10000x128xf32, #tpu.memory_space<hbm>> -> memref<10000x128xf32, #tpu.memory_space<hbm>>
    tpu.wait_indirect_dma semaphore(%arg10 : memref<!tpu.dma_semaphore, #tpu.memory_space<semaphore_mem>>) src(%dma_wait3A_49 : memref<10000x128xf32, #tpu.memory_space<hbm>>) dst(%dma_wait3A_43 : memref<125x128xf32, #tpu.memory_space<vmem>>)
    %dma_wait3A_50 = arith.constant 0 : i32
    %dma_wait3A_51 = arith.constant 0 : i32
    %dma_wait3A_52 = arith.constant 1 : i32
    %dma_wait3A_53 = arith.constant 0 : i32
    %dma_wait3A_54 = tpu.memref_slice %arg6[%dma_wait3A_52, %dma_wait3A_53] : memref<2x125xi32, #tpu.memory_space<vmem>> -> memref<1x125xi32, #tpu.memory_space<vmem>>
    %dma_wait3A_55 = tpu.memref_squeeze %dma_wait3A_54 : memref<1x125xi32, #tpu.memory_space<vmem>> -> memref<125xi32, #tpu.memory_space<vmem>>
    %dma_wait3A_56 = arith.constant 0 : i32
    %dma_wait3A_57 = tpu.memref_slice %arg3[%dma_wait3A_50, %add3A, %dma_wait3A_51, %dma_wait3A_56] : memref<2x32x80x125xi32, #tpu.memory_space<hbm>> -> memref<1x1x1x125xi32, #tpu.memory_space<hbm>>
    %dma_wait3A_58 = tpu.memref_squeeze %dma_wait3A_57 : memref<1x1x1x125xi32, #tpu.memory_space<hbm>> -> memref<125xi32, #tpu.memory_space<hbm>>
    %dma_wait3A_59 = arith.constant 0 : i32
    %dma_wait3A_60 = tpu.memref_slice %arg6[%dma_wait3A_52, %dma_wait3A_59] : memref<2x125xi32, #tpu.memory_space<vmem>> -> memref<1x125xi32, #tpu.memory_space<vmem>>
    %dma_wait3A_61 = tpu.memref_squeeze %dma_wait3A_60 : memref<1x125xi32, #tpu.memory_space<vmem>> -> memref<125xi32, #tpu.memory_space<vmem>>
    %dma_wait3A_62 = arith.constant 0 : i32
    %dma_wait3A_63 = tpu.memref_slice %arg3[%dma_wait3A_50, %add3A, %dma_wait3A_51, %dma_wait3A_62] : memref<2x32x80x125xi32, #tpu.memory_space<hbm>> -> memref<1x1x1x125xi32, #tpu.memory_space<hbm>>
    %dma_wait3A_64 = tpu.memref_squeeze %dma_wait3A_63 : memref<1x1x1x125xi32, #tpu.memory_space<hbm>> -> memref<125xi32, #tpu.memory_space<hbm>>
    tpu.wait_dma2 semaphore(%arg13 : memref<!tpu.dma_semaphore, #tpu.memory_space<semaphore_mem>>) src(%dma_wait3A_64 : memref<125xi32, #tpu.memory_space<hbm>>) dst(%dma_wait3A_61 : memref<125xi32, #tpu.memory_space<vmem>>)
    %dma_start3A_65 = arith.constant 1 : i32
    %dma_start3A_66 = arith.constant 1 : i32
    %dma_start3A_67 = arith.constant 0 : i32
    %dma_start3A_68 = arith.constant 0 : i32
    %dma_start3A_69 = tpu.memref_slice %arg8[%dma_start3A_66, %dma_start3A_67, %dma_start3A_68] : memref<2x125x128xf32, #tpu.memory_space<vmem>> -> memref<1x125x128xf32, #tpu.memory_space<vmem>>
    %dma_start3A_70 = tpu.memref_squeeze %dma_start3A_69 : memref<1x125x128xf32, #tpu.memory_space<vmem>> -> memref<125x128xf32, #tpu.memory_space<vmem>>
    %dma_start3A_71 = arith.constant 0 : i32
    %dma_start3A_72 = tpu.memref_slice %arg6[%dma_start3A_65, %dma_start3A_71] : memref<2x125xi32, #tpu.memory_space<vmem>> -> memref<1x125xi32, #tpu.memory_space<vmem>>
    %dma_start3A_73 = tpu.memref_squeeze %dma_start3A_72 : memref<1x125xi32, #tpu.memory_space<vmem>> -> memref<125xi32, #tpu.memory_space<vmem>>
    %dma_start3A_74 = arith.constant 0 : i32
    %dma_start3A_75 = arith.constant 0 : i32
    %dma_start3A_76 = tpu.memref_slice %arg2[%dma_start3A_74, %dma_start3A_75] : memref<10000x128xf32, #tpu.memory_space<hbm>> -> memref<10000x128xf32, #tpu.memory_space<hbm>>
    tpu.enqueue_indirect_dma source(%dma_start3A_76 : memref<10000x128xf32, #tpu.memory_space<hbm>>) target(%dma_start3A_70 : memref<125x128xf32, #tpu.memory_space<vmem>>) offsets(%dma_start3A_73 : memref<125xi32, #tpu.memory_space<vmem>>) semaphore(%arg11 : memref<!tpu.dma_semaphore, #tpu.memory_space<semaphore_mem>>)
    %run_scoped3A_77 = arith.constant 0 : i32
    %run_scoped3A_78 = arith.constant 78 : i32
    "tpu.region"() ({
      %run_scoped3A_99 = tpu.sem_alloc : memref<!tpu.dma_semaphore, #tpu.memory_space<semaphore_mem>>
      %dma_start3A_100 = arith.constant 0 : i32
      %dma_start3A_101 = arith.constant 0 : i32
      %dma_start3A_102 = tpu.memref_slice %arg8[%run_scoped3A_77, %dma_start3A_100, %dma_start3A_101] : memref<2x125x128xf32, #tpu.memory_space<vmem>> -> memref<1x125x128xf32, #tpu.memory_space<vmem>>
      %dma_start3A_103 = tpu.memref_squeeze %dma_start3A_102 : memref<1x125x128xf32, #tpu.memory_space<vmem>> -> memref<125x128xf32, #tpu.memory_space<vmem>>
      %dma_start3A_104 = arith.constant 0 : i32
      %dma_start3A_105 = tpu.memref_slice %arg7[%run_scoped3A_78, %dma_start3A_104] : memref<80x125xi32, #tpu.memory_space<vmem>> -> memref<1x125xi32, #tpu.memory_space<vmem>>
      %dma_start3A_106 = tpu.memref_squeeze %dma_start3A_105 : memref<1x125xi32, #tpu.memory_space<vmem>> -> memref<125xi32, #tpu.memory_space<vmem>>
      %dma_start3A_107 = arith.constant 0 : i32
      %dma_start3A_108 = arith.constant 0 : i32
      %dma_start3A_109 = tpu.memref_slice %arg9[%dma_start3A_107, %dma_start3A_108] : memref<10240x128xf32, #tpu.memory_space<vmem_shared>> -> memref<10240x128xf32, #tpu.memory_space<vmem_shared>>
      tpu.enqueue_indirect_dma source(%dma_start3A_103 : memref<125x128xf32, #tpu.memory_space<vmem>>) target(%dma_start3A_109 : memref<10240x128xf32, #tpu.memory_space<vmem_shared>>) offsets(%dma_start3A_106 : memref<125xi32, #tpu.memory_space<vmem>>) semaphore(%run_scoped3A_99 : memref<!tpu.dma_semaphore, #tpu.memory_space<semaphore_mem>>) {add = true}
      %dma_wait3A_110 = arith.constant 0 : i32
      %dma_wait3A_111 = arith.constant 0 : i32
      %dma_wait3A_112 = tpu.memref_slice %arg8[%run_scoped3A_77, %dma_wait3A_110, %dma_wait3A_111] : memref<2x125x128xf32, #tpu.memory_space<vmem>> -> memref<1x125x128xf32, #tpu.memory_space<vmem>>
      %dma_wait3A_113 = tpu.memref_squeeze %dma_wait3A_112 : memref<1x125x128xf32, #tpu.memory_space<vmem>> -> memref<125x128xf32, #tpu.memory_space<vmem>>
      %dma_wait3A_114 = arith.constant 0 : i32
      %dma_wait3A_115 = tpu.memref_slice %arg7[%run_scoped3A_78, %dma_wait3A_114] : memref<80x125xi32, #tpu.memory_space<vmem>> -> memref<1x125xi32, #tpu.memory_space<vmem>>
      %dma_wait3A_116 = tpu.memref_squeeze %dma_wait3A_115 : memref<1x125xi32, #tpu.memory_space<vmem>> -> memref<125xi32, #tpu.memory_space<vmem>>
      %dma_wait3A_117 = arith.constant 0 : i32
      %dma_wait3A_118 = arith.constant 0 : i32
      %dma_wait3A_119 = tpu.memref_slice %arg9[%dma_wait3A_117, %dma_wait3A_118] : memref<10240x128xf32, #tpu.memory_space<vmem_shared>> -> memref<10240x128xf32, #tpu.memory_space<vmem_shared>>
      tpu.wait_indirect_dma semaphore(%run_scoped3A_99 : memref<!tpu.dma_semaphore, #tpu.memory_space<semaphore_mem>>) src(%dma_wait3A_113 : memref<125x128xf32, #tpu.memory_space<vmem>>) dst(%dma_wait3A_119 : memref<10240x128xf32, #tpu.memory_space<vmem_shared>>)
      tpu.yield
    }) : () -> ()
    %dma_wait3A_79 = arith.constant 1 : i32
    %dma_wait3A_80 = arith.constant 1 : i32
    %dma_wait3A_81 = arith.constant 0 : i32
    %dma_wait3A_82 = arith.constant 0 : i32
    %dma_wait3A_83 = tpu.memref_slice %arg8[%dma_wait3A_80, %dma_wait3A_81, %dma_wait3A_82] : memref<2x125x128xf32, #tpu.memory_space<vmem>> -> memref<1x125x128xf32, #tpu.memory_space<vmem>>
    %dma_wait3A_84 = tpu.memref_squeeze %dma_wait3A_83 : memref<1x125x128xf32, #tpu.memory_space<vmem>> -> memref<125x128xf32, #tpu.memory_space<vmem>>
    %dma_wait3A_85 = arith.constant 0 : i32
    %dma_wait3A_86 = tpu.memref_slice %arg6[%dma_wait3A_79, %dma_wait3A_85] : memref<2x125xi32, #tpu.memory_space<vmem>> -> memref<1x125xi32, #tpu.memory_space<vmem>>
    %dma_wait3A_87 = tpu.memref_squeeze %dma_wait3A_86 : memref<1x125xi32, #tpu.memory_space<vmem>> -> memref<125xi32, #tpu.memory_space<vmem>>
    %dma_wait3A_88 = arith.constant 0 : i32
    %dma_wait3A_89 = arith.constant 0 : i32
    %dma_wait3A_90 = tpu.memref_slice %arg2[%dma_wait3A_88, %dma_wait3A_89] : memref<10000x128xf32, #tpu.memory_space<hbm>> -> memref<10000x128xf32, #tpu.memory_space<hbm>>
    tpu.wait_indirect_dma semaphore(%arg11 : memref<!tpu.dma_semaphore, #tpu.memory_space<semaphore_mem>>) src(%dma_wait3A_90 : memref<10000x128xf32, #tpu.memory_space<hbm>>) dst(%dma_wait3A_84 : memref<125x128xf32, #tpu.memory_space<vmem>>)
    %run_scoped3A_91 = arith.constant 1 : i32
    %run_scoped3A_92 = arith.constant 79 : i32
    "tpu.region"() ({
      %run_scoped3A_99 = tpu.sem_alloc : memref<!tpu.dma_semaphore, #tpu.memory_space<semaphore_mem>>
      %dma_start3A_100 = arith.constant 0 : i32
      %dma_start3A_101 = arith.constant 0 : i32
      %dma_start3A_102 = tpu.memref_slice %arg8[%run_scoped3A_91, %dma_start3A_100, %dma_start3A_101] : memref<2x125x128xf32, #tpu.memory_space<vmem>> -> memref<1x125x128xf32, #tpu.memory_space<vmem>>
      %dma_start3A_103 = tpu.memref_squeeze %dma_start3A_102 : memref<1x125x128xf32, #tpu.memory_space<vmem>> -> memref<125x128xf32, #tpu.memory_space<vmem>>
      %dma_start3A_104 = arith.constant 0 : i32
      %dma_start3A_105 = tpu.memref_slice %arg7[%run_scoped3A_92, %dma_start3A_104] : memref<80x125xi32, #tpu.memory_space<vmem>> -> memref<1x125xi32, #tpu.memory_space<vmem>>
      %dma_start3A_106 = tpu.memref_squeeze %dma_start3A_105 : memref<1x125xi32, #tpu.memory_space<vmem>> -> memref<125xi32, #tpu.memory_space<vmem>>
      %dma_start3A_107 = arith.constant 0 : i32
      %dma_start3A_108 = arith.constant 0 : i32
      %dma_start3A_109 = tpu.memref_slice %arg9[%dma_start3A_107, %dma_start3A_108] : memref<10240x128xf32, #tpu.memory_space<vmem_shared>> -> memref<10240x128xf32, #tpu.memory_space<vmem_shared>>
      tpu.enqueue_indirect_dma source(%dma_start3A_103 : memref<125x128xf32, #tpu.memory_space<vmem>>) target(%dma_start3A_109 : memref<10240x128xf32, #tpu.memory_space<vmem_shared>>) offsets(%dma_start3A_106 : memref<125xi32, #tpu.memory_space<vmem>>) semaphore(%run_scoped3A_99 : memref<!tpu.dma_semaphore, #tpu.memory_space<semaphore_mem>>) {add = true}
      %dma_wait3A_110 = arith.constant 0 : i32
      %dma_wait3A_111 = arith.constant 0 : i32
      %dma_wait3A_112 = tpu.memref_slice %arg8[%run_scoped3A_91, %dma_wait3A_110, %dma_wait3A_111] : memref<2x125x128xf32, #tpu.memory_space<vmem>> -> memref<1x125x128xf32, #tpu.memory_space<vmem>>
      %dma_wait3A_113 = tpu.memref_squeeze %dma_wait3A_112 : memref<1x125x128xf32, #tpu.memory_space<vmem>> -> memref<125x128xf32, #tpu.memory_space<vmem>>
      %dma_wait3A_114 = arith.constant 0 : i32
      %dma_wait3A_115 = tpu.memref_slice %arg7[%run_scoped3A_92, %dma_wait3A_114] : memref<80x125xi32, #tpu.memory_space<vmem>> -> memref<1x125xi32, #tpu.memory_space<vmem>>
      %dma_wait3A_116 = tpu.memref_squeeze %dma_wait3A_115 : memref<1x125xi32, #tpu.memory_space<vmem>> -> memref<125xi32, #tpu.memory_space<vmem>>
      %dma_wait3A_117 = arith.constant 0 : i32
      %dma_wait3A_118 = arith.constant 0 : i32
      %dma_wait3A_119 = tpu.memref_slice %arg9[%dma_wait3A_117, %dma_wait3A_118] : memref<10240x128xf32, #tpu.memory_space<vmem_shared>> -> memref<10240x128xf32, #tpu.memory_space<vmem_shared>>
      tpu.wait_indirect_dma semaphore(%run_scoped3A_99 : memref<!tpu.dma_semaphore, #tpu.memory_space<semaphore_mem>>) src(%dma_wait3A_113 : memref<125x128xf32, #tpu.memory_space<vmem>>) dst(%dma_wait3A_119 : memref<10240x128xf32, #tpu.memory_space<vmem_shared>>)
      tpu.yield
    }) : () -> ()
    %barrier3A_93 = arith.constant 0 : index
    tpu.barrier barrier_id(%barrier3A_93)
    %scan3A_94 = arith.constant 0 : i32
    %scan3A_95 = arith.constant 5 : i32
    %scan3A_96 = arith.addi %scan3A_94, %scan3A_95 : i32
    %scan3A_97 = arith.constant 1 : i32
    scf.for %scan3A_99 = %scan3A_94 to %scan3A_96 step %scan3A_97  : i32 {
      %mul3A_100 = arith.constant 1 : i32
      %mul3A_101 = arith.muli %scan3A_99, %mul3A_100 : i32
      %add3A_102 = arith.constant 0 : i32
      %add3A_103 = arith.addi %add3A_102, %mul3A_101 : i32
      %mul3A_104 = arith.constant 640 : i32
      %mul3A_105 = arith.muli %arg1, %mul3A_104 : i32
      %mul3A_106 = arith.constant 128 : i32
      %mul3A_107 = arith.muli %add3A_103, %mul3A_106 : i32
      %add3A_108 = arith.addi %mul3A_105, %mul3A_107 : i32
      "tpu.region"() ({
        %run_scoped3A_109 = tpu.sem_alloc : memref<!tpu.dma_semaphore, #tpu.memory_space<semaphore_mem>>
        %dma_start3A_110 = arith.constant 0 : i32
        %dma_start3A_111 = tpu.memref_slice %arg5[%arg0, %add3A_108, %dma_start3A_110] : memref<2x10240x128xf32, #tpu.memory_space<hbm>> -> memref<1x128x128xf32, #tpu.memory_space<hbm>>
        %dma_start3A_112 = tpu.memref_squeeze %dma_start3A_111 : memref<1x128x128xf32, #tpu.memory_space<hbm>> -> memref<128x128xf32, #tpu.memory_space<hbm>>
        %dma_start3A_113 = arith.constant 0 : i32
        %dma_start3A_114 = tpu.memref_slice %arg9[%add3A_108, %dma_start3A_113] : memref<10240x128xf32, #tpu.memory_space<vmem_shared>> -> memref<128x128xf32, #tpu.memory_space<vmem_shared>>
        tpu.enqueue_dma source(%dma_start3A_114 : memref<128x128xf32, #tpu.memory_space<vmem_shared>>) target(%dma_start3A_112 : memref<128x128xf32, #tpu.memory_space<hbm>>) target_semaphore(%run_scoped3A_109 : memref<!tpu.dma_semaphore, #tpu.memory_space<semaphore_mem>>)
        %dma_wait3A_115 = arith.constant 0 : i32
        %dma_wait3A_116 = tpu.memref_slice %arg5[%arg0, %add3A_108, %dma_wait3A_115] : memref<2x10240x128xf32, #tpu.memory_space<hbm>> -> memref<1x128x128xf32, #tpu.memory_space<hbm>>
        %dma_wait3A_117 = tpu.memref_squeeze %dma_wait3A_116 : memref<1x128x128xf32, #tpu.memory_space<hbm>> -> memref<128x128xf32, #tpu.memory_space<hbm>>
        %dma_wait3A_118 = arith.constant 0 : i32
        %dma_wait3A_119 = tpu.memref_slice %arg9[%add3A_108, %dma_wait3A_118] : memref<10240x128xf32, #tpu.memory_space<vmem_shared>> -> memref<128x128xf32, #tpu.memory_space<vmem_shared>>
        tpu.wait_dma2 semaphore(%run_scoped3A_109 : memref<!tpu.dma_semaphore, #tpu.memory_space<semaphore_mem>>) src(%dma_wait3A_119 : memref<128x128xf32, #tpu.memory_space<vmem_shared>>) dst(%dma_wait3A_117 : memref<128x128xf32, #tpu.memory_space<hbm>>)
        tpu.yield
      }) : () -> ()
    }
    %scan3A_98 = arith.constant 5 : i32
    return
  }
}

#map = affine_map<(d0, d1) -> (0)>
#map1 = affine_map<(d0, d1) -> (0, 0, 0, 0)>
module attributes {stable_mosaic.version = 14 : i64} {
  func.func @aggn(%arg0: i32, %arg1: i32, %arg2: memref<20480xf32, #tpu.memory_space<hbm>>, %arg3: memref<2x32x80x125xi32, #tpu.memory_space<hbm>>, %arg4: memref<640xf32, #tpu.memory_space<hbm>>, %arg5: memref<40960xf32, #tpu.memory_space<hbm>>, %arg6: memref<80x125xi32, #tpu.memory_space<vmem>>, %arg7: memref<80x125xi32, #tpu.memory_space<vmem>>, %arg8: memref<2x125xf32, #tpu.memory_space<vmem>>, %arg9: memref<10240xf32, #tpu.memory_space<vmem_shared>>, %arg10: memref<10240xf32, #tpu.memory_space<vmem_shared>>, %arg11: memref<10240xf32, #tpu.memory_space<vmem_shared>>, %arg12: memref<10240xf32, #tpu.memory_space<vmem_shared>>, %arg13: memref<!tpu.dma_semaphore, #tpu.memory_space<semaphore_mem>>, %arg14: memref<!tpu.dma_semaphore, #tpu.memory_space<semaphore_mem>>) attributes {dimension_semantics = [#tpu.dimension_semantics<core_parallel>, #tpu.dimension_semantics<subcore_parallel>], iteration_bounds = array<i64: 2, 16>, scalar_prefetch = 0 : i64, scratch_operands = 9 : i64, tpu.core_type = #tpu.core_type<sc_vector_subcore>, window_params = [{transform_indices = #map}, {transform_indices = #map1}, {transform_indices = #map}, {transform_indices = #map}]} {
    %mul3A = arith.constant 16 : i32
    %mul3A_0 = arith.muli %arg0, %mul3A : i32
    %add3A = arith.addi %mul3A_0, %arg1 : i32
    %run_scoped3A = arith.constant 0 : i32
    "tpu.region"() ({
      %run_scoped3A_122 = tpu.sem_alloc : memref<!tpu.dma_semaphore, #tpu.memory_space<semaphore_mem>>
      %dma_start3A_123 = arith.constant 0 : i32
      %dma_start3A_124 = arith.constant 0 : i32
      %dma_start3A_125 = tpu.memref_slice %arg3[%run_scoped3A, %add3A, %dma_start3A_123, %dma_start3A_124] : memref<2x32x80x125xi32, #tpu.memory_space<hbm>> -> memref<1x1x80x125xi32, #tpu.memory_space<hbm>>
      %dma_start3A_126 = tpu.memref_squeeze %dma_start3A_125 : memref<1x1x80x125xi32, #tpu.memory_space<hbm>> -> memref<80x125xi32, #tpu.memory_space<hbm>>
      %dma_start3A_127 = arith.constant 0 : i32
      %dma_start3A_128 = arith.constant 0 : i32
      %dma_start3A_129 = tpu.memref_slice %arg3[%run_scoped3A, %add3A, %dma_start3A_127, %dma_start3A_128] : memref<2x32x80x125xi32, #tpu.memory_space<hbm>> -> memref<1x1x80x125xi32, #tpu.memory_space<hbm>>
      %dma_start3A_130 = tpu.memref_squeeze %dma_start3A_129 : memref<1x1x80x125xi32, #tpu.memory_space<hbm>> -> memref<80x125xi32, #tpu.memory_space<hbm>>
      tpu.enqueue_dma source(%dma_start3A_130 : memref<80x125xi32, #tpu.memory_space<hbm>>) target(%arg6 : memref<80x125xi32, #tpu.memory_space<vmem>>) target_semaphore(%run_scoped3A_122 : memref<!tpu.dma_semaphore, #tpu.memory_space<semaphore_mem>>)
      %dma_wait3A_131 = arith.constant 0 : i32
      %dma_wait3A_132 = arith.constant 0 : i32
      %dma_wait3A_133 = tpu.memref_slice %arg3[%run_scoped3A, %add3A, %dma_wait3A_131, %dma_wait3A_132] : memref<2x32x80x125xi32, #tpu.memory_space<hbm>> -> memref<1x1x80x125xi32, #tpu.memory_space<hbm>>
      %dma_wait3A_134 = tpu.memref_squeeze %dma_wait3A_133 : memref<1x1x80x125xi32, #tpu.memory_space<hbm>> -> memref<80x125xi32, #tpu.memory_space<hbm>>
      %dma_wait3A_135 = arith.constant 0 : i32
      %dma_wait3A_136 = arith.constant 0 : i32
      %dma_wait3A_137 = tpu.memref_slice %arg3[%run_scoped3A, %add3A, %dma_wait3A_135, %dma_wait3A_136] : memref<2x32x80x125xi32, #tpu.memory_space<hbm>> -> memref<1x1x80x125xi32, #tpu.memory_space<hbm>>
      %dma_wait3A_138 = tpu.memref_squeeze %dma_wait3A_137 : memref<1x1x80x125xi32, #tpu.memory_space<hbm>> -> memref<80x125xi32, #tpu.memory_space<hbm>>
      tpu.wait_dma2 semaphore(%run_scoped3A_122 : memref<!tpu.dma_semaphore, #tpu.memory_space<semaphore_mem>>) src(%dma_wait3A_138 : memref<80x125xi32, #tpu.memory_space<hbm>>) dst(%arg6 : memref<80x125xi32, #tpu.memory_space<vmem>>)
      tpu.yield
    }) : () -> ()
    %run_scoped3A_1 = arith.constant 1 : i32
    "tpu.region"() ({
      %run_scoped3A_122 = tpu.sem_alloc : memref<!tpu.dma_semaphore, #tpu.memory_space<semaphore_mem>>
      %dma_start3A_123 = arith.constant 0 : i32
      %dma_start3A_124 = arith.constant 0 : i32
      %dma_start3A_125 = tpu.memref_slice %arg3[%run_scoped3A_1, %add3A, %dma_start3A_123, %dma_start3A_124] : memref<2x32x80x125xi32, #tpu.memory_space<hbm>> -> memref<1x1x80x125xi32, #tpu.memory_space<hbm>>
      %dma_start3A_126 = tpu.memref_squeeze %dma_start3A_125 : memref<1x1x80x125xi32, #tpu.memory_space<hbm>> -> memref<80x125xi32, #tpu.memory_space<hbm>>
      %dma_start3A_127 = arith.constant 0 : i32
      %dma_start3A_128 = arith.constant 0 : i32
      %dma_start3A_129 = tpu.memref_slice %arg3[%run_scoped3A_1, %add3A, %dma_start3A_127, %dma_start3A_128] : memref<2x32x80x125xi32, #tpu.memory_space<hbm>> -> memref<1x1x80x125xi32, #tpu.memory_space<hbm>>
      %dma_start3A_130 = tpu.memref_squeeze %dma_start3A_129 : memref<1x1x80x125xi32, #tpu.memory_space<hbm>> -> memref<80x125xi32, #tpu.memory_space<hbm>>
      tpu.enqueue_dma source(%dma_start3A_130 : memref<80x125xi32, #tpu.memory_space<hbm>>) target(%arg7 : memref<80x125xi32, #tpu.memory_space<vmem>>) target_semaphore(%run_scoped3A_122 : memref<!tpu.dma_semaphore, #tpu.memory_space<semaphore_mem>>)
      %dma_wait3A_131 = arith.constant 0 : i32
      %dma_wait3A_132 = arith.constant 0 : i32
      %dma_wait3A_133 = tpu.memref_slice %arg3[%run_scoped3A_1, %add3A, %dma_wait3A_131, %dma_wait3A_132] : memref<2x32x80x125xi32, #tpu.memory_space<hbm>> -> memref<1x1x80x125xi32, #tpu.memory_space<hbm>>
      %dma_wait3A_134 = tpu.memref_squeeze %dma_wait3A_133 : memref<1x1x80x125xi32, #tpu.memory_space<hbm>> -> memref<80x125xi32, #tpu.memory_space<hbm>>
      %dma_wait3A_135 = arith.constant 0 : i32
      %dma_wait3A_136 = arith.constant 0 : i32
      %dma_wait3A_137 = tpu.memref_slice %arg3[%run_scoped3A_1, %add3A, %dma_wait3A_135, %dma_wait3A_136] : memref<2x32x80x125xi32, #tpu.memory_space<hbm>> -> memref<1x1x80x125xi32, #tpu.memory_space<hbm>>
      %dma_wait3A_138 = tpu.memref_squeeze %dma_wait3A_137 : memref<1x1x80x125xi32, #tpu.memory_space<hbm>> -> memref<80x125xi32, #tpu.memory_space<hbm>>
      tpu.wait_dma2 semaphore(%run_scoped3A_122 : memref<!tpu.dma_semaphore, #tpu.memory_space<semaphore_mem>>) src(%dma_wait3A_138 : memref<80x125xi32, #tpu.memory_space<hbm>>) dst(%arg7 : memref<80x125xi32, #tpu.memory_space<vmem>>)
      tpu.yield
    }) : () -> ()
    %mul3A_2 = arith.constant 640 : i32
    %mul3A_3 = arith.muli %arg1, %mul3A_2 : i32
    %mul3A_4 = arith.constant 640 : i32
    %mul3A_5 = arith.muli %arg1, %mul3A_4 : i32
    "tpu.region"() ({
      %run_scoped3A_122 = tpu.sem_alloc : memref<!tpu.dma_semaphore, #tpu.memory_space<semaphore_mem>>
      %dma_start3A_123 = tpu.memref_slice %arg9[%mul3A_3] : memref<10240xf32, #tpu.memory_space<vmem_shared>> -> memref<640xf32, #tpu.memory_space<vmem_shared>>
      %dma_start3A_124 = tpu.memref_slice %arg2[%mul3A_5] : memref<20480xf32, #tpu.memory_space<hbm>> -> memref<640xf32, #tpu.memory_space<hbm>>
      tpu.enqueue_dma source(%dma_start3A_124 : memref<640xf32, #tpu.memory_space<hbm>>) target(%dma_start3A_123 : memref<640xf32, #tpu.memory_space<vmem_shared>>) target_semaphore(%run_scoped3A_122 : memref<!tpu.dma_semaphore, #tpu.memory_space<semaphore_mem>>)
      %dma_wait3A_125 = tpu.memref_slice %arg9[%mul3A_3] : memref<10240xf32, #tpu.memory_space<vmem_shared>> -> memref<640xf32, #tpu.memory_space<vmem_shared>>
      %dma_wait3A_126 = tpu.memref_slice %arg2[%mul3A_5] : memref<20480xf32, #tpu.memory_space<hbm>> -> memref<640xf32, #tpu.memory_space<hbm>>
      tpu.wait_dma2 semaphore(%run_scoped3A_122 : memref<!tpu.dma_semaphore, #tpu.memory_space<semaphore_mem>>) src(%dma_wait3A_126 : memref<640xf32, #tpu.memory_space<hbm>>) dst(%dma_wait3A_125 : memref<640xf32, #tpu.memory_space<vmem_shared>>)
      tpu.yield
    }) : () -> ()
    %mul3A_6 = arith.constant 640 : i32
    %mul3A_7 = arith.muli %arg1, %mul3A_6 : i32
    %add3A_8 = arith.constant 10240 : i32
    %add3A_9 = arith.addi %add3A_8, %mul3A_7 : i32
    "tpu.region"() ({
      %run_scoped3A_122 = tpu.sem_alloc : memref<!tpu.dma_semaphore, #tpu.memory_space<semaphore_mem>>
      %dma_start3A_123 = tpu.memref_slice %arg10[%mul3A_3] : memref<10240xf32, #tpu.memory_space<vmem_shared>> -> memref<640xf32, #tpu.memory_space<vmem_shared>>
      %dma_start3A_124 = tpu.memref_slice %arg2[%add3A_9] : memref<20480xf32, #tpu.memory_space<hbm>> -> memref<640xf32, #tpu.memory_space<hbm>>
      tpu.enqueue_dma source(%dma_start3A_124 : memref<640xf32, #tpu.memory_space<hbm>>) target(%dma_start3A_123 : memref<640xf32, #tpu.memory_space<vmem_shared>>) target_semaphore(%run_scoped3A_122 : memref<!tpu.dma_semaphore, #tpu.memory_space<semaphore_mem>>)
      %dma_wait3A_125 = tpu.memref_slice %arg10[%mul3A_3] : memref<10240xf32, #tpu.memory_space<vmem_shared>> -> memref<640xf32, #tpu.memory_space<vmem_shared>>
      %dma_wait3A_126 = tpu.memref_slice %arg2[%add3A_9] : memref<20480xf32, #tpu.memory_space<hbm>> -> memref<640xf32, #tpu.memory_space<hbm>>
      tpu.wait_dma2 semaphore(%run_scoped3A_122 : memref<!tpu.dma_semaphore, #tpu.memory_space<semaphore_mem>>) src(%dma_wait3A_126 : memref<640xf32, #tpu.memory_space<hbm>>) dst(%dma_wait3A_125 : memref<640xf32, #tpu.memory_space<vmem_shared>>)
      tpu.yield
    }) : () -> ()
    "tpu.region"() ({
      %run_scoped3A_122 = tpu.sem_alloc : memref<!tpu.dma_semaphore, #tpu.memory_space<semaphore_mem>>
      %dma_start3A_123 = tpu.memref_slice %arg11[%mul3A_3] : memref<10240xf32, #tpu.memory_space<vmem_shared>> -> memref<640xf32, #tpu.memory_space<vmem_shared>>
      tpu.enqueue_dma source(%arg4 : memref<640xf32, #tpu.memory_space<hbm>>) target(%dma_start3A_123 : memref<640xf32, #tpu.memory_space<vmem_shared>>) target_semaphore(%run_scoped3A_122 : memref<!tpu.dma_semaphore, #tpu.memory_space<semaphore_mem>>)
      %dma_wait3A_124 = tpu.memref_slice %arg11[%mul3A_3] : memref<10240xf32, #tpu.memory_space<vmem_shared>> -> memref<640xf32, #tpu.memory_space<vmem_shared>>
      tpu.wait_dma2 semaphore(%run_scoped3A_122 : memref<!tpu.dma_semaphore, #tpu.memory_space<semaphore_mem>>) src(%arg4 : memref<640xf32, #tpu.memory_space<hbm>>) dst(%dma_wait3A_124 : memref<640xf32, #tpu.memory_space<vmem_shared>>)
      tpu.yield
    }) : () -> ()
    "tpu.region"() ({
      %run_scoped3A_122 = tpu.sem_alloc : memref<!tpu.dma_semaphore, #tpu.memory_space<semaphore_mem>>
      %dma_start3A_123 = tpu.memref_slice %arg12[%mul3A_3] : memref<10240xf32, #tpu.memory_space<vmem_shared>> -> memref<640xf32, #tpu.memory_space<vmem_shared>>
      tpu.enqueue_dma source(%arg4 : memref<640xf32, #tpu.memory_space<hbm>>) target(%dma_start3A_123 : memref<640xf32, #tpu.memory_space<vmem_shared>>) target_semaphore(%run_scoped3A_122 : memref<!tpu.dma_semaphore, #tpu.memory_space<semaphore_mem>>)
      %dma_wait3A_124 = tpu.memref_slice %arg12[%mul3A_3] : memref<10240xf32, #tpu.memory_space<vmem_shared>> -> memref<640xf32, #tpu.memory_space<vmem_shared>>
      tpu.wait_dma2 semaphore(%run_scoped3A_122 : memref<!tpu.dma_semaphore, #tpu.memory_space<semaphore_mem>>) src(%arg4 : memref<640xf32, #tpu.memory_space<hbm>>) dst(%dma_wait3A_124 : memref<640xf32, #tpu.memory_space<vmem_shared>>)
      tpu.yield
    }) : () -> ()
    %barrier3A = arith.constant 0 : index
    tpu.barrier barrier_id(%barrier3A)
    %dma_start3A = arith.constant 0 : i32
    %dma_start3A_10 = arith.constant 0 : i32
    %dma_start3A_11 = arith.constant 0 : i32
    %dma_start3A_12 = tpu.memref_slice %arg8[%dma_start3A_10, %dma_start3A_11] : memref<2x125xf32, #tpu.memory_space<vmem>> -> memref<1x125xf32, #tpu.memory_space<vmem>>
    %dma_start3A_13 = tpu.memref_squeeze %dma_start3A_12 : memref<1x125xf32, #tpu.memory_space<vmem>> -> memref<125xf32, #tpu.memory_space<vmem>>
    %dma_start3A_14 = arith.constant 0 : i32
    %dma_start3A_15 = tpu.memref_slice %arg6[%dma_start3A, %dma_start3A_14] : memref<80x125xi32, #tpu.memory_space<vmem>> -> memref<1x125xi32, #tpu.memory_space<vmem>>
    %dma_start3A_16 = tpu.memref_squeeze %dma_start3A_15 : memref<1x125xi32, #tpu.memory_space<vmem>> -> memref<125xi32, #tpu.memory_space<vmem>>
    %dma_start3A_17 = arith.constant 0 : i32
    %dma_start3A_18 = tpu.memref_slice %arg9[%dma_start3A_17] : memref<10240xf32, #tpu.memory_space<vmem_shared>> -> memref<10240xf32, #tpu.memory_space<vmem_shared>>
    tpu.enqueue_indirect_dma source(%dma_start3A_18 : memref<10240xf32, #tpu.memory_space<vmem_shared>>) target(%dma_start3A_13 : memref<125xf32, #tpu.memory_space<vmem>>) offsets(%dma_start3A_16 : memref<125xi32, #tpu.memory_space<vmem>>) semaphore(%arg13 : memref<!tpu.dma_semaphore, #tpu.memory_space<semaphore_mem>>)
    %dma_start3A_19 = arith.constant 1 : i32
    %dma_start3A_20 = arith.constant 1 : i32
    %dma_start3A_21 = arith.constant 0 : i32
    %dma_start3A_22 = tpu.memref_slice %arg8[%dma_start3A_20, %dma_start3A_21] : memref<2x125xf32, #tpu.memory_space<vmem>> -> memref<1x125xf32, #tpu.memory_space<vmem>>
    %dma_start3A_23 = tpu.memref_squeeze %dma_start3A_22 : memref<1x125xf32, #tpu.memory_space<vmem>> -> memref<125xf32, #tpu.memory_space<vmem>>
    %dma_start3A_24 = arith.constant 0 : i32
    %dma_start3A_25 = tpu.memref_slice %arg6[%dma_start3A_19, %dma_start3A_24] : memref<80x125xi32, #tpu.memory_space<vmem>> -> memref<1x125xi32, #tpu.memory_space<vmem>>
    %dma_start3A_26 = tpu.memref_squeeze %dma_start3A_25 : memref<1x125xi32, #tpu.memory_space<vmem>> -> memref<125xi32, #tpu.memory_space<vmem>>
    %dma_start3A_27 = arith.constant 0 : i32
    %dma_start3A_28 = tpu.memref_slice %arg9[%dma_start3A_27] : memref<10240xf32, #tpu.memory_space<vmem_shared>> -> memref<10240xf32, #tpu.memory_space<vmem_shared>>
    tpu.enqueue_indirect_dma source(%dma_start3A_28 : memref<10240xf32, #tpu.memory_space<vmem_shared>>) target(%dma_start3A_23 : memref<125xf32, #tpu.memory_space<vmem>>) offsets(%dma_start3A_26 : memref<125xi32, #tpu.memory_space<vmem>>) semaphore(%arg14 : memref<!tpu.dma_semaphore, #tpu.memory_space<semaphore_mem>>)
    %scan3A = arith.constant 0 : i32
    %scan3A_29 = arith.constant 39 : i32
    %scan3A_30 = arith.addi %scan3A, %scan3A_29 : i32
    %scan3A_31 = arith.constant 1 : i32
    scf.for %scan3A_122 = %scan3A to %scan3A_30 step %scan3A_31  : i32 {
      %mul3A_123 = arith.constant 1 : i32
      %mul3A_124 = arith.muli %scan3A_122, %mul3A_123 : i32
      %add3A_125 = arith.constant 0 : i32
      %add3A_126 = arith.addi %add3A_125, %mul3A_124 : i32
      %mul3A_127 = arith.constant 2 : i32
      %mul3A_128 = arith.muli %add3A_126, %mul3A_127 : i32
      %add3A_129 = arith.constant 0 : i32
      %add3A_130 = arith.addi %mul3A_128, %add3A_129 : i32
      %dma_wait3A_131 = arith.constant 0 : i32
      %dma_wait3A_132 = arith.constant 0 : i32
      %dma_wait3A_133 = arith.constant 0 : i32
      %dma_wait3A_134 = tpu.memref_slice %arg8[%dma_wait3A_132, %dma_wait3A_133] : memref<2x125xf32, #tpu.memory_space<vmem>> -> memref<1x125xf32, #tpu.memory_space<vmem>>
      %dma_wait3A_135 = tpu.memref_squeeze %dma_wait3A_134 : memref<1x125xf32, #tpu.memory_space<vmem>> -> memref<125xf32, #tpu.memory_space<vmem>>
      %dma_wait3A_136 = arith.constant 0 : i32
      %dma_wait3A_137 = tpu.memref_slice %arg6[%dma_wait3A_131, %dma_wait3A_136] : memref<80x125xi32, #tpu.memory_space<vmem>> -> memref<1x125xi32, #tpu.memory_space<vmem>>
      %dma_wait3A_138 = tpu.memref_squeeze %dma_wait3A_137 : memref<1x125xi32, #tpu.memory_space<vmem>> -> memref<125xi32, #tpu.memory_space<vmem>>
      %dma_wait3A_139 = arith.constant 0 : i32
      %dma_wait3A_140 = tpu.memref_slice %arg9[%dma_wait3A_139] : memref<10240xf32, #tpu.memory_space<vmem_shared>> -> memref<10240xf32, #tpu.memory_space<vmem_shared>>
      tpu.wait_indirect_dma semaphore(%arg13 : memref<!tpu.dma_semaphore, #tpu.memory_space<semaphore_mem>>) src(%dma_wait3A_140 : memref<10240xf32, #tpu.memory_space<vmem_shared>>) dst(%dma_wait3A_135 : memref<125xf32, #tpu.memory_space<vmem>>)
      %run_scoped3A_141 = arith.constant 0 : i32
      "tpu.region"() ({
        %run_scoped3A_179 = tpu.sem_alloc : memref<!tpu.dma_semaphore, #tpu.memory_space<semaphore_mem>>
        %dma_start3A_180 = arith.constant 0 : i32
        %dma_start3A_181 = tpu.memref_slice %arg8[%run_scoped3A_141, %dma_start3A_180] : memref<2x125xf32, #tpu.memory_space<vmem>> -> memref<1x125xf32, #tpu.memory_space<vmem>>
        %dma_start3A_182 = tpu.memref_squeeze %dma_start3A_181 : memref<1x125xf32, #tpu.memory_space<vmem>> -> memref<125xf32, #tpu.memory_space<vmem>>
        %dma_start3A_183 = arith.constant 0 : i32
        %dma_start3A_184 = tpu.memref_slice %arg7[%add3A_130, %dma_start3A_183] : memref<80x125xi32, #tpu.memory_space<vmem>> -> memref<1x125xi32, #tpu.memory_space<vmem>>
        %dma_start3A_185 = tpu.memref_squeeze %dma_start3A_184 : memref<1x125xi32, #tpu.memory_space<vmem>> -> memref<125xi32, #tpu.memory_space<vmem>>
        %dma_start3A_186 = arith.constant 0 : i32
        %dma_start3A_187 = tpu.memref_slice %arg11[%dma_start3A_186] : memref<10240xf32, #tpu.memory_space<vmem_shared>> -> memref<10240xf32, #tpu.memory_space<vmem_shared>>
        tpu.enqueue_indirect_dma source(%dma_start3A_182 : memref<125xf32, #tpu.memory_space<vmem>>) target(%dma_start3A_187 : memref<10240xf32, #tpu.memory_space<vmem_shared>>) offsets(%dma_start3A_185 : memref<125xi32, #tpu.memory_space<vmem>>) semaphore(%run_scoped3A_179 : memref<!tpu.dma_semaphore, #tpu.memory_space<semaphore_mem>>) {add = true}
        %dma_wait3A_188 = arith.constant 0 : i32
        %dma_wait3A_189 = tpu.memref_slice %arg8[%run_scoped3A_141, %dma_wait3A_188] : memref<2x125xf32, #tpu.memory_space<vmem>> -> memref<1x125xf32, #tpu.memory_space<vmem>>
        %dma_wait3A_190 = tpu.memref_squeeze %dma_wait3A_189 : memref<1x125xf32, #tpu.memory_space<vmem>> -> memref<125xf32, #tpu.memory_space<vmem>>
        %dma_wait3A_191 = arith.constant 0 : i32
        %dma_wait3A_192 = tpu.memref_slice %arg7[%add3A_130, %dma_wait3A_191] : memref<80x125xi32, #tpu.memory_space<vmem>> -> memref<1x125xi32, #tpu.memory_space<vmem>>
        %dma_wait3A_193 = tpu.memref_squeeze %dma_wait3A_192 : memref<1x125xi32, #tpu.memory_space<vmem>> -> memref<125xi32, #tpu.memory_space<vmem>>
        %dma_wait3A_194 = arith.constant 0 : i32
        %dma_wait3A_195 = tpu.memref_slice %arg11[%dma_wait3A_194] : memref<10240xf32, #tpu.memory_space<vmem_shared>> -> memref<10240xf32, #tpu.memory_space<vmem_shared>>
        tpu.wait_indirect_dma semaphore(%run_scoped3A_179 : memref<!tpu.dma_semaphore, #tpu.memory_space<semaphore_mem>>) src(%dma_wait3A_190 : memref<125xf32, #tpu.memory_space<vmem>>) dst(%dma_wait3A_195 : memref<10240xf32, #tpu.memory_space<vmem_shared>>)
        tpu.yield
      }) : () -> ()
      %add3A_142 = arith.constant 2 : i32
      %add3A_143 = arith.addi %add3A_130, %add3A_142 : i32
      %dma_start3A_144 = arith.constant 0 : i32
      %dma_start3A_145 = arith.constant 0 : i32
      %dma_start3A_146 = tpu.memref_slice %arg8[%dma_start3A_144, %dma_start3A_145] : memref<2x125xf32, #tpu.memory_space<vmem>> -> memref<1x125xf32, #tpu.memory_space<vmem>>
      %dma_start3A_147 = tpu.memref_squeeze %dma_start3A_146 : memref<1x125xf32, #tpu.memory_space<vmem>> -> memref<125xf32, #tpu.memory_space<vmem>>
      %dma_start3A_148 = arith.constant 0 : i32
      %dma_start3A_149 = tpu.memref_slice %arg6[%add3A_143, %dma_start3A_148] : memref<80x125xi32, #tpu.memory_space<vmem>> -> memref<1x125xi32, #tpu.memory_space<vmem>>
      %dma_start3A_150 = tpu.memref_squeeze %dma_start3A_149 : memref<1x125xi32, #tpu.memory_space<vmem>> -> memref<125xi32, #tpu.memory_space<vmem>>
      %dma_start3A_151 = arith.constant 0 : i32
      %dma_start3A_152 = tpu.memref_slice %arg9[%dma_start3A_151] : memref<10240xf32, #tpu.memory_space<vmem_shared>> -> memref<10240xf32, #tpu.memory_space<vmem_shared>>
      tpu.enqueue_indirect_dma source(%dma_start3A_152 : memref<10240xf32, #tpu.memory_space<vmem_shared>>) target(%dma_start3A_147 : memref<125xf32, #tpu.memory_space<vmem>>) offsets(%dma_start3A_150 : memref<125xi32, #tpu.memory_space<vmem>>) semaphore(%arg13 : memref<!tpu.dma_semaphore, #tpu.memory_space<semaphore_mem>>)
      %mul3A_153 = arith.constant 2 : i32
      %mul3A_154 = arith.muli %add3A_126, %mul3A_153 : i32
      %add3A_155 = arith.constant 1 : i32
      %add3A_156 = arith.addi %mul3A_154, %add3A_155 : i32
      %dma_wait3A_157 = arith.constant 0 : i32
      %dma_wait3A_158 = arith.constant 1 : i32
      %dma_wait3A_159 = arith.constant 0 : i32
      %dma_wait3A_160 = tpu.memref_slice %arg8[%dma_wait3A_158, %dma_wait3A_159] : memref<2x125xf32, #tpu.memory_space<vmem>> -> memref<1x125xf32, #tpu.memory_space<vmem>>
      %dma_wait3A_161 = tpu.memref_squeeze %dma_wait3A_160 : memref<1x125xf32, #tpu.memory_space<vmem>> -> memref<125xf32, #tpu.memory_space<vmem>>
      %dma_wait3A_162 = arith.constant 0 : i32
      %dma_wait3A_163 = tpu.memref_slice %arg6[%dma_wait3A_157, %dma_wait3A_162] : memref<80x125xi32, #tpu.memory_space<vmem>> -> memref<1x125xi32, #tpu.memory_space<vmem>>
      %dma_wait3A_164 = tpu.memref_squeeze %dma_wait3A_163 : memref<1x125xi32, #tpu.memory_space<vmem>> -> memref<125xi32, #tpu.memory_space<vmem>>
      %dma_wait3A_165 = arith.constant 0 : i32
      %dma_wait3A_166 = tpu.memref_slice %arg9[%dma_wait3A_165] : memref<10240xf32, #tpu.memory_space<vmem_shared>> -> memref<10240xf32, #tpu.memory_space<vmem_shared>>
      tpu.wait_indirect_dma semaphore(%arg14 : memref<!tpu.dma_semaphore, #tpu.memory_space<semaphore_mem>>) src(%dma_wait3A_166 : memref<10240xf32, #tpu.memory_space<vmem_shared>>) dst(%dma_wait3A_161 : memref<125xf32, #tpu.memory_space<vmem>>)
      %run_scoped3A_167 = arith.constant 1 : i32
      "tpu.region"() ({
        %run_scoped3A_179 = tpu.sem_alloc : memref<!tpu.dma_semaphore, #tpu.memory_space<semaphore_mem>>
        %dma_start3A_180 = arith.constant 0 : i32
        %dma_start3A_181 = tpu.memref_slice %arg8[%run_scoped3A_167, %dma_start3A_180] : memref<2x125xf32, #tpu.memory_space<vmem>> -> memref<1x125xf32, #tpu.memory_space<vmem>>
        %dma_start3A_182 = tpu.memref_squeeze %dma_start3A_181 : memref<1x125xf32, #tpu.memory_space<vmem>> -> memref<125xf32, #tpu.memory_space<vmem>>
        %dma_start3A_183 = arith.constant 0 : i32
        %dma_start3A_184 = tpu.memref_slice %arg7[%add3A_156, %dma_start3A_183] : memref<80x125xi32, #tpu.memory_space<vmem>> -> memref<1x125xi32, #tpu.memory_space<vmem>>
        %dma_start3A_185 = tpu.memref_squeeze %dma_start3A_184 : memref<1x125xi32, #tpu.memory_space<vmem>> -> memref<125xi32, #tpu.memory_space<vmem>>
        %dma_start3A_186 = arith.constant 0 : i32
        %dma_start3A_187 = tpu.memref_slice %arg11[%dma_start3A_186] : memref<10240xf32, #tpu.memory_space<vmem_shared>> -> memref<10240xf32, #tpu.memory_space<vmem_shared>>
        tpu.enqueue_indirect_dma source(%dma_start3A_182 : memref<125xf32, #tpu.memory_space<vmem>>) target(%dma_start3A_187 : memref<10240xf32, #tpu.memory_space<vmem_shared>>) offsets(%dma_start3A_185 : memref<125xi32, #tpu.memory_space<vmem>>) semaphore(%run_scoped3A_179 : memref<!tpu.dma_semaphore, #tpu.memory_space<semaphore_mem>>) {add = true}
        %dma_wait3A_188 = arith.constant 0 : i32
        %dma_wait3A_189 = tpu.memref_slice %arg8[%run_scoped3A_167, %dma_wait3A_188] : memref<2x125xf32, #tpu.memory_space<vmem>> -> memref<1x125xf32, #tpu.memory_space<vmem>>
        %dma_wait3A_190 = tpu.memref_squeeze %dma_wait3A_189 : memref<1x125xf32, #tpu.memory_space<vmem>> -> memref<125xf32, #tpu.memory_space<vmem>>
        %dma_wait3A_191 = arith.constant 0 : i32
        %dma_wait3A_192 = tpu.memref_slice %arg7[%add3A_156, %dma_wait3A_191] : memref<80x125xi32, #tpu.memory_space<vmem>> -> memref<1x125xi32, #tpu.memory_space<vmem>>
        %dma_wait3A_193 = tpu.memref_squeeze %dma_wait3A_192 : memref<1x125xi32, #tpu.memory_space<vmem>> -> memref<125xi32, #tpu.memory_space<vmem>>
        %dma_wait3A_194 = arith.constant 0 : i32
        %dma_wait3A_195 = tpu.memref_slice %arg11[%dma_wait3A_194] : memref<10240xf32, #tpu.memory_space<vmem_shared>> -> memref<10240xf32, #tpu.memory_space<vmem_shared>>
        tpu.wait_indirect_dma semaphore(%run_scoped3A_179 : memref<!tpu.dma_semaphore, #tpu.memory_space<semaphore_mem>>) src(%dma_wait3A_190 : memref<125xf32, #tpu.memory_space<vmem>>) dst(%dma_wait3A_195 : memref<10240xf32, #tpu.memory_space<vmem_shared>>)
        tpu.yield
      }) : () -> ()
      %add3A_168 = arith.constant 2 : i32
      %add3A_169 = arith.addi %add3A_156, %add3A_168 : i32
      %dma_start3A_170 = arith.constant 1 : i32
      %dma_start3A_171 = arith.constant 0 : i32
      %dma_start3A_172 = tpu.memref_slice %arg8[%dma_start3A_170, %dma_start3A_171] : memref<2x125xf32, #tpu.memory_space<vmem>> -> memref<1x125xf32, #tpu.memory_space<vmem>>
      %dma_start3A_173 = tpu.memref_squeeze %dma_start3A_172 : memref<1x125xf32, #tpu.memory_space<vmem>> -> memref<125xf32, #tpu.memory_space<vmem>>
      %dma_start3A_174 = arith.constant 0 : i32
      %dma_start3A_175 = tpu.memref_slice %arg6[%add3A_169, %dma_start3A_174] : memref<80x125xi32, #tpu.memory_space<vmem>> -> memref<1x125xi32, #tpu.memory_space<vmem>>
      %dma_start3A_176 = tpu.memref_squeeze %dma_start3A_175 : memref<1x125xi32, #tpu.memory_space<vmem>> -> memref<125xi32, #tpu.memory_space<vmem>>
      %dma_start3A_177 = arith.constant 0 : i32
      %dma_start3A_178 = tpu.memref_slice %arg9[%dma_start3A_177] : memref<10240xf32, #tpu.memory_space<vmem_shared>> -> memref<10240xf32, #tpu.memory_space<vmem_shared>>
      tpu.enqueue_indirect_dma source(%dma_start3A_178 : memref<10240xf32, #tpu.memory_space<vmem_shared>>) target(%dma_start3A_173 : memref<125xf32, #tpu.memory_space<vmem>>) offsets(%dma_start3A_176 : memref<125xi32, #tpu.memory_space<vmem>>) semaphore(%arg14 : memref<!tpu.dma_semaphore, #tpu.memory_space<semaphore_mem>>)
    }
    %scan3A_32 = arith.constant 39 : i32
    %dma_wait3A = arith.constant 0 : i32
    %dma_wait3A_33 = arith.constant 0 : i32
    %dma_wait3A_34 = arith.constant 0 : i32
    %dma_wait3A_35 = tpu.memref_slice %arg8[%dma_wait3A_33, %dma_wait3A_34] : memref<2x125xf32, #tpu.memory_space<vmem>> -> memref<1x125xf32, #tpu.memory_space<vmem>>
    %dma_wait3A_36 = tpu.memref_squeeze %dma_wait3A_35 : memref<1x125xf32, #tpu.memory_space<vmem>> -> memref<125xf32, #tpu.memory_space<vmem>>
    %dma_wait3A_37 = arith.constant 0 : i32
    %dma_wait3A_38 = tpu.memref_slice %arg6[%dma_wait3A, %dma_wait3A_37] : memref<80x125xi32, #tpu.memory_space<vmem>> -> memref<1x125xi32, #tpu.memory_space<vmem>>
    %dma_wait3A_39 = tpu.memref_squeeze %dma_wait3A_38 : memref<1x125xi32, #tpu.memory_space<vmem>> -> memref<125xi32, #tpu.memory_space<vmem>>
    %dma_wait3A_40 = arith.constant 0 : i32
    %dma_wait3A_41 = tpu.memref_slice %arg9[%dma_wait3A_40] : memref<10240xf32, #tpu.memory_space<vmem_shared>> -> memref<10240xf32, #tpu.memory_space<vmem_shared>>
    tpu.wait_indirect_dma semaphore(%arg13 : memref<!tpu.dma_semaphore, #tpu.memory_space<semaphore_mem>>) src(%dma_wait3A_41 : memref<10240xf32, #tpu.memory_space<vmem_shared>>) dst(%dma_wait3A_36 : memref<125xf32, #tpu.memory_space<vmem>>)
    %run_scoped3A_42 = arith.constant 0 : i32
    %run_scoped3A_43 = arith.constant 78 : i32
    "tpu.region"() ({
      %run_scoped3A_122 = tpu.sem_alloc : memref<!tpu.dma_semaphore, #tpu.memory_space<semaphore_mem>>
      %dma_start3A_123 = arith.constant 0 : i32
      %dma_start3A_124 = tpu.memref_slice %arg8[%run_scoped3A_42, %dma_start3A_123] : memref<2x125xf32, #tpu.memory_space<vmem>> -> memref<1x125xf32, #tpu.memory_space<vmem>>
      %dma_start3A_125 = tpu.memref_squeeze %dma_start3A_124 : memref<1x125xf32, #tpu.memory_space<vmem>> -> memref<125xf32, #tpu.memory_space<vmem>>
      %dma_start3A_126 = arith.constant 0 : i32
      %dma_start3A_127 = tpu.memref_slice %arg7[%run_scoped3A_43, %dma_start3A_126] : memref<80x125xi32, #tpu.memory_space<vmem>> -> memref<1x125xi32, #tpu.memory_space<vmem>>
      %dma_start3A_128 = tpu.memref_squeeze %dma_start3A_127 : memref<1x125xi32, #tpu.memory_space<vmem>> -> memref<125xi32, #tpu.memory_space<vmem>>
      %dma_start3A_129 = arith.constant 0 : i32
      %dma_start3A_130 = tpu.memref_slice %arg11[%dma_start3A_129] : memref<10240xf32, #tpu.memory_space<vmem_shared>> -> memref<10240xf32, #tpu.memory_space<vmem_shared>>
      tpu.enqueue_indirect_dma source(%dma_start3A_125 : memref<125xf32, #tpu.memory_space<vmem>>) target(%dma_start3A_130 : memref<10240xf32, #tpu.memory_space<vmem_shared>>) offsets(%dma_start3A_128 : memref<125xi32, #tpu.memory_space<vmem>>) semaphore(%run_scoped3A_122 : memref<!tpu.dma_semaphore, #tpu.memory_space<semaphore_mem>>) {add = true}
      %dma_wait3A_131 = arith.constant 0 : i32
      %dma_wait3A_132 = tpu.memref_slice %arg8[%run_scoped3A_42, %dma_wait3A_131] : memref<2x125xf32, #tpu.memory_space<vmem>> -> memref<1x125xf32, #tpu.memory_space<vmem>>
      %dma_wait3A_133 = tpu.memref_squeeze %dma_wait3A_132 : memref<1x125xf32, #tpu.memory_space<vmem>> -> memref<125xf32, #tpu.memory_space<vmem>>
      %dma_wait3A_134 = arith.constant 0 : i32
      %dma_wait3A_135 = tpu.memref_slice %arg7[%run_scoped3A_43, %dma_wait3A_134] : memref<80x125xi32, #tpu.memory_space<vmem>> -> memref<1x125xi32, #tpu.memory_space<vmem>>
      %dma_wait3A_136 = tpu.memref_squeeze %dma_wait3A_135 : memref<1x125xi32, #tpu.memory_space<vmem>> -> memref<125xi32, #tpu.memory_space<vmem>>
      %dma_wait3A_137 = arith.constant 0 : i32
      %dma_wait3A_138 = tpu.memref_slice %arg11[%dma_wait3A_137] : memref<10240xf32, #tpu.memory_space<vmem_shared>> -> memref<10240xf32, #tpu.memory_space<vmem_shared>>
      tpu.wait_indirect_dma semaphore(%run_scoped3A_122 : memref<!tpu.dma_semaphore, #tpu.memory_space<semaphore_mem>>) src(%dma_wait3A_133 : memref<125xf32, #tpu.memory_space<vmem>>) dst(%dma_wait3A_138 : memref<10240xf32, #tpu.memory_space<vmem_shared>>)
      tpu.yield
    }) : () -> ()
    %dma_wait3A_44 = arith.constant 0 : i32
    %dma_wait3A_45 = arith.constant 1 : i32
    %dma_wait3A_46 = arith.constant 0 : i32
    %dma_wait3A_47 = tpu.memref_slice %arg8[%dma_wait3A_45, %dma_wait3A_46] : memref<2x125xf32, #tpu.memory_space<vmem>> -> memref<1x125xf32, #tpu.memory_space<vmem>>
    %dma_wait3A_48 = tpu.memref_squeeze %dma_wait3A_47 : memref<1x125xf32, #tpu.memory_space<vmem>> -> memref<125xf32, #tpu.memory_space<vmem>>
    %dma_wait3A_49 = arith.constant 0 : i32
    %dma_wait3A_50 = tpu.memref_slice %arg6[%dma_wait3A_44, %dma_wait3A_49] : memref<80x125xi32, #tpu.memory_space<vmem>> -> memref<1x125xi32, #tpu.memory_space<vmem>>
    %dma_wait3A_51 = tpu.memref_squeeze %dma_wait3A_50 : memref<1x125xi32, #tpu.memory_space<vmem>> -> memref<125xi32, #tpu.memory_space<vmem>>
    %dma_wait3A_52 = arith.constant 0 : i32
    %dma_wait3A_53 = tpu.memref_slice %arg9[%dma_wait3A_52] : memref<10240xf32, #tpu.memory_space<vmem_shared>> -> memref<10240xf32, #tpu.memory_space<vmem_shared>>
    tpu.wait_indirect_dma semaphore(%arg14 : memref<!tpu.dma_semaphore, #tpu.memory_space<semaphore_mem>>) src(%dma_wait3A_53 : memref<10240xf32, #tpu.memory_space<vmem_shared>>) dst(%dma_wait3A_48 : memref<125xf32, #tpu.memory_space<vmem>>)
    %run_scoped3A_54 = arith.constant 1 : i32
    %run_scoped3A_55 = arith.constant 79 : i32
    "tpu.region"() ({
      %run_scoped3A_122 = tpu.sem_alloc : memref<!tpu.dma_semaphore, #tpu.memory_space<semaphore_mem>>
      %dma_start3A_123 = arith.constant 0 : i32
      %dma_start3A_124 = tpu.memref_slice %arg8[%run_scoped3A_54, %dma_start3A_123] : memref<2x125xf32, #tpu.memory_space<vmem>> -> memref<1x125xf32, #tpu.memory_space<vmem>>
      %dma_start3A_125 = tpu.memref_squeeze %dma_start3A_124 : memref<1x125xf32, #tpu.memory_space<vmem>> -> memref<125xf32, #tpu.memory_space<vmem>>
      %dma_start3A_126 = arith.constant 0 : i32
      %dma_start3A_127 = tpu.memref_slice %arg7[%run_scoped3A_55, %dma_start3A_126] : memref<80x125xi32, #tpu.memory_space<vmem>> -> memref<1x125xi32, #tpu.memory_space<vmem>>
      %dma_start3A_128 = tpu.memref_squeeze %dma_start3A_127 : memref<1x125xi32, #tpu.memory_space<vmem>> -> memref<125xi32, #tpu.memory_space<vmem>>
      %dma_start3A_129 = arith.constant 0 : i32
      %dma_start3A_130 = tpu.memref_slice %arg11[%dma_start3A_129] : memref<10240xf32, #tpu.memory_space<vmem_shared>> -> memref<10240xf32, #tpu.memory_space<vmem_shared>>
      tpu.enqueue_indirect_dma source(%dma_start3A_125 : memref<125xf32, #tpu.memory_space<vmem>>) target(%dma_start3A_130 : memref<10240xf32, #tpu.memory_space<vmem_shared>>) offsets(%dma_start3A_128 : memref<125xi32, #tpu.memory_space<vmem>>) semaphore(%run_scoped3A_122 : memref<!tpu.dma_semaphore, #tpu.memory_space<semaphore_mem>>) {add = true}
      %dma_wait3A_131 = arith.constant 0 : i32
      %dma_wait3A_132 = tpu.memref_slice %arg8[%run_scoped3A_54, %dma_wait3A_131] : memref<2x125xf32, #tpu.memory_space<vmem>> -> memref<1x125xf32, #tpu.memory_space<vmem>>
      %dma_wait3A_133 = tpu.memref_squeeze %dma_wait3A_132 : memref<1x125xf32, #tpu.memory_space<vmem>> -> memref<125xf32, #tpu.memory_space<vmem>>
      %dma_wait3A_134 = arith.constant 0 : i32
      %dma_wait3A_135 = tpu.memref_slice %arg7[%run_scoped3A_55, %dma_wait3A_134] : memref<80x125xi32, #tpu.memory_space<vmem>> -> memref<1x125xi32, #tpu.memory_space<vmem>>
      %dma_wait3A_136 = tpu.memref_squeeze %dma_wait3A_135 : memref<1x125xi32, #tpu.memory_space<vmem>> -> memref<125xi32, #tpu.memory_space<vmem>>
      %dma_wait3A_137 = arith.constant 0 : i32
      %dma_wait3A_138 = tpu.memref_slice %arg11[%dma_wait3A_137] : memref<10240xf32, #tpu.memory_space<vmem_shared>> -> memref<10240xf32, #tpu.memory_space<vmem_shared>>
      tpu.wait_indirect_dma semaphore(%run_scoped3A_122 : memref<!tpu.dma_semaphore, #tpu.memory_space<semaphore_mem>>) src(%dma_wait3A_133 : memref<125xf32, #tpu.memory_space<vmem>>) dst(%dma_wait3A_138 : memref<10240xf32, #tpu.memory_space<vmem_shared>>)
      tpu.yield
    }) : () -> ()
    %dma_start3A_56 = arith.constant 0 : i32
    %dma_start3A_57 = arith.constant 0 : i32
    %dma_start3A_58 = arith.constant 0 : i32
    %dma_start3A_59 = tpu.memref_slice %arg8[%dma_start3A_57, %dma_start3A_58] : memref<2x125xf32, #tpu.memory_space<vmem>> -> memref<1x125xf32, #tpu.memory_space<vmem>>
    %dma_start3A_60 = tpu.memref_squeeze %dma_start3A_59 : memref<1x125xf32, #tpu.memory_space<vmem>> -> memref<125xf32, #tpu.memory_space<vmem>>
    %dma_start3A_61 = arith.constant 0 : i32
    %dma_start3A_62 = tpu.memref_slice %arg6[%dma_start3A_56, %dma_start3A_61] : memref<80x125xi32, #tpu.memory_space<vmem>> -> memref<1x125xi32, #tpu.memory_space<vmem>>
    %dma_start3A_63 = tpu.memref_squeeze %dma_start3A_62 : memref<1x125xi32, #tpu.memory_space<vmem>> -> memref<125xi32, #tpu.memory_space<vmem>>
    %dma_start3A_64 = arith.constant 0 : i32
    %dma_start3A_65 = tpu.memref_slice %arg10[%dma_start3A_64] : memref<10240xf32, #tpu.memory_space<vmem_shared>> -> memref<10240xf32, #tpu.memory_space<vmem_shared>>
    tpu.enqueue_indirect_dma source(%dma_start3A_65 : memref<10240xf32, #tpu.memory_space<vmem_shared>>) target(%dma_start3A_60 : memref<125xf32, #tpu.memory_space<vmem>>) offsets(%dma_start3A_63 : memref<125xi32, #tpu.memory_space<vmem>>) semaphore(%arg13 : memref<!tpu.dma_semaphore, #tpu.memory_space<semaphore_mem>>)
    %dma_start3A_66 = arith.constant 1 : i32
    %dma_start3A_67 = arith.constant 1 : i32
    %dma_start3A_68 = arith.constant 0 : i32
    %dma_start3A_69 = tpu.memref_slice %arg8[%dma_start3A_67, %dma_start3A_68] : memref<2x125xf32, #tpu.memory_space<vmem>> -> memref<1x125xf32, #tpu.memory_space<vmem>>
    %dma_start3A_70 = tpu.memref_squeeze %dma_start3A_69 : memref<1x125xf32, #tpu.memory_space<vmem>> -> memref<125xf32, #tpu.memory_space<vmem>>
    %dma_start3A_71 = arith.constant 0 : i32
    %dma_start3A_72 = tpu.memref_slice %arg6[%dma_start3A_66, %dma_start3A_71] : memref<80x125xi32, #tpu.memory_space<vmem>> -> memref<1x125xi32, #tpu.memory_space<vmem>>
    %dma_start3A_73 = tpu.memref_squeeze %dma_start3A_72 : memref<1x125xi32, #tpu.memory_space<vmem>> -> memref<125xi32, #tpu.memory_space<vmem>>
    %dma_start3A_74 = arith.constant 0 : i32
    %dma_start3A_75 = tpu.memref_slice %arg10[%dma_start3A_74] : memref<10240xf32, #tpu.memory_space<vmem_shared>> -> memref<10240xf32, #tpu.memory_space<vmem_shared>>
    tpu.enqueue_indirect_dma source(%dma_start3A_75 : memref<10240xf32, #tpu.memory_space<vmem_shared>>) target(%dma_start3A_70 : memref<125xf32, #tpu.memory_space<vmem>>) offsets(%dma_start3A_73 : memref<125xi32, #tpu.memory_space<vmem>>) semaphore(%arg14 : memref<!tpu.dma_semaphore, #tpu.memory_space<semaphore_mem>>)
    %scan3A_76 = arith.constant 0 : i32
    %scan3A_77 = arith.constant 39 : i32
    %scan3A_78 = arith.addi %scan3A_76, %scan3A_77 : i32
    %scan3A_79 = arith.constant 1 : i32
    scf.for %scan3A_122 = %scan3A_76 to %scan3A_78 step %scan3A_79  : i32 {
      %mul3A_123 = arith.constant 1 : i32
      %mul3A_124 = arith.muli %scan3A_122, %mul3A_123 : i32
      %add3A_125 = arith.constant 0 : i32
      %add3A_126 = arith.addi %add3A_125, %mul3A_124 : i32
      %mul3A_127 = arith.constant 2 : i32
      %mul3A_128 = arith.muli %add3A_126, %mul3A_127 : i32
      %add3A_129 = arith.constant 0 : i32
      %add3A_130 = arith.addi %mul3A_128, %add3A_129 : i32
      %dma_wait3A_131 = arith.constant 0 : i32
      %dma_wait3A_132 = arith.constant 0 : i32
      %dma_wait3A_133 = arith.constant 0 : i32
      %dma_wait3A_134 = tpu.memref_slice %arg8[%dma_wait3A_132, %dma_wait3A_133] : memref<2x125xf32, #tpu.memory_space<vmem>> -> memref<1x125xf32, #tpu.memory_space<vmem>>
      %dma_wait3A_135 = tpu.memref_squeeze %dma_wait3A_134 : memref<1x125xf32, #tpu.memory_space<vmem>> -> memref<125xf32, #tpu.memory_space<vmem>>
      %dma_wait3A_136 = arith.constant 0 : i32
      %dma_wait3A_137 = tpu.memref_slice %arg6[%dma_wait3A_131, %dma_wait3A_136] : memref<80x125xi32, #tpu.memory_space<vmem>> -> memref<1x125xi32, #tpu.memory_space<vmem>>
      %dma_wait3A_138 = tpu.memref_squeeze %dma_wait3A_137 : memref<1x125xi32, #tpu.memory_space<vmem>> -> memref<125xi32, #tpu.memory_space<vmem>>
      %dma_wait3A_139 = arith.constant 0 : i32
      %dma_wait3A_140 = tpu.memref_slice %arg10[%dma_wait3A_139] : memref<10240xf32, #tpu.memory_space<vmem_shared>> -> memref<10240xf32, #tpu.memory_space<vmem_shared>>
      tpu.wait_indirect_dma semaphore(%arg13 : memref<!tpu.dma_semaphore, #tpu.memory_space<semaphore_mem>>) src(%dma_wait3A_140 : memref<10240xf32, #tpu.memory_space<vmem_shared>>) dst(%dma_wait3A_135 : memref<125xf32, #tpu.memory_space<vmem>>)
      %run_scoped3A_141 = arith.constant 0 : i32
      "tpu.region"() ({
        %run_scoped3A_179 = tpu.sem_alloc : memref<!tpu.dma_semaphore, #tpu.memory_space<semaphore_mem>>
        %dma_start3A_180 = arith.constant 0 : i32
        %dma_start3A_181 = tpu.memref_slice %arg8[%run_scoped3A_141, %dma_start3A_180] : memref<2x125xf32, #tpu.memory_space<vmem>> -> memref<1x125xf32, #tpu.memory_space<vmem>>
        %dma_start3A_182 = tpu.memref_squeeze %dma_start3A_181 : memref<1x125xf32, #tpu.memory_space<vmem>> -> memref<125xf32, #tpu.memory_space<vmem>>
        %dma_start3A_183 = arith.constant 0 : i32
        %dma_start3A_184 = tpu.memref_slice %arg7[%add3A_130, %dma_start3A_183] : memref<80x125xi32, #tpu.memory_space<vmem>> -> memref<1x125xi32, #tpu.memory_space<vmem>>
        %dma_start3A_185 = tpu.memref_squeeze %dma_start3A_184 : memref<1x125xi32, #tpu.memory_space<vmem>> -> memref<125xi32, #tpu.memory_space<vmem>>
        %dma_start3A_186 = arith.constant 0 : i32
        %dma_start3A_187 = tpu.memref_slice %arg12[%dma_start3A_186] : memref<10240xf32, #tpu.memory_space<vmem_shared>> -> memref<10240xf32, #tpu.memory_space<vmem_shared>>
        tpu.enqueue_indirect_dma source(%dma_start3A_182 : memref<125xf32, #tpu.memory_space<vmem>>) target(%dma_start3A_187 : memref<10240xf32, #tpu.memory_space<vmem_shared>>) offsets(%dma_start3A_185 : memref<125xi32, #tpu.memory_space<vmem>>) semaphore(%run_scoped3A_179 : memref<!tpu.dma_semaphore, #tpu.memory_space<semaphore_mem>>) {add = true}
        %dma_wait3A_188 = arith.constant 0 : i32
        %dma_wait3A_189 = tpu.memref_slice %arg8[%run_scoped3A_141, %dma_wait3A_188] : memref<2x125xf32, #tpu.memory_space<vmem>> -> memref<1x125xf32, #tpu.memory_space<vmem>>
        %dma_wait3A_190 = tpu.memref_squeeze %dma_wait3A_189 : memref<1x125xf32, #tpu.memory_space<vmem>> -> memref<125xf32, #tpu.memory_space<vmem>>
        %dma_wait3A_191 = arith.constant 0 : i32
        %dma_wait3A_192 = tpu.memref_slice %arg7[%add3A_130, %dma_wait3A_191] : memref<80x125xi32, #tpu.memory_space<vmem>> -> memref<1x125xi32, #tpu.memory_space<vmem>>
        %dma_wait3A_193 = tpu.memref_squeeze %dma_wait3A_192 : memref<1x125xi32, #tpu.memory_space<vmem>> -> memref<125xi32, #tpu.memory_space<vmem>>
        %dma_wait3A_194 = arith.constant 0 : i32
        %dma_wait3A_195 = tpu.memref_slice %arg12[%dma_wait3A_194] : memref<10240xf32, #tpu.memory_space<vmem_shared>> -> memref<10240xf32, #tpu.memory_space<vmem_shared>>
        tpu.wait_indirect_dma semaphore(%run_scoped3A_179 : memref<!tpu.dma_semaphore, #tpu.memory_space<semaphore_mem>>) src(%dma_wait3A_190 : memref<125xf32, #tpu.memory_space<vmem>>) dst(%dma_wait3A_195 : memref<10240xf32, #tpu.memory_space<vmem_shared>>)
        tpu.yield
      }) : () -> ()
      %add3A_142 = arith.constant 2 : i32
      %add3A_143 = arith.addi %add3A_130, %add3A_142 : i32
      %dma_start3A_144 = arith.constant 0 : i32
      %dma_start3A_145 = arith.constant 0 : i32
      %dma_start3A_146 = tpu.memref_slice %arg8[%dma_start3A_144, %dma_start3A_145] : memref<2x125xf32, #tpu.memory_space<vmem>> -> memref<1x125xf32, #tpu.memory_space<vmem>>
      %dma_start3A_147 = tpu.memref_squeeze %dma_start3A_146 : memref<1x125xf32, #tpu.memory_space<vmem>> -> memref<125xf32, #tpu.memory_space<vmem>>
      %dma_start3A_148 = arith.constant 0 : i32
      %dma_start3A_149 = tpu.memref_slice %arg6[%add3A_143, %dma_start3A_148] : memref<80x125xi32, #tpu.memory_space<vmem>> -> memref<1x125xi32, #tpu.memory_space<vmem>>
      %dma_start3A_150 = tpu.memref_squeeze %dma_start3A_149 : memref<1x125xi32, #tpu.memory_space<vmem>> -> memref<125xi32, #tpu.memory_space<vmem>>
      %dma_start3A_151 = arith.constant 0 : i32
      %dma_start3A_152 = tpu.memref_slice %arg10[%dma_start3A_151] : memref<10240xf32, #tpu.memory_space<vmem_shared>> -> memref<10240xf32, #tpu.memory_space<vmem_shared>>
      tpu.enqueue_indirect_dma source(%dma_start3A_152 : memref<10240xf32, #tpu.memory_space<vmem_shared>>) target(%dma_start3A_147 : memref<125xf32, #tpu.memory_space<vmem>>) offsets(%dma_start3A_150 : memref<125xi32, #tpu.memory_space<vmem>>) semaphore(%arg13 : memref<!tpu.dma_semaphore, #tpu.memory_space<semaphore_mem>>)
      %mul3A_153 = arith.constant 2 : i32
      %mul3A_154 = arith.muli %add3A_126, %mul3A_153 : i32
      %add3A_155 = arith.constant 1 : i32
      %add3A_156 = arith.addi %mul3A_154, %add3A_155 : i32
      %dma_wait3A_157 = arith.constant 0 : i32
      %dma_wait3A_158 = arith.constant 1 : i32
      %dma_wait3A_159 = arith.constant 0 : i32
      %dma_wait3A_160 = tpu.memref_slice %arg8[%dma_wait3A_158, %dma_wait3A_159] : memref<2x125xf32, #tpu.memory_space<vmem>> -> memref<1x125xf32, #tpu.memory_space<vmem>>
      %dma_wait3A_161 = tpu.memref_squeeze %dma_wait3A_160 : memref<1x125xf32, #tpu.memory_space<vmem>> -> memref<125xf32, #tpu.memory_space<vmem>>
      %dma_wait3A_162 = arith.constant 0 : i32
      %dma_wait3A_163 = tpu.memref_slice %arg6[%dma_wait3A_157, %dma_wait3A_162] : memref<80x125xi32, #tpu.memory_space<vmem>> -> memref<1x125xi32, #tpu.memory_space<vmem>>
      %dma_wait3A_164 = tpu.memref_squeeze %dma_wait3A_163 : memref<1x125xi32, #tpu.memory_space<vmem>> -> memref<125xi32, #tpu.memory_space<vmem>>
      %dma_wait3A_165 = arith.constant 0 : i32
      %dma_wait3A_166 = tpu.memref_slice %arg10[%dma_wait3A_165] : memref<10240xf32, #tpu.memory_space<vmem_shared>> -> memref<10240xf32, #tpu.memory_space<vmem_shared>>
      tpu.wait_indirect_dma semaphore(%arg14 : memref<!tpu.dma_semaphore, #tpu.memory_space<semaphore_mem>>) src(%dma_wait3A_166 : memref<10240xf32, #tpu.memory_space<vmem_shared>>) dst(%dma_wait3A_161 : memref<125xf32, #tpu.memory_space<vmem>>)
      %run_scoped3A_167 = arith.constant 1 : i32
      "tpu.region"() ({
        %run_scoped3A_179 = tpu.sem_alloc : memref<!tpu.dma_semaphore, #tpu.memory_space<semaphore_mem>>
        %dma_start3A_180 = arith.constant 0 : i32
        %dma_start3A_181 = tpu.memref_slice %arg8[%run_scoped3A_167, %dma_start3A_180] : memref<2x125xf32, #tpu.memory_space<vmem>> -> memref<1x125xf32, #tpu.memory_space<vmem>>
        %dma_start3A_182 = tpu.memref_squeeze %dma_start3A_181 : memref<1x125xf32, #tpu.memory_space<vmem>> -> memref<125xf32, #tpu.memory_space<vmem>>
        %dma_start3A_183 = arith.constant 0 : i32
        %dma_start3A_184 = tpu.memref_slice %arg7[%add3A_156, %dma_start3A_183] : memref<80x125xi32, #tpu.memory_space<vmem>> -> memref<1x125xi32, #tpu.memory_space<vmem>>
        %dma_start3A_185 = tpu.memref_squeeze %dma_start3A_184 : memref<1x125xi32, #tpu.memory_space<vmem>> -> memref<125xi32, #tpu.memory_space<vmem>>
        %dma_start3A_186 = arith.constant 0 : i32
        %dma_start3A_187 = tpu.memref_slice %arg12[%dma_start3A_186] : memref<10240xf32, #tpu.memory_space<vmem_shared>> -> memref<10240xf32, #tpu.memory_space<vmem_shared>>
        tpu.enqueue_indirect_dma source(%dma_start3A_182 : memref<125xf32, #tpu.memory_space<vmem>>) target(%dma_start3A_187 : memref<10240xf32, #tpu.memory_space<vmem_shared>>) offsets(%dma_start3A_185 : memref<125xi32, #tpu.memory_space<vmem>>) semaphore(%run_scoped3A_179 : memref<!tpu.dma_semaphore, #tpu.memory_space<semaphore_mem>>) {add = true}
        %dma_wait3A_188 = arith.constant 0 : i32
        %dma_wait3A_189 = tpu.memref_slice %arg8[%run_scoped3A_167, %dma_wait3A_188] : memref<2x125xf32, #tpu.memory_space<vmem>> -> memref<1x125xf32, #tpu.memory_space<vmem>>
        %dma_wait3A_190 = tpu.memref_squeeze %dma_wait3A_189 : memref<1x125xf32, #tpu.memory_space<vmem>> -> memref<125xf32, #tpu.memory_space<vmem>>
        %dma_wait3A_191 = arith.constant 0 : i32
        %dma_wait3A_192 = tpu.memref_slice %arg7[%add3A_156, %dma_wait3A_191] : memref<80x125xi32, #tpu.memory_space<vmem>> -> memref<1x125xi32, #tpu.memory_space<vmem>>
        %dma_wait3A_193 = tpu.memref_squeeze %dma_wait3A_192 : memref<1x125xi32, #tpu.memory_space<vmem>> -> memref<125xi32, #tpu.memory_space<vmem>>
        %dma_wait3A_194 = arith.constant 0 : i32
        %dma_wait3A_195 = tpu.memref_slice %arg12[%dma_wait3A_194] : memref<10240xf32, #tpu.memory_space<vmem_shared>> -> memref<10240xf32, #tpu.memory_space<vmem_shared>>
        tpu.wait_indirect_dma semaphore(%run_scoped3A_179 : memref<!tpu.dma_semaphore, #tpu.memory_space<semaphore_mem>>) src(%dma_wait3A_190 : memref<125xf32, #tpu.memory_space<vmem>>) dst(%dma_wait3A_195 : memref<10240xf32, #tpu.memory_space<vmem_shared>>)
        tpu.yield
      }) : () -> ()
      %add3A_168 = arith.constant 2 : i32
      %add3A_169 = arith.addi %add3A_156, %add3A_168 : i32
      %dma_start3A_170 = arith.constant 1 : i32
      %dma_start3A_171 = arith.constant 0 : i32
      %dma_start3A_172 = tpu.memref_slice %arg8[%dma_start3A_170, %dma_start3A_171] : memref<2x125xf32, #tpu.memory_space<vmem>> -> memref<1x125xf32, #tpu.memory_space<vmem>>
      %dma_start3A_173 = tpu.memref_squeeze %dma_start3A_172 : memref<1x125xf32, #tpu.memory_space<vmem>> -> memref<125xf32, #tpu.memory_space<vmem>>
      %dma_start3A_174 = arith.constant 0 : i32
      %dma_start3A_175 = tpu.memref_slice %arg6[%add3A_169, %dma_start3A_174] : memref<80x125xi32, #tpu.memory_space<vmem>> -> memref<1x125xi32, #tpu.memory_space<vmem>>
      %dma_start3A_176 = tpu.memref_squeeze %dma_start3A_175 : memref<1x125xi32, #tpu.memory_space<vmem>> -> memref<125xi32, #tpu.memory_space<vmem>>
      %dma_start3A_177 = arith.constant 0 : i32
      %dma_start3A_178 = tpu.memref_slice %arg10[%dma_start3A_177] : memref<10240xf32, #tpu.memory_space<vmem_shared>> -> memref<10240xf32, #tpu.memory_space<vmem_shared>>
      tpu.enqueue_indirect_dma source(%dma_start3A_178 : memref<10240xf32, #tpu.memory_space<vmem_shared>>) target(%dma_start3A_173 : memref<125xf32, #tpu.memory_space<vmem>>) offsets(%dma_start3A_176 : memref<125xi32, #tpu.memory_space<vmem>>) semaphore(%arg14 : memref<!tpu.dma_semaphore, #tpu.memory_space<semaphore_mem>>)
    }
    %scan3A_80 = arith.constant 39 : i32
    %dma_wait3A_81 = arith.constant 0 : i32
    %dma_wait3A_82 = arith.constant 0 : i32
    %dma_wait3A_83 = arith.constant 0 : i32
    %dma_wait3A_84 = tpu.memref_slice %arg8[%dma_wait3A_82, %dma_wait3A_83] : memref<2x125xf32, #tpu.memory_space<vmem>> -> memref<1x125xf32, #tpu.memory_space<vmem>>
    %dma_wait3A_85 = tpu.memref_squeeze %dma_wait3A_84 : memref<1x125xf32, #tpu.memory_space<vmem>> -> memref<125xf32, #tpu.memory_space<vmem>>
    %dma_wait3A_86 = arith.constant 0 : i32
    %dma_wait3A_87 = tpu.memref_slice %arg6[%dma_wait3A_81, %dma_wait3A_86] : memref<80x125xi32, #tpu.memory_space<vmem>> -> memref<1x125xi32, #tpu.memory_space<vmem>>
    %dma_wait3A_88 = tpu.memref_squeeze %dma_wait3A_87 : memref<1x125xi32, #tpu.memory_space<vmem>> -> memref<125xi32, #tpu.memory_space<vmem>>
    %dma_wait3A_89 = arith.constant 0 : i32
    %dma_wait3A_90 = tpu.memref_slice %arg10[%dma_wait3A_89] : memref<10240xf32, #tpu.memory_space<vmem_shared>> -> memref<10240xf32, #tpu.memory_space<vmem_shared>>
    tpu.wait_indirect_dma semaphore(%arg13 : memref<!tpu.dma_semaphore, #tpu.memory_space<semaphore_mem>>) src(%dma_wait3A_90 : memref<10240xf32, #tpu.memory_space<vmem_shared>>) dst(%dma_wait3A_85 : memref<125xf32, #tpu.memory_space<vmem>>)
    %run_scoped3A_91 = arith.constant 0 : i32
    %run_scoped3A_92 = arith.constant 78 : i32
    "tpu.region"() ({
      %run_scoped3A_122 = tpu.sem_alloc : memref<!tpu.dma_semaphore, #tpu.memory_space<semaphore_mem>>
      %dma_start3A_123 = arith.constant 0 : i32
      %dma_start3A_124 = tpu.memref_slice %arg8[%run_scoped3A_91, %dma_start3A_123] : memref<2x125xf32, #tpu.memory_space<vmem>> -> memref<1x125xf32, #tpu.memory_space<vmem>>
      %dma_start3A_125 = tpu.memref_squeeze %dma_start3A_124 : memref<1x125xf32, #tpu.memory_space<vmem>> -> memref<125xf32, #tpu.memory_space<vmem>>
      %dma_start3A_126 = arith.constant 0 : i32
      %dma_start3A_127 = tpu.memref_slice %arg7[%run_scoped3A_92, %dma_start3A_126] : memref<80x125xi32, #tpu.memory_space<vmem>> -> memref<1x125xi32, #tpu.memory_space<vmem>>
      %dma_start3A_128 = tpu.memref_squeeze %dma_start3A_127 : memref<1x125xi32, #tpu.memory_space<vmem>> -> memref<125xi32, #tpu.memory_space<vmem>>
      %dma_start3A_129 = arith.constant 0 : i32
      %dma_start3A_130 = tpu.memref_slice %arg12[%dma_start3A_129] : memref<10240xf32, #tpu.memory_space<vmem_shared>> -> memref<10240xf32, #tpu.memory_space<vmem_shared>>
      tpu.enqueue_indirect_dma source(%dma_start3A_125 : memref<125xf32, #tpu.memory_space<vmem>>) target(%dma_start3A_130 : memref<10240xf32, #tpu.memory_space<vmem_shared>>) offsets(%dma_start3A_128 : memref<125xi32, #tpu.memory_space<vmem>>) semaphore(%run_scoped3A_122 : memref<!tpu.dma_semaphore, #tpu.memory_space<semaphore_mem>>) {add = true}
      %dma_wait3A_131 = arith.constant 0 : i32
      %dma_wait3A_132 = tpu.memref_slice %arg8[%run_scoped3A_91, %dma_wait3A_131] : memref<2x125xf32, #tpu.memory_space<vmem>> -> memref<1x125xf32, #tpu.memory_space<vmem>>
      %dma_wait3A_133 = tpu.memref_squeeze %dma_wait3A_132 : memref<1x125xf32, #tpu.memory_space<vmem>> -> memref<125xf32, #tpu.memory_space<vmem>>
      %dma_wait3A_134 = arith.constant 0 : i32
      %dma_wait3A_135 = tpu.memref_slice %arg7[%run_scoped3A_92, %dma_wait3A_134] : memref<80x125xi32, #tpu.memory_space<vmem>> -> memref<1x125xi32, #tpu.memory_space<vmem>>
      %dma_wait3A_136 = tpu.memref_squeeze %dma_wait3A_135 : memref<1x125xi32, #tpu.memory_space<vmem>> -> memref<125xi32, #tpu.memory_space<vmem>>
      %dma_wait3A_137 = arith.constant 0 : i32
      %dma_wait3A_138 = tpu.memref_slice %arg12[%dma_wait3A_137] : memref<10240xf32, #tpu.memory_space<vmem_shared>> -> memref<10240xf32, #tpu.memory_space<vmem_shared>>
      tpu.wait_indirect_dma semaphore(%run_scoped3A_122 : memref<!tpu.dma_semaphore, #tpu.memory_space<semaphore_mem>>) src(%dma_wait3A_133 : memref<125xf32, #tpu.memory_space<vmem>>) dst(%dma_wait3A_138 : memref<10240xf32, #tpu.memory_space<vmem_shared>>)
      tpu.yield
    }) : () -> ()
    %dma_wait3A_93 = arith.constant 0 : i32
    %dma_wait3A_94 = arith.constant 1 : i32
    %dma_wait3A_95 = arith.constant 0 : i32
    %dma_wait3A_96 = tpu.memref_slice %arg8[%dma_wait3A_94, %dma_wait3A_95] : memref<2x125xf32, #tpu.memory_space<vmem>> -> memref<1x125xf32, #tpu.memory_space<vmem>>
    %dma_wait3A_97 = tpu.memref_squeeze %dma_wait3A_96 : memref<1x125xf32, #tpu.memory_space<vmem>> -> memref<125xf32, #tpu.memory_space<vmem>>
    %dma_wait3A_98 = arith.constant 0 : i32
    %dma_wait3A_99 = tpu.memref_slice %arg6[%dma_wait3A_93, %dma_wait3A_98] : memref<80x125xi32, #tpu.memory_space<vmem>> -> memref<1x125xi32, #tpu.memory_space<vmem>>
    %dma_wait3A_100 = tpu.memref_squeeze %dma_wait3A_99 : memref<1x125xi32, #tpu.memory_space<vmem>> -> memref<125xi32, #tpu.memory_space<vmem>>
    %dma_wait3A_101 = arith.constant 0 : i32
    %dma_wait3A_102 = tpu.memref_slice %arg10[%dma_wait3A_101] : memref<10240xf32, #tpu.memory_space<vmem_shared>> -> memref<10240xf32, #tpu.memory_space<vmem_shared>>
    tpu.wait_indirect_dma semaphore(%arg14 : memref<!tpu.dma_semaphore, #tpu.memory_space<semaphore_mem>>) src(%dma_wait3A_102 : memref<10240xf32, #tpu.memory_space<vmem_shared>>) dst(%dma_wait3A_97 : memref<125xf32, #tpu.memory_space<vmem>>)
    %run_scoped3A_103 = arith.constant 1 : i32
    %run_scoped3A_104 = arith.constant 79 : i32
    "tpu.region"() ({
      %run_scoped3A_122 = tpu.sem_alloc : memref<!tpu.dma_semaphore, #tpu.memory_space<semaphore_mem>>
      %dma_start3A_123 = arith.constant 0 : i32
      %dma_start3A_124 = tpu.memref_slice %arg8[%run_scoped3A_103, %dma_start3A_123] : memref<2x125xf32, #tpu.memory_space<vmem>> -> memref<1x125xf32, #tpu.memory_space<vmem>>
      %dma_start3A_125 = tpu.memref_squeeze %dma_start3A_124 : memref<1x125xf32, #tpu.memory_space<vmem>> -> memref<125xf32, #tpu.memory_space<vmem>>
      %dma_start3A_126 = arith.constant 0 : i32
      %dma_start3A_127 = tpu.memref_slice %arg7[%run_scoped3A_104, %dma_start3A_126] : memref<80x125xi32, #tpu.memory_space<vmem>> -> memref<1x125xi32, #tpu.memory_space<vmem>>
      %dma_start3A_128 = tpu.memref_squeeze %dma_start3A_127 : memref<1x125xi32, #tpu.memory_space<vmem>> -> memref<125xi32, #tpu.memory_space<vmem>>
      %dma_start3A_129 = arith.constant 0 : i32
      %dma_start3A_130 = tpu.memref_slice %arg12[%dma_start3A_129] : memref<10240xf32, #tpu.memory_space<vmem_shared>> -> memref<10240xf32, #tpu.memory_space<vmem_shared>>
      tpu.enqueue_indirect_dma source(%dma_start3A_125 : memref<125xf32, #tpu.memory_space<vmem>>) target(%dma_start3A_130 : memref<10240xf32, #tpu.memory_space<vmem_shared>>) offsets(%dma_start3A_128 : memref<125xi32, #tpu.memory_space<vmem>>) semaphore(%run_scoped3A_122 : memref<!tpu.dma_semaphore, #tpu.memory_space<semaphore_mem>>) {add = true}
      %dma_wait3A_131 = arith.constant 0 : i32
      %dma_wait3A_132 = tpu.memref_slice %arg8[%run_scoped3A_103, %dma_wait3A_131] : memref<2x125xf32, #tpu.memory_space<vmem>> -> memref<1x125xf32, #tpu.memory_space<vmem>>
      %dma_wait3A_133 = tpu.memref_squeeze %dma_wait3A_132 : memref<1x125xf32, #tpu.memory_space<vmem>> -> memref<125xf32, #tpu.memory_space<vmem>>
      %dma_wait3A_134 = arith.constant 0 : i32
      %dma_wait3A_135 = tpu.memref_slice %arg7[%run_scoped3A_104, %dma_wait3A_134] : memref<80x125xi32, #tpu.memory_space<vmem>> -> memref<1x125xi32, #tpu.memory_space<vmem>>
      %dma_wait3A_136 = tpu.memref_squeeze %dma_wait3A_135 : memref<1x125xi32, #tpu.memory_space<vmem>> -> memref<125xi32, #tpu.memory_space<vmem>>
      %dma_wait3A_137 = arith.constant 0 : i32
      %dma_wait3A_138 = tpu.memref_slice %arg12[%dma_wait3A_137] : memref<10240xf32, #tpu.memory_space<vmem_shared>> -> memref<10240xf32, #tpu.memory_space<vmem_shared>>
      tpu.wait_indirect_dma semaphore(%run_scoped3A_122 : memref<!tpu.dma_semaphore, #tpu.memory_space<semaphore_mem>>) src(%dma_wait3A_133 : memref<125xf32, #tpu.memory_space<vmem>>) dst(%dma_wait3A_138 : memref<10240xf32, #tpu.memory_space<vmem_shared>>)
      tpu.yield
    }) : () -> ()
    %barrier3A_105 = arith.constant 0 : index
    tpu.barrier barrier_id(%barrier3A_105)
    %mul3A_106 = arith.constant 2 : i32
    %mul3A_107 = arith.muli %arg0, %mul3A_106 : i32
    %mul3A_108 = arith.constant 10240 : i32
    %mul3A_109 = arith.muli %mul3A_107, %mul3A_108 : i32
    %mul3A_110 = arith.constant 640 : i32
    %mul3A_111 = arith.muli %arg1, %mul3A_110 : i32
    %add3A_112 = arith.addi %mul3A_109, %mul3A_111 : i32
    "tpu.region"() ({
      %run_scoped3A_122 = tpu.sem_alloc : memref<!tpu.dma_semaphore, #tpu.memory_space<semaphore_mem>>
      %dma_start3A_123 = tpu.memref_slice %arg5[%add3A_112] : memref<40960xf32, #tpu.memory_space<hbm>> -> memref<640xf32, #tpu.memory_space<hbm>>
      %dma_start3A_124 = tpu.memref_slice %arg11[%mul3A_3] : memref<10240xf32, #tpu.memory_space<vmem_shared>> -> memref<640xf32, #tpu.memory_space<vmem_shared>>
      tpu.enqueue_dma source(%dma_start3A_124 : memref<640xf32, #tpu.memory_space<vmem_shared>>) target(%dma_start3A_123 : memref<640xf32, #tpu.memory_space<hbm>>) target_semaphore(%run_scoped3A_122 : memref<!tpu.dma_semaphore, #tpu.memory_space<semaphore_mem>>)
      %dma_wait3A_125 = tpu.memref_slice %arg5[%add3A_112] : memref<40960xf32, #tpu.memory_space<hbm>> -> memref<640xf32, #tpu.memory_space<hbm>>
      %dma_wait3A_126 = tpu.memref_slice %arg11[%mul3A_3] : memref<10240xf32, #tpu.memory_space<vmem_shared>> -> memref<640xf32, #tpu.memory_space<vmem_shared>>
      tpu.wait_dma2 semaphore(%run_scoped3A_122 : memref<!tpu.dma_semaphore, #tpu.memory_space<semaphore_mem>>) src(%dma_wait3A_126 : memref<640xf32, #tpu.memory_space<vmem_shared>>) dst(%dma_wait3A_125 : memref<640xf32, #tpu.memory_space<hbm>>)
      tpu.yield
    }) : () -> ()
    %mul3A_113 = arith.constant 2 : i32
    %mul3A_114 = arith.muli %arg0, %mul3A_113 : i32
    %mul3A_115 = arith.constant 10240 : i32
    %mul3A_116 = arith.muli %mul3A_114, %mul3A_115 : i32
    %add3A_117 = arith.constant 10240 : i32
    %add3A_118 = arith.addi %mul3A_116, %add3A_117 : i32
    %mul3A_119 = arith.constant 640 : i32
    %mul3A_120 = arith.muli %arg1, %mul3A_119 : i32
    %add3A_121 = arith.addi %add3A_118, %mul3A_120 : i32
    "tpu.region"() ({
      %run_scoped3A_122 = tpu.sem_alloc : memref<!tpu.dma_semaphore, #tpu.memory_space<semaphore_mem>>
      %dma_start3A_123 = tpu.memref_slice %arg5[%add3A_121] : memref<40960xf32, #tpu.memory_space<hbm>> -> memref<640xf32, #tpu.memory_space<hbm>>
      %dma_start3A_124 = tpu.memref_slice %arg12[%mul3A_3] : memref<10240xf32, #tpu.memory_space<vmem_shared>> -> memref<640xf32, #tpu.memory_space<vmem_shared>>
      tpu.enqueue_dma source(%dma_start3A_124 : memref<640xf32, #tpu.memory_space<vmem_shared>>) target(%dma_start3A_123 : memref<640xf32, #tpu.memory_space<hbm>>) target_semaphore(%run_scoped3A_122 : memref<!tpu.dma_semaphore, #tpu.memory_space<semaphore_mem>>)
      %dma_wait3A_125 = tpu.memref_slice %arg5[%add3A_121] : memref<40960xf32, #tpu.memory_space<hbm>> -> memref<640xf32, #tpu.memory_space<hbm>>
      %dma_wait3A_126 = tpu.memref_slice %arg12[%mul3A_3] : memref<10240xf32, #tpu.memory_space<vmem_shared>> -> memref<640xf32, #tpu.memory_space<vmem_shared>>
      tpu.wait_dma2 semaphore(%run_scoped3A_122 : memref<!tpu.dma_semaphore, #tpu.memory_space<semaphore_mem>>) src(%dma_wait3A_126 : memref<640xf32, #tpu.memory_space<vmem_shared>>) dst(%dma_wait3A_125 : memref<640xf32, #tpu.memory_space<hbm>>)
      tpu.yield
    }) : () -> ()
    return
  }
}

module attributes {stable_mosaic.version = 14 : i64} {
  func.func @_mm_scale_body(%arg0: i32, %arg1: memref<1000x128xf32, #tpu.memory_space<vmem>>, %arg2: memref<128x128xf32, #tpu.memory_space<vmem>>, %arg3: memref<2x1000x1xf32, #tpu.memory_space<vmem>>, %arg4: memref<1000x128xf32, #tpu.memory_space<vmem>>) attributes {dimension_semantics = [#tpu.dimension_semantics<arbitrary>], iteration_bounds = array<i64: 10>, scalar_prefetch = 0 : i64, scratch_operands = 0 : i64, tpu.core_type = #tpu.core_type<tc>, window_params = [{transform_indices = @transform_0, window_bounds = array<i64: 1000, 128>}, {pipeline_mode = #tpu.pipeline_mode<synchronous>, transform_indices = @transform_1, window_bounds = array<i64: 128, 128>}, {transform_indices = @transform_2, window_bounds = array<i64: 2, 1000, 1>}, {transform_indices = @transform_3, window_bounds = array<i64: 1000, 128>}]} {
    %get3A = arith.constant 0 : index
    %get3A_0 = arith.constant 0 : index
    %get3A_1 = vector.load %arg1[%get3A, %get3A_0] : memref<1000x128xf32, #tpu.memory_space<vmem>>, vector<1000x128xf32>
    %get3A_2 = arith.constant 0 : index
    %get3A_3 = arith.constant 0 : index
    %get3A_4 = vector.load %arg2[%get3A_2, %get3A_3] : memref<128x128xf32, #tpu.memory_space<vmem>>, vector<128x128xf32>
    %dot_general3A = arith.constant dense<0.000000e+00> : vector<1000x128xf32>
    %dot_general3A_5 = tpu.matmul %get3A_1, %get3A_4, %dot_general3A {dimension_numbers = #tpu.dot_dimension_numbers<[1], [0], [0], [1], [0, 0, 1, 1], [], []>, transpose_lhs_hint = false} : vector<1000x128xf32>, vector<128x128xf32>, vector<1000x128xf32> -> vector<1000x128xf32>
    %get3A_6 = arith.constant 0 : index
    %get3A_7 = arith.constant 0 : index
    %get3A_8 = arith.constant 0 : index
    %get3A_9 = vector.load %arg3[%get3A_6, %get3A_7, %get3A_8] : memref<2x1000x1xf32, #tpu.memory_space<vmem>>, vector<1x1000x1xf32>
    %get3A_10 = vector.shape_cast %get3A_9 : vector<1x1000x1xf32> to vector<1000x1xf32>
    %get3A_11 = arith.constant 1 : index
    %get3A_12 = arith.constant 0 : index
    %get3A_13 = arith.constant 0 : index
    %get3A_14 = vector.load %arg3[%get3A_11, %get3A_12, %get3A_13] : memref<2x1000x1xf32, #tpu.memory_space<vmem>>, vector<1x1000x1xf32>
    %get3A_15 = vector.shape_cast %get3A_14 : vector<1x1000x1xf32> to vector<1000x1xf32>
    %add3A = arith.addf %get3A_10, %get3A_15 : vector<1000x1xf32>
    %add3A_16 = arith.constant 1.000000e+00 : f32
    %add3A_17 = vector.broadcast %add3A_16 : f32 to vector<1000x1xf32>
    %add3A_18 = arith.addf %add3A, %add3A_17 : vector<1000x1xf32>
    %rsqrt3A = math.rsqrt %add3A_18 : vector<1000x1xf32>
    %mul3A = vector.broadcast %rsqrt3A : vector<1000x1xf32> to vector<1000x128xf32>
    %mul3A_19 = arith.mulf %dot_general3A_5, %mul3A : vector<1000x128xf32>
    %swap3A = arith.constant 0 : index
    %swap3A_20 = arith.constant 0 : index
    %swap3A_21 = vector.load %arg4[%swap3A, %swap3A_20] : memref<1000x128xf32, #tpu.memory_space<vmem>>, vector<1000x128xf32>
    tpu.vector_store %arg4[%swap3A, %swap3A_20], %mul3A_19 {strides = array<i32>} : memref<1000x128xf32, #tpu.memory_space<vmem>>, vector<1000x128xf32>,
    return
  }
  func.func @transform_0(%arg0: i32) -> (i32, i32) {
    %c0_i32 = arith.constant 0 : i32
    %c0_i32_0 = arith.constant 0 : i32
    return %arg0, %c0_i32 : i32, i32
  }
  func.func @transform_1(%arg0: i32) -> (i32, i32) {
    %c0_i32 = arith.constant 0 : i32
    %c0_i32_0 = arith.constant 0 : i32
    %c0_i32_1 = arith.constant 0 : i32
    return %c0_i32, %c0_i32_0 : i32, i32
  }
  func.func @transform_2(%arg0: i32) -> (i32, i32, i32) {
    %c0_i32 = arith.constant 0 : i32
    %c0_i32_0 = arith.constant 0 : i32
    %c0_i32_1 = arith.constant 0 : i32
    return %c0_i32, %arg0, %c0_i32_0 : i32, i32, i32
  }
  func.func @transform_3(%arg0: i32) -> (i32, i32) {
    %c0_i32 = arith.constant 0 : i32
    %c0_i32_0 = arith.constant 0 : i32
    return %arg0, %c0_i32 : i32, i32
  }
}

module attributes {stable_mosaic.version = 14 : i64} {
  func.func @_epilogue1_body(%arg0: i32, %arg1: memref<2x1000x128xf32, #tpu.memory_space<vmem>>, %arg2: memref<1000x128xf32, #tpu.memory_space<vmem>>, %arg3: memref<2x1000x1xf32, #tpu.memory_space<vmem>>, %arg4: memref<1x128xf32, #tpu.memory_space<vmem>>, %arg5: memref<128x2xf32, #tpu.memory_space<vmem>>, %arg6: memref<1000x2xf32, #tpu.memory_space<vmem>>) attributes {dimension_semantics = [#tpu.dimension_semantics<arbitrary>], iteration_bounds = array<i64: 10>, scalar_prefetch = 0 : i64, scratch_operands = 0 : i64, tpu.core_type = #tpu.core_type<tc>, window_params = [{transform_indices = @transform_0, window_bounds = array<i64: 2, 1000, 128>}, {transform_indices = @transform_1, window_bounds = array<i64: 1000, 128>}, {transform_indices = @transform_2, window_bounds = array<i64: 2, 1000, 1>}, {pipeline_mode = #tpu.pipeline_mode<synchronous>, transform_indices = @transform_3, window_bounds = array<i64: 1, 128>}, {pipeline_mode = #tpu.pipeline_mode<synchronous>, transform_indices = @transform_4, window_bounds = array<i64: 128, 2>}, {transform_indices = @transform_5, window_bounds = array<i64: 1000, 2>}]} {
    %get3A = arith.constant 0 : index
    %get3A_0 = arith.constant 0 : index
    %get3A_1 = arith.constant 0 : index
    %get3A_2 = vector.load %arg3[%get3A, %get3A_0, %get3A_1] : memref<2x1000x1xf32, #tpu.memory_space<vmem>>, vector<1x1000x1xf32>
    %get3A_3 = vector.shape_cast %get3A_2 : vector<1x1000x1xf32> to vector<1000x1xf32>
    %get3A_4 = arith.constant 1 : index
    %get3A_5 = arith.constant 0 : index
    %get3A_6 = arith.constant 0 : index
    %get3A_7 = vector.load %arg3[%get3A_4, %get3A_5, %get3A_6] : memref<2x1000x1xf32, #tpu.memory_space<vmem>>, vector<1x1000x1xf32>
    %get3A_8 = vector.shape_cast %get3A_7 : vector<1x1000x1xf32> to vector<1000x1xf32>
    %add3A = arith.addf %get3A_3, %get3A_8 : vector<1000x1xf32>
    %add3A_9 = arith.constant 1.000000e+00 : f32
    %add3A_10 = vector.broadcast %add3A_9 : f32 to vector<1000x1xf32>
    %add3A_11 = arith.addf %add3A, %add3A_10 : vector<1000x1xf32>
    %rsqrt3A = math.rsqrt %add3A_11 : vector<1000x1xf32>
    %get3A_12 = arith.constant 0 : index
    %get3A_13 = arith.constant 0 : index
    %get3A_14 = arith.constant 0 : index
    %get3A_15 = vector.load %arg1[%get3A_12, %get3A_13, %get3A_14] : memref<2x1000x128xf32, #tpu.memory_space<vmem>>, vector<1x1000x128xf32>
    %get3A_16 = vector.shape_cast %get3A_15 : vector<1x1000x128xf32> to vector<1000x128xf32>
    %get3A_17 = arith.constant 1 : index
    %get3A_18 = arith.constant 0 : index
    %get3A_19 = arith.constant 0 : index
    %get3A_20 = vector.load %arg1[%get3A_17, %get3A_18, %get3A_19] : memref<2x1000x128xf32, #tpu.memory_space<vmem>>, vector<1x1000x128xf32>
    %get3A_21 = vector.shape_cast %get3A_20 : vector<1x1000x128xf32> to vector<1000x128xf32>
    %add3A_22 = arith.addf %get3A_16, %get3A_21 : vector<1000x128xf32>
    %get3A_23 = arith.constant 0 : index
    %get3A_24 = arith.constant 0 : index
    %get3A_25 = vector.load %arg2[%get3A_23, %get3A_24] : memref<1000x128xf32, #tpu.memory_space<vmem>>, vector<1000x128xf32>
    %add3A_26 = arith.addf %add3A_22, %get3A_25 : vector<1000x128xf32>
    %mul3A = vector.broadcast %rsqrt3A : vector<1000x1xf32> to vector<1000x128xf32>
    %mul3A_27 = arith.mulf %add3A_26, %mul3A : vector<1000x128xf32>
    %get3A_28 = arith.constant 0 : index
    %get3A_29 = arith.constant 0 : index
    %get3A_30 = vector.load %arg4[%get3A_28, %get3A_29] : memref<1x128xf32, #tpu.memory_space<vmem>>, vector<1x128xf32>
    %add3A_31 = vector.broadcast %get3A_30 : vector<1x128xf32> to vector<1000x128xf32>
    %add3A_32 = arith.addf %mul3A_27, %add3A_31 : vector<1000x128xf32>
    %max3A = arith.constant 0.000000e+00 : f32
    %max3A_33 = vector.broadcast %max3A : f32 to vector<1000x128xf32>
    %max3A_34 = arith.maximumf %add3A_32, %max3A_33 : vector<1000x128xf32>
    %mul3A_35 = vector.broadcast %rsqrt3A : vector<1000x1xf32> to vector<1000x128xf32>
    %mul3A_36 = arith.mulf %max3A_34, %mul3A_35 : vector<1000x128xf32>
    %get3A_37 = arith.constant 0 : index
    %get3A_38 = arith.constant 0 : index
    %get3A_39 = vector.load %arg5[%get3A_37, %get3A_38] : memref<128x2xf32, #tpu.memory_space<vmem>>, vector<128x2xf32>
    %dot_general3A = arith.constant dense<0.000000e+00> : vector<1000x2xf32>
    %dot_general3A_40 = tpu.matmul %mul3A_36, %get3A_39, %dot_general3A {dimension_numbers = #tpu.dot_dimension_numbers<[1], [0], [0], [1], [0, 0, 1, 1], [], []>, transpose_lhs_hint = false} : vector<1000x128xf32>, vector<128x2xf32>, vector<1000x2xf32> -> vector<1000x2xf32>
    %swap3A = arith.constant 0 : index
    %swap3A_41 = arith.constant 0 : index
    %swap3A_42 = vector.load %arg6[%swap3A, %swap3A_41] : memref<1000x2xf32, #tpu.memory_space<vmem>>, vector<1000x2xf32>
    tpu.vector_store %arg6[%swap3A, %swap3A_41], %dot_general3A_40 {strides = array<i32>} : memref<1000x2xf32, #tpu.memory_space<vmem>>, vector<1000x2xf32>,
    return
  }
  func.func @transform_0(%arg0: i32) -> (i32, i32, i32) {
    %c0_i32 = arith.constant 0 : i32
    %c0_i32_0 = arith.constant 0 : i32
    %c0_i32_1 = arith.constant 0 : i32
    return %c0_i32, %arg0, %c0_i32_0 : i32, i32, i32
  }
  func.func @transform_1(%arg0: i32) -> (i32, i32) {
    %c0_i32 = arith.constant 0 : i32
    %c0_i32_0 = arith.constant 0 : i32
    return %arg0, %c0_i32 : i32, i32
  }
  func.func @transform_2(%arg0: i32) -> (i32, i32, i32) {
    %c0_i32 = arith.constant 0 : i32
    %c0_i32_0 = arith.constant 0 : i32
    %c0_i32_1 = arith.constant 0 : i32
    return %c0_i32, %arg0, %c0_i32_0 : i32, i32, i32
  }
  func.func @transform_3(%arg0: i32) -> (i32, i32) {
    %c0_i32 = arith.constant 0 : i32
    %c0_i32_0 = arith.constant 0 : i32
    %c0_i32_1 = arith.constant 0 : i32
    return %c0_i32, %c0_i32_0 : i32, i32
  }
  func.func @transform_4(%arg0: i32) -> (i32, i32) {
    %c0_i32 = arith.constant 0 : i32
    %c0_i32_0 = arith.constant 0 : i32
    %c0_i32_1 = arith.constant 0 : i32
    return %c0_i32, %c0_i32_0 : i32, i32
  }
  func.func @transform_5(%arg0: i32) -> (i32, i32) {
    %c0_i32 = arith.constant 0 : i32
    %c0_i32_0 = arith.constant 0 : i32
    return %arg0, %c0_i32 : i32, i32
  }
}

module attributes {stable_mosaic.version = 14 : i64} {
  func.func @_epilogue2_body(%arg0: i32, %arg1: memref<2x2x1024xf32, #tpu.memory_space<vmem>>, %arg2: memref<2x1024xf32, #tpu.memory_space<vmem>>, %arg3: memref<2x1024xf32, #tpu.memory_space<vmem>>, %arg4: memref<2x1xf32, #tpu.memory_space<vmem>>, %arg5: memref<2x1024xf32, #tpu.memory_space<vmem>>) attributes {dimension_semantics = [#tpu.dimension_semantics<arbitrary>], iteration_bounds = array<i64: 10>, scalar_prefetch = 0 : i64, scratch_operands = 0 : i64, tpu.core_type = #tpu.core_type<tc>, window_params = [{transform_indices = @transform_0, window_bounds = array<i64: 2, 2, 1024>}, {transform_indices = @transform_1, window_bounds = array<i64: 2, 1024>}, {transform_indices = @transform_2, window_bounds = array<i64: 2, 1024>}, {pipeline_mode = #tpu.pipeline_mode<synchronous>, transform_indices = @transform_3, window_bounds = array<i64: 2, 1>}, {transform_indices = @transform_4, window_bounds = array<i64: 2, 1024>}]} {
    %get3A = arith.constant 0 : index
    %get3A_0 = arith.constant 0 : index
    %get3A_1 = vector.load %arg3[%get3A, %get3A_0] : memref<2x1024xf32, #tpu.memory_space<vmem>>, vector<1x1024xf32>
    %get3A_2 = vector.shape_cast %get3A_1 : vector<1x1024xf32> to vector<1024xf32>
    %get3A_3 = arith.constant 1 : index
    %get3A_4 = arith.constant 0 : index
    %get3A_5 = vector.load %arg3[%get3A_3, %get3A_4] : memref<2x1024xf32, #tpu.memory_space<vmem>>, vector<1x1024xf32>
    %get3A_6 = vector.shape_cast %get3A_5 : vector<1x1024xf32> to vector<1024xf32>
    %add3A = arith.addf %get3A_2, %get3A_6 : vector<1024xf32>
    %add3A_7 = arith.constant 1.000000e+00 : f32
    %add3A_8 = vector.broadcast %add3A_7 : f32 to vector<1024xf32>
    %add3A_9 = arith.addf %add3A, %add3A_8 : vector<1024xf32>
    %rsqrt3A = math.rsqrt %add3A_9 : vector<1024xf32>
    %get3A_10 = arith.constant 0 : index
    %get3A_11 = arith.constant 0 : index
    %get3A_12 = arith.constant 0 : index
    %get3A_13 = vector.load %arg1[%get3A_10, %get3A_11, %get3A_12] : memref<2x2x1024xf32, #tpu.memory_space<vmem>>, vector<1x2x1024xf32>
    %get3A_14 = vector.shape_cast %get3A_13 : vector<1x2x1024xf32> to vector<2x1024xf32>
    %get3A_15 = arith.constant 1 : index
    %get3A_16 = arith.constant 0 : index
    %get3A_17 = arith.constant 0 : index
    %get3A_18 = vector.load %arg1[%get3A_15, %get3A_16, %get3A_17] : memref<2x2x1024xf32, #tpu.memory_space<vmem>>, vector<1x2x1024xf32>
    %get3A_19 = vector.shape_cast %get3A_18 : vector<1x2x1024xf32> to vector<2x1024xf32>
    %add3A_20 = arith.addf %get3A_14, %get3A_19 : vector<2x1024xf32>
    %get3A_21 = arith.constant 0 : index
    %get3A_22 = arith.constant 0 : index
    %get3A_23 = vector.load %arg2[%get3A_21, %get3A_22] : memref<2x1024xf32, #tpu.memory_space<vmem>>, vector<2x1024xf32>
    %add3A_24 = arith.addf %add3A_20, %get3A_23 : vector<2x1024xf32>
    %broadcast_in_dim3A = vector.shape_cast %rsqrt3A : vector<1024xf32> to vector<1x1024xf32>
    %mul3A = vector.broadcast %broadcast_in_dim3A : vector<1x1024xf32> to vector<2x1024xf32>
    %mul3A_25 = arith.mulf %add3A_24, %mul3A : vector<2x1024xf32>
    %get3A_26 = arith.constant 0 : index
    %get3A_27 = arith.constant 0 : index
    %get3A_28 = vector.load %arg4[%get3A_26, %get3A_27] : memref<2x1xf32, #tpu.memory_space<vmem>>, vector<2x1xf32>
    %add3A_29 = vector.broadcast %get3A_28 : vector<2x1xf32> to vector<2x1024xf32>
    %add3A_30 = arith.addf %mul3A_25, %add3A_29 : vector<2x1024xf32>
    %swap3A = arith.constant 0 : index
    %swap3A_31 = arith.constant 0 : index
    %swap3A_32 = vector.load %arg5[%swap3A, %swap3A_31] : memref<2x1024xf32, #tpu.memory_space<vmem>>, vector<2x1024xf32>
    tpu.vector_store %arg5[%swap3A, %swap3A_31], %add3A_30 {strides = array<i32>} : memref<2x1024xf32, #tpu.memory_space<vmem>>, vector<2x1024xf32>,
    return
  }
  func.func @transform_0(%arg0: i32) -> (i32, i32, i32) {
    %c0_i32 = arith.constant 0 : i32
    %c0_i32_0 = arith.constant 0 : i32
    %c0_i32_1 = arith.constant 0 : i32
    return %c0_i32, %c0_i32_0, %arg0 : i32, i32, i32
  }
  func.func @transform_1(%arg0: i32) -> (i32, i32) {
    %c0_i32 = arith.constant 0 : i32
    %c0_i32_0 = arith.constant 0 : i32
    return %c0_i32, %arg0 : i32, i32
  }
  func.func @transform_2(%arg0: i32) -> (i32, i32) {
    %c0_i32 = arith.constant 0 : i32
    %c0_i32_0 = arith.constant 0 : i32
    return %c0_i32, %arg0 : i32, i32
  }
  func.func @transform_3(%arg0: i32) -> (i32, i32) {
    %c0_i32 = arith.constant 0 : i32
    %c0_i32_0 = arith.constant 0 : i32
    %c0_i32_1 = arith.constant 0 : i32
    return %c0_i32, %c0_i32_0 : i32, i32
  }
  func.func @transform_4(%arg0: i32) -> (i32, i32) {
    %c0_i32 = arith.constant 0 : i32
    %c0_i32_0 = arith.constant 0 : i32
    return %c0_i32, %arg0 : i32, i32
  }
}

</mosaic_0001>

<sc_bundles>
// kernel: kernel.11.cloned.1.call-start
scs
__scs_entry_jumppad:
0x0: {  	(pc) =	sbr.rel $0x88, $3  }
0x1: {  	(tag) =	ssettag $0x0;
	lr =	simm.s32 $0x1  }
0x2: {  	[smem:$0x3F9B] =	sst lr;
	_ =	strace $0xD0000000  }
0x3: {  	_ = 	snop  }
0x4: {  	_ = 	snop  }
0x5: {  	_ = 	snop  }
0x6: {  	_ = 	snop  }
0x7: {  	_ = 	snop  }
__scs_overlays_trampoline_lowered:
0x8: {  	[smem:$0x3FAA] =	sst s0  }
0x9: {  	[smem:$0x3FAB] =	sst s1  }
0xa: {  	[smem:$0x3FAC] =	sst s2  }
0xb: {  	[smem:$0x3FAD] =	sst s3  }
0xc: {  	[smem:$0x3FAE] =	sst s4  }
0xd: {  	[smem:$0x3FAF] =	sst s5  }
0xe: {  	[smem:$0x3FB0] =	sst s6  }
0xf: {  	[smem:$0x3FB1] =	sst s7  }
0x10: {  	[smem:$0x3FB2] =	sst s8  }
0x11: {  	[smem:$0x3FB3] =	sst s9;
	s0 =	simm.s32 @!p0 $0x0  }
0x12: {  	s1 =	sld [smem:$0x3F99];
	s0 =	simm.s32 @p0 $0x1  }
0x13: {  	[smem:$0x3FB4] =	sst s0;
	s0 =	simm.s32 @!p1 $0x0  }
0x14: {  	s2 =	sld [smem:$0x3F98];
	s0 =	simm.s32 @p1 $0x1  }
0x15: {  	[smem:$0x3FB5] =	sst s0;
	s0 =	simm.s32 @!p2 $0x0  }
0x16: {  	s3 =	sld [smem:$0x3FDB];
	s0 =	simm.s32 @p2 $0x1  }
0x17: {  	s4 =	simm.s32 $0x1BF5;
	[smem:$0x3FB7] =	sst s0  }
0x18: {  	s0 =	sld [smem:$0x3F9A];
	_ =	swait.ge [sflag:s4], $0x0  }
0x19: {  	s7 =	sld [smem:$0x3F9B]  }
0x1a: {  	s8 =	sadd.s32 $0xFFFFE003, lr  }
0x1b: {  	s9 =	sadd.s32 $0xFFFFFEF7, lr;
	s5 =	simm.s32 $0xFFFFFFFF;
	p2 =	slt.u32 s8, $0xFFFFF086  }
0x1c: {  	p1 =	slt.u32 s9, $0xF7A;
	s5 =	simm.s32 @!p2 $0x0  }
0x1d: {  	s5 =	simm.s32 @p1 $0x1;
	p0 =	seq.s32 s7, s2  }
0x1e: {  	s7 =	smul.u32 @!p0 $0xF7A, s2;
	p2 =	seq.s32 @!p0 s5, $0x0  }
0x1f: {  	s9 =	smul.u32 $0xF7A, s1;
	s8 =	simm.s32 @!p0 $0x1BF5;
	p2 =	por !p2, p0  }
0x20: {  	[sflag:s8] =	ssyncset.s32 @!p0 $0xFFFFF086;
	s6 =	sadd.s32 @!p0 s3, s7;
	s7 =	simm.s32 @!p0 $0x108  }
0x21: {  	s3 =	sadd.s32 s3, s9;
	s6 =	sadd.s32 @!p0 $0x88, s6;
	s7 =	simm.s32 @p2 $0x1082  }
0x22: {  	[simem:s7], [sflag:s8] =	dma.local @!p0 [hbm:s6], $0xF7A  }
0x23: {  	s9 =	sor.u32 $0xD0000000, s2;
	s6 =	simm.s32 $0x108;
	_ =	swait.ge @!p0 [sflag:s8], $0x0  }
0x24: {  	s3 =	sadd.s32 $0x88, s3;
	s6 =	simm.s32 @!p1 $0x1082;
	[sflag:s4] =	ssyncset.s32 $0xFFFFF086  }
0x25: {  	[simem:s6], [sflag:s4] =	dma.local [hbm:s3], $0xF7A  }
0x26: {  	[smem:$0x3F9B] =	sst s1;
	(tag) =	ssettag s2;
	_ =	strace s9  }
0x27: {  	s1 =	sld [smem:$0x3FAB]  }
0x28: {  	s2 =	sld [smem:$0x3FAC]  }
0x29: {  	s4 =	sld [smem:$0x3FAE]  }
0x2a: {  	p0 =	seq.s32 s5, $0x0;
	s5 =	sld [smem:$0x3FAF]  }
0x2b: {  	s6 =	sld [smem:$0x3FB0]  }
0x2c: {  	s7 =	sld [smem:$0x3FB1]  }
0x2d: {  	s3 =	simm.s32 $0x108;
	s8 =	sld [smem:$0x3FB2]  }
0x2e: {  	s3 =	simm.s32 @!p0 $0x1082;
	s9 =	sld [smem:$0x3FB3]  }
0x2f: {  	lr =	sadd.s32 s0, s3;
	s0 =	sld [smem:$0x3FAA]  }
0x30: {  	s3 =	sld [smem:$0x3FAD]  }
0x31: {  	[smem:$0x3FB6] =	sst s10  }
0x32: {  	s10 =	sld [smem:$0x3FB4];
	_ =	sdelay $0x3  }
0x33: {  	p0 =	seq.s32 s10, $0x1;
	s10 =	sld [smem:$0x3FB6];
	_ =	sdelay $0x3  }
0x34: {  	[smem:$0x3FB6] =	sst s10  }
0x35: {  	s10 =	sld [smem:$0x3FB5];
	_ =	sdelay $0x3  }
0x36: {  	p1 =	seq.s32 s10, $0x1;
	s10 =	sld [smem:$0x3FB6];
	_ =	sdelay $0x3  }
0x37: {  	[smem:$0x3FB6] =	sst s10  }
0x38: {  	s10 =	sld [smem:$0x3FB7]  }
0x39: {  	_ = 	snop;
	(pc) =	sbr.ind lr, $3  }
0x3a: {  	_ = 	snop  }
0x3b: {  	_ = 	snop  }
0x3c: {  	p2 =	seq.s32 s10, $0x1;
	s10 =	sld [smem:$0x3FB6]  }
0x3d: {  	_ =	shalt  }
0x3e: {  	_ =	shalt  }
0x3f: {  	_ =	shalt  }
0x40: {  	_ =	shalt  }
0x41: {  	_ =	shalt  }
0x42: {  	_ =	shalt  }
0x43: {  	_ =	shalt  }
0x44: {  	_ =	shalt  }
0x45: {  	_ =	shalt  }
0x46: {  	_ =	shalt  }
0x47: {  	_ =	shalt  }
0x48: {  	_ =	shalt  }
0x49: {  	_ =	shalt  }
0x4a: {  	_ =	shalt  }
0x4b: {  	_ =	shalt  }
0x4c: {  	_ =	shalt  }
0x4d: {  	_ =	shalt  }
0x4e: {  	_ =	shalt  }
0x4f: {  	_ =	shalt  }
0x50: {  	_ =	shalt  }
0x51: {  	_ =	shalt  }
0x52: {  	_ =	shalt  }
0x53: {  	_ =	shalt  }
0x54: {  	_ =	shalt  }
0x55: {  	_ =	shalt  }
0x56: {  	_ =	shalt  }
0x57: {  	_ =	shalt  }
0x58: {  	_ =	shalt  }
0x59: {  	_ =	shalt  }
0x5a: {  	_ =	shalt  }
0x5b: {  	_ =	shalt  }
0x5c: {  	_ =	shalt  }
0x5d: {  	_ =	shalt  }
0x5e: {  	_ =	shalt  }
0x5f: {  	_ =	shalt  }
0x60: {  	_ =	shalt  }
0x61: {  	_ =	shalt  }
0x62: {  	_ =	shalt  }
0x63: {  	_ =	shalt  }
0x64: {  	_ =	shalt  }
0x65: {  	_ =	shalt  }
0x66: {  	_ =	shalt  }
0x67: {  	_ =	shalt  }
0x68: {  	_ =	shalt  }
0x69: {  	_ =	shalt  }
0x6a: {  	_ =	shalt  }
0x6b: {  	_ =	shalt  }
0x6c: {  	_ =	shalt  }
0x6d: {  	_ =	shalt  }
0x6e: {  	_ =	shalt  }
0x6f: {  	_ =	shalt  }
0x70: {  	_ =	shalt  }
0x71: {  	_ =	shalt  }
0x72: {  	_ =	shalt  }
0x73: {  	_ =	shalt  }
0x74: {  	_ =	shalt  }
0x75: {  	_ =	shalt  }
0x76: {  	_ =	shalt  }
0x77: {  	_ =	shalt  }
0x78: {  	_ =	shalt  }
0x79: {  	_ =	shalt  }
0x7a: {  	_ =	shalt  }
0x7b: {  	_ =	shalt  }
0x7c: {  	_ =	shalt  }
0x7d: {  	_ =	shalt  }
0x7e: {  	_ =	shalt  }
0x7f: {  	_ =	shalt  }
0x80: {  	_ =	shalt  }
0x81: {  	_ =	shalt  }
0x82: {  	_ =	shalt  }
0x83: {  	_ =	shalt  }
0x84: {  	_ =	shalt  }
0x85: {  	_ =	shalt  }
0x86: {  	_ =	shalt  }
0x87: {  	_ =	shalt  }
.Lfunc_end0:
.L_simem_size_0:
called_computation.1_lowered:
.L_overlay_start_0:
0x88: {  	s2 =	sld [smem:$0x3FD9]  }
0x89: {  	s3 =	sld [smem:$0x3FFE];
	_ =	sdelay $0x1  }
0x8a: {  	s1 =	srdreg.scid  }
0x8b: {  	s0 =	sand.u32 $0x1, s1  }
0x8c: {  	s17 =	sshll.u32 s0, $0xA;
	s2 =	sadd.s32 s3, s2  }
0x8d: {  	s2 =	sadd.s32 s2, s17  }
0x8e: {  	[smem:$0x3FC2] =	sst s2  }
0x8f: {  	_ = 	snop  }
0x90: {  	s2 =	sld [smem:$0x3FD0];
	(tm) =	ssettm $0x1  }
0x91: {  	s18 =	sld [smem:$0x3FFB];
	_ =	sdelay $0x3  }
0x92: {  	_ =	strace s18  }
0x93: {  	s3 =	sld [smem:$0x3FFC];
	_ =	sdelay $0x3  }
0x94: {  	_ =	strace s3  }
0x95: {  	s3 =	sld [smem:$0x3FFD];
	_ =	sdelay $0x3  }
0x96: {  	_ =	strace s3  }
0x97: {  	_ =	strace $0x8FFFFFFF  }
0x98: {  	s19 =	sld [smem:$0x3FDB];
	_ =	sdelay $0x1  }
0x99: {  	s4 =	simm.s32 $_scs_section_size  }
0x9a: {  	s5 =	simm.s32 $_size__tile_overlayer_lowered;
	s6 =	simm.s32 $_tile_overlayer_lowered  }
0x9b: {  	s22 =	simm.s32 $0x1BFF;
	s21 =	sshll.u32 s6, $0x1;
	s3 =	sadd.s32 s4, s19  }
0x9c: {  	s7 =	simm.s32 $0x0;
	s20 =	sshll.u32 s5, $0x1;
	s5 =	sadd.s32 s21, s3  }
0x9d: {  	[timem:s7], [sflag:s22] =	dma.local [hbm:s5], s20  }
0x9e: {  	_ =	swait.ge [sflag:s22], s20  }
0x9f: {  	s4 =	ssub.s32 $0x0, s20;
	[sflag:s22] =	ssyncset.done $0x0  }
0xa0: {  	[sflag:s22] =	ssyncadd.s32 s4;
	_ =	sdelay $0x1  }
0xa1: {  	s23 =	simm.s32 $0x1B8B  }
0xa2: {  	_ =	swait.ge [sflag:s23], $0x1  }
0xa3: {  	[sflag:s23] =	ssyncset.done $0x0  }
0xa4: {  	s25 =	simm.s32 $0x1B8E;
	s24 =	sld [smem:$0x3FFE];
	[sflag:s23] =	ssyncadd.s32 $0xFFFFFFFF  }
0xa5: {  	s26 =	simm.s32 $execute0_lowered;
	[smem:$0x3FD2] =	sst s25  }
0xa6: {  	s5 =	sshll.u32 s26, $0x1;
	_ =	strace $0x80000049;
	[dreg:$0x1] =	wrdreg $0xFFFFFFFF  }
0xa7: {  	s28 =	simm.s32 $_size_execute0_lowered;
	s3 =	sadd.s32 s3, s5;
	[dreg:$0x0] =	wrdreg $0x0  }
0xa8: {  	s5 =	sshll.u32 s28, $0x1;
	[dreg:$0x2] =	wrdreg s3  }
0xa9: {  	[dreg:$0x3] =	wrdreg s5  }
0xaa: {  	[dreg:$0x4] =	wrdreg $0xC0  }
0xab: {  	_ =	task [dreg:s7], $0x5FFFF  }
0xac: {  	[dreg:$0x1] =	wrdreg $0xFFFFFFFF  }
0xad: {  	[dreg:$0x0] =	wrdreg $0x60  }
0xae: {  	[dreg:$0x2] =	wrdreg s24  }
0xaf: {  	[dreg:$0x3] =	wrdreg s2  }
0xb0: {  	[dreg:$0x4] =	wrdreg $0xA9000  }
0xb1: {  	[dreg:$0x5] =	wrdreg $0x9  }
0xb2: {  	_ =	task.clear_ibuf [dreg:s7], $0x6FFFF;
	_ =	strace $0x90000049  }
0xb3: {  	s29 =	simm.s32 $0x9;
	_ =	strace $0x8000004B  }
0xb4: {  	_ =	swait.ge [sflag:s29], $0x1  }
0xb5: {  	[sflag:s29] =	ssyncadd.s32 $0xFFFFFFFF  }
0xb6: {  	_ =	strace $0x9000004B  }
0xb7: {  	_ =	sfence  }
0xb8: {  	s30 =	sld [smem:$0x0];
	_ =	sdelay $0x2  }
0xb9: {  	s31 =	sshll.u32 s1, $0xD;
	s1 =	sshrl.u32 s1, $0x2  }
0xba: {  	s3 =	sand.u32 $0x4000, s31;
	s1 =	sadd.s32 s1, s30  }
0xbb: {  	s0 =	sor.u32 s3, s0;
	s1 =	sshll.u32 s1, $0x11  }
0xbc: {  	s0 =	sor.u32 s1, s0  }
0xbd: {  	s0 =	sadd.s32 $0x8F2B, s0  }
0xbe: {  	[sflag:s0] =	ssyncadd.remote.s32 $0x1  }
0xbf: {  	_ =	sfence.sel $0xFFFF  }
0xc0: {  	[dreg:$0x0] =	wrdreg $0xFFFFFFFF;
	(pc) =	sbr.abs _section_cstart, $3  }
0xc1: {  	[dreg:$0x1] =	wrdreg $0xFFFFFFFF  }
0xc2: {  	_ =	task.clear_ibuf [dreg:s7], $0x2FFFF;
	_ =	strace $0x9FFFFFFF  }
0xc3: {  	(tm) =	ssettm $0x7FFFFFFF  }
tec
execute0_lowered:
.L_overlay_start_1:
0x0: {  	(tag) =	ssettag $0x1  }
0x1: {  	s0 =	rddreg [dreg:$0x0]  }
0x2: {  	s1 =	rddreg [dreg:$0x1]  }
0x3: {  	s2 =	rddreg [dreg:$0x2]  }
0x4: {  	s3 =	srdreg.scid;
	s4 =	simm.s32 $0x0;
	s12 =	stileid.u32  }
0x5: {  	s28 =	simm.s32 $0x5;
	s29 =	simm.s32 $0x80;
	s30 =	simm.s32 $0x7D  }
0x6: {  	s31 =	simm.s32 $0x2900;
	s3 =	sand.u32 $0x1, s3;
	s10 =	smul.u32 $0x14000, s12  }
0x7: {  	[smem:$0x7FF] =	sst s4;
	s7 =	sadd.s32 $0x2000, s0;
	s20 =	smul.u32 $0x50000, s12  }
0x8: {  	s5 =	sshll.u32 s3, $0x4;
	_ =	strace $0x8000004A;
	s8 =	smul.u32 $0x140000, s3  }
0x9: {  	s3 =	ssub.s32 $0x2, s3;
	s6 =	sor.u32 s12, s5;
	s5 =	sadd.s32 $0x66C00, s0  }
0xa: {  	s0 =	sadd.s32 $0x8DE00, s0;
	s11 =	sshrl.u32 s3, $0x1;
	s26 =	sadd.s32 $0x4000, s10  }
0xb: {  	s15 =	sadd.s32 $0xC000, s10;
	s6 =	smul.u32 $0x2800, s6;
	s3 =	ssub.s32 s3, s11  }
0xc: {  	s22 =	sadd.s32 s8, s10;
	s18 =	sadd.s32 s8, s26;
	s17 =	sadd.s32 s8, s15  }
0xd: {  	s24 =	sshrl.u32 s22, $0x3;
	s3 =	smax.u32 s3, $0x1;
	s12 =	sshrl.u32 s18, $0x3  }
0xe: {  	s17 =	sshrl.u32 s17, $0x3;
	s25 =	sadd.s32 s0, s24;
	[dreg:$0x8] =	wrdreg s3  }
0xf: {  	s9 =	sshrl.u32 s6, $0x3;
	s12 =	sadd.s32 s0, s12;
	[dreg:$0x7] =	wrdreg s25  }
0x10: {  	s13 =	sadd.s32 s7, s9;
	s9 =	sshrl.u32 s20, $0x2;
	[dreg:$0x9] =	wrdreg s12  }
0x11: {  	s20 =	sadd.s32 $0x8000, s10;
	s10 =	sadd.s32 $0x10000, s10;
	s25 =	sadd.s32 s15, s2  }
0x12: {  	s12 =	simm.s32 $0x0;
	s21 =	sadd.s32 $0xA000, s13;
	[dreg:$0x4] =	wrdreg s13  }
0x13: {  	s23 =	sadd.s32 $0x10, s13;
	s11 =	sadd.s32 s9, s2;
	s16 =	sadd.s32 s8, s20  }
0x14: {  	s8 =	sadd.s32 s8, s10;
	s24 =	sadd.s32 s20, s2;
	[dreg:$0x5] =	wrdreg s21  }
0x15: {  	s10 =	sadd.s32 s10, s2;
	s9 =	simm.s32 $0x2;
	[dreg:$0x6] =	wrdreg s23  }
0x16: {  	s13 =	sadd.s32 $0x4000, s11;
	s19 =	sadd.s32 $0x8000, s11;
	s14 =	sadd.s32 $0xC000, s11  }
0x17: {  	s16 =	sshrl.u32 s16, $0x3;
	s21 =	sadd.s32 s0, s17;
	s8 =	sshrl.u32 s8, $0x3  }
0x18: {  	s22 =	sadd.s32 $0x10000, s11;
	s23 =	sadd.s32 s26, s2;
	s16 =	sadd.s32 s0, s16  }
0x19: {  	[dreg:$0xb] =	wrdreg s21;
	s0 =	sadd.s32 s0, s8;
	s3 =	sshrl.u32 s13, $0x3  }
0x1a: {  	s26 =	sshrl.u32 s19, $0x3;
	s20 =	sshrl.u32 s14, $0x3;
	[dreg:$0xa] =	wrdreg s16  }
0x1b: {  	s21 =	sshrl.u32 s22, $0x3;
	s22 =	sshrl.u32 s23, $0x3;
	[dreg:$0xc] =	wrdreg s0  }
0x1c: {  	s23 =	sshrl.u32 s24, $0x3;
	s24 =	sshrl.u32 s25, $0x3;
	[dreg:$0xd] =	wrdreg s3  }
0x1d: {  	s25 =	sshrl.u32 s10, $0x3;
	s10 =	simm.s32 $0x3;
	[dreg:$0xe] =	wrdreg s26  }
0x1e: {  	s0 =	simm.s32 $0x1;
	s3 =	simm.s32 $0x4;
	s26 =	simm.s32 $0x6900  }
.LBB2_1:
0x1f: {  	s8 =	rddreg [dreg:$0x5];
	s13 =	simm.s32 $0x100  }
0x20: {  	[tilespmem:s13], [sflag:$0x5] =	stream.linear.gather [hbm4b:s8+s4], $0x2800, $0x38;
	[tilespmem:$0x1E900] =	vst v63  }
0x21: {  	_ =	swait.ge [sflag:s28], $0x2800  }
0x22: {  	[sflag:s28] =	ssyncset.done $0x0  }
0x23: {  	s15 =	rddreg [dreg:$0x4];
	[sflag:s28] =	ssyncadd.s32 $0xFFFFD800  }
0x24: {  	[tilespmem:s4], [sflag:$0x5] =	stream.linear.gather [hbm4b:s15+s4], $0x80, $0x38;
	[tilespmem:$0x1E900] =	vst v63  }
0x25: {  	_ =	swait.ge [sflag:s28], $0x80  }
0x26: {  	s17 =	stileid.u32;
	[sflag:s28] =	ssyncset.done $0x0  }
0x27: {  	s8 =	sshll.u32 s17, $0x6;
	s16 =	rddreg [dreg:$0x6];
	[sflag:s28] =	ssyncadd.s32 $0xFFFFFF80  }
0x28: {  	[tilespmem:s29], [sflag:$0x4] =	stream.linear.gather [hbm4b:s16+s4], $0x80, $0x38;
	[tilespmem:$0x1E900] =	vst v63  }
0x29: {  	s13 =	sor.u32 $0x1C05, s8;
	s8 =	sshrl.u32 s11, $0x3  }
0x2a: {  	[tilespmem:s31], [sflag:$0x1] =	stream.indirect.gather [hbm4b:s5+s30], $0x80, s4, s30, $0xb8;
	[tilespmem:$0x1E900] =	vst v63  }
0x2b: {  	[spmem:s8], [sflag:s13] =	dma.local [hbm:s1], $0x800  }
0x2c: {  	_ =	swait.ge [sflag:s28], $0x800  }
0x2d: {  	[sflag:s28] =	ssyncset.done $0x0  }
0x2e: {  	s14 =	rddreg [dreg:$0xd];
	[sflag:s28] =	ssyncadd.s32 $0xFFFFF800  }
0x2f: {  	[spmem:s14], [sflag:s13] =	dma.local [hbm:s1], $0x800  }
0x30: {  	_ =	swait.ge [sflag:s28], $0x800  }
0x31: {  	[sflag:s28] =	ssyncset.done $0x0  }
0x32: {  	s18 =	rddreg [dreg:$0xe];
	[sflag:s28] =	ssyncadd.s32 $0xFFFFF800  }
0x33: {  	[spmem:s18], [sflag:s13] =	dma.local [hbm:s1], $0x800  }
0x34: {  	_ =	swait.ge [sflag:s28], $0x800  }
0x35: {  	[sflag:s28] =	ssyncset.done $0x0  }
0x36: {  	[sflag:s28] =	ssyncadd.s32 $0xFFFFF800  }
0x37: {  	[spmem:s20], [sflag:s13] =	dma.local [hbm:s1], $0x800  }
0x38: {  	_ =	swait.ge [sflag:s28], $0x800  }
0x39: {  	[sflag:s28] =	ssyncset.done $0x0  }
0x3a: {  	[sflag:s28] =	ssyncadd.s32 $0xFFFFF800  }
0x3b: {  	[spmem:s21], [sflag:s13] =	dma.local [hbm:s1], $0x800  }
0x3c: {  	_ =	swait.ge [sflag:s28], $0x800  }
0x3d: {  	[sflag:s28] =	ssyncset.done $0x0  }
0x3e: {  	[sflag:s28] =	ssyncadd.s32 $0xFFFFF800  }
0x3f: {  	[bflag:$0x0] =	sbarrier.arrive $0xFFFF  }
0x40: {  	_ =	swait.ge [sflag:s0], $0x3E80  }
0x41: {  	[sflag:s0] =	ssyncset.done $0x0  }
0x42: {  	[sflag:s0] =	ssyncadd.s32 $0xFFFFC180  }
0x43: {  	_ =	swait.ge [sflag:s3], $0x80  }
0x44: {  	s19 =	simm.s32 $0x100;
	[sflag:s3] =	ssyncset.done $0x0  }
0x45: {  	s16 =	sand.u32 $0x7C00, s19;
	[sflag:s3] =	ssyncadd.s32 $0xFFFFFF80  }
0x46: {  	[tilespmem:s26], [sflag:$0x2] =	stream.indirect.gather [hbm4b:s5+s30], $0x80, s29, s30, $0xb8;
	[tilespmem:$0x1E900] =	vst v63  }
0x47: {  	s15 =	simm.s32 $0x100;
	s17 =	sadd.s32 s6, s16;
	s14 =	sand.u32 $0x300, s19  }
0x48: {  	[spmem:s2] =	stream.indirect.scatter.add.f32 [tilespmem:s31], [sflag:$0x5], $0x80, s15, s30, $0xb8;
	[tilespmem:$0x1E900] =	vst v63  }
0x49: {  	s14 =	sor.u32 s14, s17;
	_ =	swait.ge [sflag:s28], $0x3E80  }
0x4a: {  	s14 =	sshrl.u32 s14, $0x3;
	[sflag:s28] =	ssyncset.done $0x0  }
0x4b: {  	s14 =	sadd.s32 s7, s14;
	[sflag:s28] =	ssyncadd.s32 $0xFFFFC180  }
0x4c: {  	[tilespmem:s4], [sflag:$0x3] =	stream.linear.gather [hbm4b:s14+s4], $0x80, $0x38;
	[tilespmem:$0x1E900] =	vst v63  }
0x4d: {  	_ =	swait.ge [sflag:s9], $0x3E80  }
0x4e: {  	[sflag:s9] =	ssyncset.done $0x0  }
0x4f: {  	[sflag:s9] =	ssyncadd.s32 $0xFFFFC180  }
0x50: {  	_ =	swait.ge [sflag:s10], $0x80  }
0x51: {  	s14 =	simm.s32 $0x180;
	[sflag:s10] =	ssyncset.done $0x0  }
0x52: {  	s18 =	sand.u32 $0x7C00, s14;
	[sflag:s10] =	ssyncadd.s32 $0xFFFFFF80  }
0x53: {  	[tilespmem:s31], [sflag:$0x1] =	stream.indirect.gather [hbm4b:s5+s30], $0x80, s4, s30, $0xb8;
	[tilespmem:$0x1E900] =	vst v63  }
0x54: {  	s19 =	sand.u32 $0x380, s14;
	s15 =	sadd.s32 s6, s18  }
0x55: {  	[spmem:s2] =	stream.indirect.scatter.add.f32 [tilespmem:s26], [sflag:$0x5], $0x80, s14, s30, $0xb8;
	[tilespmem:$0x1E900] =	vst v63  }
0x56: {  	s16 =	sor.u32 s19, s15;
	_ =	swait.ge [sflag:s28], $0x3E80  }
0x57: {  	s15 =	simm.s32 $0x280;
	s16 =	sshrl.u32 s16, $0x3;
	[sflag:s28] =	ssyncset.done $0x0  }
.LBB2_2:
0x58: {  	[sflag:s28] =	ssyncadd.s32 $0xFFFFC180  }
0x59: {  	s16 =	sadd.s32 s7, s16;
	s14 =	sadd.s32 $0x100, s14;
	s17 =	smov.u32 s15  }
0x5a: {  	[tilespmem:s29], [sflag:$0x4] =	stream.linear.gather [hbm4b:s16+s4], $0x80, $0x38;
	[tilespmem:$0x1E900] =	vst v63  }
0x5b: {  	p0 =	sne.s32 s15, $0x2780;
	s15 =	sadd.s32 $0x100, s15;
	_ =	swait.ge [sflag:s0], $0x3E80  }
0x5c: {  	[sflag:s0] =	ssyncset.done $0x0  }
0x5d: {  	[sflag:s0] =	ssyncadd.s32 $0xFFFFC180  }
0x5e: {  	_ =	swait.ge [sflag:s3], $0x80  }
0x5f: {  	[sflag:s3] =	ssyncset.done $0x0  }
0x60: {  	s16 =	sadd.s32 $0xFFFFFF80, s17;
	[sflag:s3] =	ssyncadd.s32 $0xFFFFFF80  }
0x61: {  	[tilespmem:s26], [sflag:$0x2] =	stream.indirect.gather [hbm4b:s5+s30], $0x80, s29, s30, $0xb8;
	[tilespmem:$0x1E900] =	vst v63  }
0x62: {  	s18 =	sadd.s32 $0xFFFFFF80, s14;
	s19 =	sand.u32 $0x7C00, s16;
	s16 =	sand.u32 $0x300, s16  }
0x63: {  	[spmem:s2] =	stream.indirect.scatter.add.f32 [tilespmem:s31], [sflag:$0x5], $0x80, s18, s30, $0xb8;
	[tilespmem:$0x1E900] =	vst v63  }
0x64: {  	s18 =	sadd.s32 s6, s19;
	_ =	swait.ge [sflag:s28], $0x3E80  }
0x65: {  	s16 =	sor.u32 s16, s18;
	[sflag:s28] =	ssyncset.done $0x0  }
0x66: {  	s16 =	sshrl.u32 s16, $0x3;
	[sflag:s28] =	ssyncadd.s32 $0xFFFFC180  }
0x67: {  	s16 =	sadd.s32 s7, s16  }
0x68: {  	[tilespmem:s4], [sflag:$0x3] =	stream.linear.gather [hbm4b:s16+s4], $0x80, $0x38;
	[tilespmem:$0x1E900] =	vst v63  }
0x69: {  	_ =	swait.ge [sflag:s9], $0x3E80  }
0x6a: {  	[sflag:s9] =	ssyncset.done $0x0  }
0x6b: {  	[sflag:s9] =	ssyncadd.s32 $0xFFFFC180  }
0x6c: {  	_ =	swait.ge [sflag:s10], $0x80  }
0x6d: {  	[sflag:s10] =	ssyncset.done $0x0  }
0x6e: {  	s16 =	sand.u32 $0x7C00, s17;
	[sflag:s10] =	ssyncadd.s32 $0xFFFFFF80  }
0x6f: {  	[tilespmem:s31], [sflag:$0x1] =	stream.indirect.gather [hbm4b:s5+s30], $0x80, s4, s30, $0xb8;
	[tilespmem:$0x1E900] =	vst v63  }
.Ltmp0:
0x70: {  	_ = 	snop;
	(pc) =	sbr.rel @p0 .LBB2_2-.Ltmp0, $4  }
0x71: {  	s17 =	sand.u32 $0x380, s17;
	s16 =	sadd.s32 s6, s16  }
0x72: {  	[spmem:s2] =	stream.indirect.scatter.add.f32 [tilespmem:s26], [sflag:$0x5], $0x80, s14, s30, $0xb8;
	[tilespmem:$0x1E900] =	vst v63  }
0x73: {  	s16 =	sor.u32 s17, s16;
	_ =	swait.ge [sflag:s28], $0x3E80  }
0x74: {  	s16 =	sshrl.u32 s16, $0x3;
	[sflag:s28] =	ssyncset.done $0x0  }
0x75: {  	[sflag:s28] =	ssyncadd.s32 $0xFFFFC180;
	s14 =	sadd.s32 s7, s16  }
0x76: {  	[tilespmem:s29], [sflag:$0x4] =	stream.linear.gather [hbm4b:s14+s4], $0x80, $0x38;
	[tilespmem:$0x1E900] =	vst v63  }
0x77: {  	_ =	swait.ge [sflag:s0], $0x3E80  }
0x78: {  	[sflag:s0] =	ssyncset.done $0x0  }
0x79: {  	[sflag:s0] =	ssyncadd.s32 $0xFFFFC180  }
0x7a: {  	_ =	swait.ge [sflag:s3], $0x80  }
0x7b: {  	[sflag:s3] =	ssyncset.done $0x0  }
0x7c: {  	[sflag:s3] =	ssyncadd.s32 $0xFFFFFF80  }
0x7d: {  	[tilespmem:s26], [sflag:$0x2] =	stream.indirect.gather [hbm4b:s5+s30], $0x80, s29, s30, $0xb8;
	[tilespmem:$0x1E900] =	vst v63  }
0x7e: {  	s17 =	simm.s32 $0x2800  }
0x7f: {  	[spmem:s2] =	stream.indirect.scatter.add.f32 [tilespmem:s31], [sflag:$0x5], $0x80, s17, s30, $0xb8;
	[tilespmem:$0x1E900] =	vst v63  }
0x80: {  	_ =	swait.ge [sflag:s28], $0x3E80  }
0x81: {  	[sflag:s28] =	ssyncset.done $0x0  }
0x82: {  	[sflag:s28] =	ssyncadd.s32 $0xFFFFC180  }
0x83: {  	_ =	swait.ge [sflag:s9], $0x3E80  }
0x84: {  	[sflag:s9] =	ssyncset.done $0x0  }
0x85: {  	s18 =	simm.s32 $0x2880;
	[sflag:s9] =	ssyncadd.s32 $0xFFFFC180  }
0x86: {  	[spmem:s2] =	stream.indirect.scatter.add.f32 [tilespmem:s26], [sflag:$0x5], $0x80, s18, s30, $0xb8;
	[tilespmem:$0x1E900] =	vst v63  }
0x87: {  	_ =	swait.ge [sflag:s28], $0x3E80  }
0x88: {  	[sflag:s28] =	ssyncset.done $0x0  }
0x89: {  	[sflag:s28] =	ssyncadd.s32 $0xFFFFC180  }
0x8a: {  	[bflag:$0x0] =	sbarrier.arrive $0xFFFF  }
0x8b: {  	s19 =	rddreg [dreg:$0x7]  }
0x8c: {  	[hbm:s19], [sflag:s13] =	dma.local [spmem:s8], $0x800  }
0x8d: {  	_ =	swait.ge [sflag:s28], $0x800  }
0x8e: {  	[sflag:s28] =	ssyncset.done $0x0  }
0x8f: {  	s15 =	rddreg [dreg:$0x9];
	[sflag:s28] =	ssyncadd.s32 $0xFFFFF800  }
0x90: {  	[hbm:s15], [sflag:s13] =	dma.local [spmem:s22], $0x800  }
0x91: {  	_ =	swait.ge [sflag:s28], $0x800  }
0x92: {  	[sflag:s28] =	ssyncset.done $0x0  }
0x93: {  	s16 =	rddreg [dreg:$0xa];
	[sflag:s28] =	ssyncadd.s32 $0xFFFFF800  }
0x94: {  	[hbm:s16], [sflag:s13] =	dma.local [spmem:s23], $0x800  }
0x95: {  	_ =	swait.ge [sflag:s28], $0x800  }
0x96: {  	[sflag:s28] =	ssyncset.done $0x0  }
0x97: {  	s17 =	rddreg [dreg:$0xb];
	[sflag:s28] =	ssyncadd.s32 $0xFFFFF800  }
0x98: {  	[hbm:s17], [sflag:s13] =	dma.local [spmem:s24], $0x800  }
0x99: {  	_ =	swait.ge [sflag:s28], $0x800  }
0x9a: {  	[sflag:s28] =	ssyncset.done $0x0  }
0x9b: {  	s18 =	rddreg [dreg:$0xc];
	[sflag:s28] =	ssyncadd.s32 $0xFFFFF800  }
0x9c: {  	[hbm:s18], [sflag:s13] =	dma.local [spmem:s25], $0x800  }
0x9d: {  	_ =	swait.ge [sflag:s28], $0x800  }
0x9e: {  	s12 =	sadd.s32 $0x1, s12;
	s19 =	rddreg [dreg:$0x8]  }
0x9f: {  	p0 =	sne.s32 s12, s19  }
.Ltmp1:
0xa0: {  	_ = 	snop;
	(pc) =	sbr.rel @p0 .LBB2_1-.Ltmp1, $3  }
0xa1: {  	_ =	sdelay $0x1  }
0xa2: {  	[sflag:s28] =	ssyncset.done $0x0  }
0xa3: {  	[sflag:s28] =	ssyncadd.s32 $0xFFFFF800  }
0xa4: {  	_ =	sfence.sel $0x180000  }
0xa5: {  	[bflag:$0x0] =	sbarrier.arrive $0xFFFF  }
0xa6: {  	_ =	strace $0x9000004A  }
0xa7: {  	s0 =	stileid.u32;
	[bflag:$0x2] =	sbarrier.arrive $0xFFFF  }
0xa8: {  	p0 =	sne.s32 s0, $0x0;
	s0 =	rddreg [dreg:$0x3]  }
0xa9: {  	s0 =	sadd.s32 @!p0 $0x100000, s0  }
0xaa: {  	[sflag:s0] =	ssyncadd.tile.s32 @!p0 $0x1;
	_ =	shalt  }
.Lfunc_end2:
_tile_overlayer_lowered:
.L_overlay_start_2:
0xab: {  	(tag) =	ssettag $0x2  }
0xac: {  	s0 =	rddreg [dreg:$0x0];
	s2 =	stileid.u32  }
0xad: {  	s1 =	rddreg [dreg:$0x1];
	p0 =	sne.s32 s2, $0x0  }
0xae: {  	s3 =	rddreg [dreg:$0x2];
	[bflag:$0x3] =	sbarrier.arrive $0xFFFF;
	s2 =	simm.s32 @!p0 $0x1C05  }
0xaf: {  	[timem:s3], [sflag:s2] =	dma.local @!p0 [hbm:s0], s1  }
0xb0: {  	s0 =	simm.s32 @!p0 $0x5  }
0xb1: {  	_ =	swait.ge @!p0 [sflag:s0], s1  }
0xb2: {  	s1 =	ssub.s32 @!p0 $0x0, s1;
	[sflag:s0] =	ssyncset.done @!p0 $0x0  }
0xb3: {  	[sflag:s0] =	ssyncadd.s32 @!p0 s1  }
0xb4: {  	[bflag:$0x3] =	sbarrier.arrive $0xFFFF  }
0xb5: {  	_ =	shalt  }

// kernel: kernel.14.cloned.1.call-start
scs
__scs_entry_jumppad:
0x0: {  	(pc) =	sbr.rel $0x88, $3  }
0x1: {  	(tag) =	ssettag $0x0;
	lr =	simm.s32 $0x1  }
0x2: {  	[smem:$0x3F9B] =	sst lr;
	_ =	strace $0xD0000000  }
0x3: {  	_ = 	snop  }
0x4: {  	_ = 	snop  }
0x5: {  	_ = 	snop  }
0x6: {  	_ = 	snop  }
0x7: {  	_ = 	snop  }
__scs_overlays_trampoline_lowered:
0x8: {  	[smem:$0x3FAA] =	sst s0  }
0x9: {  	[smem:$0x3FAB] =	sst s1  }
0xa: {  	[smem:$0x3FAC] =	sst s2  }
0xb: {  	[smem:$0x3FAD] =	sst s3  }
0xc: {  	[smem:$0x3FAE] =	sst s4  }
0xd: {  	[smem:$0x3FAF] =	sst s5  }
0xe: {  	[smem:$0x3FB0] =	sst s6  }
0xf: {  	[smem:$0x3FB1] =	sst s7  }
0x10: {  	[smem:$0x3FB2] =	sst s8  }
0x11: {  	[smem:$0x3FB3] =	sst s9;
	s0 =	simm.s32 @!p0 $0x0  }
0x12: {  	s1 =	sld [smem:$0x3F99];
	s0 =	simm.s32 @p0 $0x1  }
0x13: {  	[smem:$0x3FB4] =	sst s0;
	s0 =	simm.s32 @!p1 $0x0  }
0x14: {  	s2 =	sld [smem:$0x3F98];
	s0 =	simm.s32 @p1 $0x1  }
0x15: {  	[smem:$0x3FB5] =	sst s0;
	s0 =	simm.s32 @!p2 $0x0  }
0x16: {  	s3 =	sld [smem:$0x3FDB];
	s0 =	simm.s32 @p2 $0x1  }
0x17: {  	s4 =	simm.s32 $0x1BF5;
	[smem:$0x3FB7] =	sst s0  }
0x18: {  	s0 =	sld [smem:$0x3F9A];
	_ =	swait.ge [sflag:s4], $0x0  }
0x19: {  	s7 =	sld [smem:$0x3F9B]  }
0x1a: {  	s8 =	sadd.s32 $0xFFFFE003, lr  }
0x1b: {  	s9 =	sadd.s32 $0xFFFFFEF7, lr;
	s5 =	simm.s32 $0xFFFFFFFF;
	p2 =	slt.u32 s8, $0xFFFFF086  }
0x1c: {  	p1 =	slt.u32 s9, $0xF7A;
	s5 =	simm.s32 @!p2 $0x0  }
0x1d: {  	s5 =	simm.s32 @p1 $0x1;
	p0 =	seq.s32 s7, s2  }
0x1e: {  	s7 =	smul.u32 @!p0 $0xF7A, s2;
	p2 =	seq.s32 @!p0 s5, $0x0  }
0x1f: {  	s9 =	smul.u32 $0xF7A, s1;
	s8 =	simm.s32 @!p0 $0x1BF5;
	p2 =	por !p2, p0  }
0x20: {  	[sflag:s8] =	ssyncset.s32 @!p0 $0xFFFFF086;
	s6 =	sadd.s32 @!p0 s3, s7;
	s7 =	simm.s32 @!p0 $0x108  }
0x21: {  	s3 =	sadd.s32 s3, s9;
	s6 =	sadd.s32 @!p0 $0x88, s6;
	s7 =	simm.s32 @p2 $0x1082  }
0x22: {  	[simem:s7], [sflag:s8] =	dma.local @!p0 [hbm:s6], $0xF7A  }
0x23: {  	s9 =	sor.u32 $0xD0000000, s2;
	s6 =	simm.s32 $0x108;
	_ =	swait.ge @!p0 [sflag:s8], $0x0  }
0x24: {  	s3 =	sadd.s32 $0x88, s3;
	s6 =	simm.s32 @!p1 $0x1082;
	[sflag:s4] =	ssyncset.s32 $0xFFFFF086  }
0x25: {  	[simem:s6], [sflag:s4] =	dma.local [hbm:s3], $0xF7A  }
0x26: {  	[smem:$0x3F9B] =	sst s1;
	(tag) =	ssettag s2;
	_ =	strace s9  }
0x27: {  	s1 =	sld [smem:$0x3FAB]  }
0x28: {  	s2 =	sld [smem:$0x3FAC]  }
0x29: {  	s4 =	sld [smem:$0x3FAE]  }
0x2a: {  	p0 =	seq.s32 s5, $0x0;
	s5 =	sld [smem:$0x3FAF]  }
0x2b: {  	s6 =	sld [smem:$0x3FB0]  }
0x2c: {  	s7 =	sld [smem:$0x3FB1]  }
0x2d: {  	s3 =	simm.s32 $0x108;
	s8 =	sld [smem:$0x3FB2]  }
0x2e: {  	s3 =	simm.s32 @!p0 $0x1082;
	s9 =	sld [smem:$0x3FB3]  }
0x2f: {  	lr =	sadd.s32 s0, s3;
	s0 =	sld [smem:$0x3FAA]  }
0x30: {  	s3 =	sld [smem:$0x3FAD]  }
0x31: {  	[smem:$0x3FB6] =	sst s10  }
0x32: {  	s10 =	sld [smem:$0x3FB4];
	_ =	sdelay $0x3  }
0x33: {  	p0 =	seq.s32 s10, $0x1;
	s10 =	sld [smem:$0x3FB6];
	_ =	sdelay $0x3  }
0x34: {  	[smem:$0x3FB6] =	sst s10  }
0x35: {  	s10 =	sld [smem:$0x3FB5];
	_ =	sdelay $0x3  }
0x36: {  	p1 =	seq.s32 s10, $0x1;
	s10 =	sld [smem:$0x3FB6];
	_ =	sdelay $0x3  }
0x37: {  	[smem:$0x3FB6] =	sst s10  }
0x38: {  	s10 =	sld [smem:$0x3FB7]  }
0x39: {  	_ = 	snop;
	(pc) =	sbr.ind lr, $3  }
0x3a: {  	_ = 	snop  }
0x3b: {  	_ = 	snop  }
0x3c: {  	p2 =	seq.s32 s10, $0x1;
	s10 =	sld [smem:$0x3FB6]  }
0x3d: {  	_ =	shalt  }
0x3e: {  	_ =	shalt  }
0x3f: {  	_ =	shalt  }
0x40: {  	_ =	shalt  }
0x41: {  	_ =	shalt  }
0x42: {  	_ =	shalt  }
0x43: {  	_ =	shalt  }
0x44: {  	_ =	shalt  }
0x45: {  	_ =	shalt  }
0x46: {  	_ =	shalt  }
0x47: {  	_ =	shalt  }
0x48: {  	_ =	shalt  }
0x49: {  	_ =	shalt  }
0x4a: {  	_ =	shalt  }
0x4b: {  	_ =	shalt  }
0x4c: {  	_ =	shalt  }
0x4d: {  	_ =	shalt  }
0x4e: {  	_ =	shalt  }
0x4f: {  	_ =	shalt  }
0x50: {  	_ =	shalt  }
0x51: {  	_ =	shalt  }
0x52: {  	_ =	shalt  }
0x53: {  	_ =	shalt  }
0x54: {  	_ =	shalt  }
0x55: {  	_ =	shalt  }
0x56: {  	_ =	shalt  }
0x57: {  	_ =	shalt  }
0x58: {  	_ =	shalt  }
0x59: {  	_ =	shalt  }
0x5a: {  	_ =	shalt  }
0x5b: {  	_ =	shalt  }
0x5c: {  	_ =	shalt  }
0x5d: {  	_ =	shalt  }
0x5e: {  	_ =	shalt  }
0x5f: {  	_ =	shalt  }
0x60: {  	_ =	shalt  }
0x61: {  	_ =	shalt  }
0x62: {  	_ =	shalt  }
0x63: {  	_ =	shalt  }
0x64: {  	_ =	shalt  }
0x65: {  	_ =	shalt  }
0x66: {  	_ =	shalt  }
0x67: {  	_ =	shalt  }
0x68: {  	_ =	shalt  }
0x69: {  	_ =	shalt  }
0x6a: {  	_ =	shalt  }
0x6b: {  	_ =	shalt  }
0x6c: {  	_ =	shalt  }
0x6d: {  	_ =	shalt  }
0x6e: {  	_ =	shalt  }
0x6f: {  	_ =	shalt  }
0x70: {  	_ =	shalt  }
0x71: {  	_ =	shalt  }
0x72: {  	_ =	shalt  }
0x73: {  	_ =	shalt  }
0x74: {  	_ =	shalt  }
0x75: {  	_ =	shalt  }
0x76: {  	_ =	shalt  }
0x77: {  	_ =	shalt  }
0x78: {  	_ =	shalt  }
0x79: {  	_ =	shalt  }
0x7a: {  	_ =	shalt  }
0x7b: {  	_ =	shalt  }
0x7c: {  	_ =	shalt  }
0x7d: {  	_ =	shalt  }
0x7e: {  	_ =	shalt  }
0x7f: {  	_ =	shalt  }
0x80: {  	_ =	shalt  }
0x81: {  	_ =	shalt  }
0x82: {  	_ =	shalt  }
0x83: {  	_ =	shalt  }
0x84: {  	_ =	shalt  }
0x85: {  	_ =	shalt  }
0x86: {  	_ =	shalt  }
0x87: {  	_ =	shalt  }
.Lfunc_end0:
.L_simem_size_0:
called_computation.2_lowered:
.L_overlay_start_0:
0x88: {  	s2 =	sld [smem:$0x3FD9]  }
0x89: {  	s3 =	sld [smem:$0x3FFE];
	_ =	sdelay $0x1  }
0x8a: {  	s1 =	srdreg.scid  }
0x8b: {  	s0 =	sand.u32 $0x1, s1  }
0x8c: {  	s16 =	sshll.u32 s0, $0xA;
	s2 =	sadd.s32 s3, s2  }
0x8d: {  	s2 =	sadd.s32 s2, s16  }
0x8e: {  	[smem:$0x3FC2] =	sst s2  }
0x8f: {  	_ = 	snop  }
0x90: {  	(tm) =	ssettm $0x1  }
0x91: {  	s17 =	sld [smem:$0x3FFB];
	_ =	sdelay $0x3  }
0x92: {  	_ =	strace s17  }
0x93: {  	s2 =	sld [smem:$0x3FFC];
	_ =	sdelay $0x3  }
0x94: {  	_ =	strace s2  }
0x95: {  	s2 =	sld [smem:$0x3FFD];
	_ =	sdelay $0x3  }
0x96: {  	_ =	strace s2  }
0x97: {  	_ =	strace $0x8FFFFFFF  }
0x98: {  	s18 =	sld [smem:$0x3FDB];
	_ =	sdelay $0x1  }
0x99: {  	s19 =	simm.s32 $_scs_section_size  }
0x9a: {  	s4 =	simm.s32 $_size__tile_overlayer_lowered;
	s5 =	simm.s32 $_tile_overlayer_lowered  }
0x9b: {  	s22 =	simm.s32 $0x1BFF;
	s21 =	sshll.u32 s5, $0x1;
	s2 =	sadd.s32 s19, s18  }
0x9c: {  	s6 =	simm.s32 $0x0;
	s20 =	sshll.u32 s4, $0x1;
	s4 =	sadd.s32 s21, s2  }
0x9d: {  	[timem:s6], [sflag:s22] =	dma.local [hbm:s4], s20  }
0x9e: {  	_ =	swait.ge [sflag:s22], s20  }
0x9f: {  	s3 =	ssub.s32 $0x0, s20;
	[sflag:s22] =	ssyncset.done $0x0  }
0xa0: {  	[sflag:s22] =	ssyncadd.s32 s3;
	_ =	sdelay $0x1  }
0xa1: {  	s23 =	simm.s32 $0x1B8B  }
0xa2: {  	_ =	swait.ge [sflag:s23], $0x1  }
0xa3: {  	[sflag:s23] =	ssyncset.done $0x0  }
0xa4: {  	s25 =	simm.s32 $0x1B8E;
	s24 =	sld [smem:$0x3FFE];
	[sflag:s23] =	ssyncadd.s32 $0xFFFFFFFF  }
0xa5: {  	s26 =	simm.s32 $execute0_lowered;
	[smem:$0x3FD2] =	sst s25  }
0xa6: {  	s4 =	sshll.u32 s26, $0x1;
	_ =	strace $0x8000004C;
	[dreg:$0x1] =	wrdreg $0xFFFFFFFF  }
0xa7: {  	s28 =	simm.s32 $_size_execute0_lowered;
	s2 =	sadd.s32 s2, s4;
	[dreg:$0x0] =	wrdreg $0x0  }
0xa8: {  	s4 =	sshll.u32 s28, $0x1;
	[dreg:$0x2] =	wrdreg s2  }
0xa9: {  	[dreg:$0x3] =	wrdreg s4  }
0xaa: {  	[dreg:$0x4] =	wrdreg $0xC0  }
0xab: {  	_ =	task [dreg:s6], $0x5FFFF  }
0xac: {  	[dreg:$0x1] =	wrdreg $0xFFFFFFFF  }
0xad: {  	[dreg:$0x0] =	wrdreg $0x60  }
0xae: {  	[dreg:$0x2] =	wrdreg s24  }
0xaf: {  	[dreg:$0x3] =	wrdreg $0x51000  }
0xb0: {  	[dreg:$0x4] =	wrdreg $0x53800  }
0xb1: {  	[dreg:$0x5] =	wrdreg $0x56000  }
0xb2: {  	[dreg:$0x6] =	wrdreg $0x58800  }
0xb3: {  	[dreg:$0x7] =	wrdreg $0x9  }
0xb4: {  	_ =	task.clear_ibuf [dreg:s6], $0x8FFFF;
	_ =	strace $0x9000004C  }
0xb5: {  	s29 =	simm.s32 $0x9;
	_ =	strace $0x8000004E  }
0xb6: {  	_ =	swait.ge [sflag:s29], $0x1  }
0xb7: {  	[sflag:s29] =	ssyncadd.s32 $0xFFFFFFFF  }
0xb8: {  	_ =	strace $0x9000004E  }
0xb9: {  	_ =	sfence  }
0xba: {  	s30 =	sld [smem:$0x0];
	_ =	sdelay $0x2  }
0xbb: {  	s31 =	sshll.u32 s1, $0xD;
	s1 =	sshrl.u32 s1, $0x2  }
0xbc: {  	s3 =	sand.u32 $0x4000, s31;
	s1 =	sadd.s32 s1, s30  }
0xbd: {  	s0 =	sor.u32 s3, s0;
	s1 =	sshll.u32 s1, $0x11  }
0xbe: {  	s0 =	sor.u32 s1, s0  }
0xbf: {  	s0 =	sadd.s32 $0x8F2B, s0  }
0xc0: {  	[sflag:s0] =	ssyncadd.remote.s32 $0x1  }
0xc1: {  	_ =	sfence.sel $0xFFFF  }
0xc2: {  	[dreg:$0x0] =	wrdreg $0xFFFFFFFF;
	(pc) =	sbr.abs _section_cstart, $3  }
0xc3: {  	[dreg:$0x1] =	wrdreg $0xFFFFFFFF  }
0xc4: {  	_ =	task.clear_ibuf [dreg:s6], $0x2FFFF;
	_ =	strace $0x9FFFFFFF  }
0xc5: {  	(tm) =	ssettm $0x7FFFFFFF  }
tec
execute0_lowered:
.L_overlay_start_1:
0x0: {  	(tag) =	ssettag $0x1  }
0x1: {  	s1 =	rddreg [dreg:$0x0]  }
0x2: {  	s0 =	rddreg [dreg:$0x1]  }
0x3: {  	s3 =	srdreg.scid;
	s2 =	rddreg [dreg:$0x2]  }
0x4: {  	s4 =	rddreg [dreg:$0x3];
	s16 =	stileid.u32  }
0x5: {  	s5 =	rddreg [dreg:$0x4];
	s15 =	simm.s32 $0x3;
	s22 =	simm.s32 $0x7D  }
0x6: {  	s23 =	simm.s32 $0x5000;
	s28 =	simm.s32 $0x2;
	s29 =	simm.s32 $0x4F00  }
0x7: {  	s30 =	simm.s32 $0x4F80;
	s31 =	simm.s32 $0x0;
	s3 =	sand.u32 $0x1, s3  }
0x8: {  	s12 =	smul.u32 $0x280, s16;
	s26 =	sshll.u32 s16, $0x6;
	s6 =	sshll.u32 s3, $0x4  }
0x9: {  	s9 =	smul.u32 $0x5000, s3;
	s3 =	ssub.s32 $0x2, s3;
	s17 =	sor.u32 $0x1C03, s26  }
0xa: {  	s26 =	simm.s32 $0x1;
	s7 =	sor.u32 s16, s6;
	s6 =	simm.s32 $0x0  }
0xb: {  	s8 =	sshrl.u32 s12, $0x3;
	s25 =	sshrl.u32 s3, $0x1;
	s18 =	sadd.s32 s12, s0  }
0xc: {  	s19 =	sadd.s32 s12, s2;
	s20 =	sadd.s32 s12, s4;
	s21 =	sadd.s32 s12, s5  }
0xd: {  	s7 =	smul.u32 $0x2800, s7;
	[smem:$0x7FF] =	sst s6;
	s11 =	sadd.s32 s8, s1  }
0xe: {  	s24 =	sadd.s32 s12, s9;
	s3 =	ssub.s32 s3, s25;
	s18 =	sshrl.u32 s18, $0x3  }
0xf: {  	s19 =	sshrl.u32 s19, $0x3;
	s20 =	sshrl.u32 s20, $0x3;
	s21 =	sshrl.u32 s21, $0x3  }
0x10: {  	s25 =	simm.s32 $0x5080;
	_ =	strace $0x8000004D;
	s8 =	sshrl.u32 s24, $0x3  }
0x11: {  	s14 =	smax.u32 s3, $0x1;
	s24 =	simm.s32 $0x80;
	s7 =	sshrl.u32 s7, $0x3  }
0x12: {  	s10 =	sadd.s32 s7, s1;
	s7 =	sadd.s32 $0x16000, s1;
	s1 =	sadd.s32 s8, s1  }
0x13: {  	s8 =	sadd.s32 $0x2000, s10;
	s9 =	sadd.s32 $0xC000, s10;
	s10 =	sadd.s32 $0x16C00, s11  }
0x14: {  	s11 =	sadd.s32 $0x17100, s11;
	s12 =	sadd.s32 $0x17600, s1;
	s13 =	sadd.s32 $0x17B00, s1  }
.LBB2_1:
0x15: {  	[tilespmem:s6], [sflag:$0x3] =	stream.linear.gather [hbm4b:s8+s6], $0x2800, $0x38;
	[tilespmem:$0x5B00] =	vst v63  }
0x16: {  	_ =	swait.ge [sflag:s15], $0x2800  }
0x17: {  	[sflag:s15] =	ssyncset.done $0x0  }
0x18: {  	s1 =	simm.s32 $0x2800;
	[sflag:s15] =	ssyncadd.s32 $0xFFFFD800  }
0x19: {  	[tilespmem:s1], [sflag:$0x3] =	stream.linear.gather [hbm4b:s9+s6], $0x2800, $0x38;
	[tilespmem:$0x5B00] =	vst v63  }
0x1a: {  	_ =	swait.ge [sflag:s15], $0x2800  }
0x1b: {  	[sflag:s15] =	ssyncset.done $0x0  }
0x1c: {  	[sflag:s15] =	ssyncadd.s32 $0xFFFFD800  }
0x1d: {  	[spmem:s18], [sflag:s17] =	dma.local [hbm:s10], $0x50  }
0x1e: {  	_ =	swait.ge [sflag:s15], $0x50  }
0x1f: {  	[sflag:s15] =	ssyncset.done $0x0  }
0x20: {  	[sflag:s15] =	ssyncadd.s32 $0xFFFFFFB0  }
0x21: {  	[spmem:s19], [sflag:s17] =	dma.local [hbm:s11], $0x50  }
0x22: {  	_ =	swait.ge [sflag:s15], $0x50  }
0x23: {  	[sflag:s15] =	ssyncset.done $0x0  }
0x24: {  	[sflag:s15] =	ssyncadd.s32 $0xFFFFFFB0  }
0x25: {  	[spmem:s20], [sflag:s17] =	dma.local [hbm:s7], $0x50  }
0x26: {  	_ =	swait.ge [sflag:s15], $0x50  }
0x27: {  	[sflag:s15] =	ssyncset.done $0x0  }
0x28: {  	[sflag:s15] =	ssyncadd.s32 $0xFFFFFFB0  }
0x29: {  	[spmem:s21], [sflag:s17] =	dma.local [hbm:s7], $0x50  }
0x2a: {  	_ =	swait.ge [sflag:s15], $0x50  }
0x2b: {  	[sflag:s15] =	ssyncset.done $0x0  }
0x2c: {  	[sflag:s15] =	ssyncadd.s32 $0xFFFFFFB0  }
0x2d: {  	[bflag:$0x0] =	sbarrier.arrive $0xFFFF  }
0x2e: {  	[tilespmem:s23], [sflag:$0x1] =	stream.indirect.gather [spmem:s0], $0x1, s6, s22, $0xb8;
	[tilespmem:$0x5B00] =	vst v63  }
0x2f: {  	_ = 	snop  }
0x30: {  	[tilespmem:s25], [sflag:$0x2] =	stream.indirect.gather [spmem:s0], $0x1, s24, s22, $0xb8;
	[tilespmem:$0x5B00] =	vst v63  }
0x31: {  	_ =	swait.ge [sflag:s26], $0x7D  }
0x32: {  	[sflag:s26] =	ssyncset.done $0x0  }
0x33: {  	s16 =	simm.s32 $0x2800;
	[sflag:s26] =	ssyncadd.s32 $0xFFFFFF83  }
0x34: {  	[spmem:s4] =	stream.indirect.scatter.add.f32 [tilespmem:s23], [sflag:$0x3], $0x1, s16, s22, $0xb8;
	[tilespmem:$0x5B00] =	vst v63  }
0x35: {  	_ =	swait.ge [sflag:s15], $0x7D  }
0x36: {  	[sflag:s15] =	ssyncset.done $0x0  }
0x37: {  	s3 =	simm.s32 $0x100;
	[sflag:s15] =	ssyncadd.s32 $0xFFFFFF83  }
0x38: {  	[tilespmem:s23], [sflag:$0x1] =	stream.indirect.gather [spmem:s0], $0x1, s3, s22, $0xb8;
	[tilespmem:$0x5B00] =	vst v63  }
0x39: {  	_ =	swait.ge [sflag:s28], $0x7D  }
0x3a: {  	[sflag:s28] =	ssyncset.done $0x0  }
0x3b: {  	s16 =	simm.s32 $0x2880;
	[sflag:s28] =	ssyncadd.s32 $0xFFFFFF83  }
0x3c: {  	[spmem:s4] =	stream.indirect.scatter.add.f32 [tilespmem:s25], [sflag:$0x3], $0x1, s16, s22, $0xb8;
	[tilespmem:$0x5B00] =	vst v63  }
0x3d: {  	_ =	swait.ge [sflag:s15], $0x7D  }
0x3e: {  	[sflag:s15] =	ssyncset.done $0x0  }
0x3f: {  	s1 =	simm.s32 $0x180;
	s3 =	simm.s32 $0x400;
	[sflag:s15] =	ssyncadd.s32 $0xFFFFFF83  }
.LBB2_2:
0x40: {  	[tilespmem:s25], [sflag:$0x2] =	stream.indirect.gather [spmem:s0], $0x1, s1, s22, $0xb8;
	[tilespmem:$0x5B00] =	vst v63  }
0x41: {  	s1 =	smov.u32 s3  }
0x42: {  	p0 =	sne.s32 s3, $0x9800;
	s3 =	sadd.s32 $0x400, s3;
	_ =	swait.ge [sflag:s26], $0x7D  }
0x43: {  	s1 =	sshra.s32 s1, $0x2;
	[sflag:s26] =	ssyncset.done $0x0  }
0x44: {  	s16 =	sadd.s32 $0x2800, s1;
	[sflag:s26] =	ssyncadd.s32 $0xFFFFFF83  }
0x45: {  	[spmem:s4] =	stream.indirect.scatter.add.f32 [tilespmem:s23], [sflag:$0x3], $0x1, s16, s22, $0xb8;
	[tilespmem:$0x5B00] =	vst v63  }
0x46: {  	_ =	swait.ge [sflag:s15], $0x7D  }
0x47: {  	[sflag:s15] =	ssyncset.done $0x0  }
0x48: {  	s16 =	sadd.s32 $0x100, s1;
	[sflag:s15] =	ssyncadd.s32 $0xFFFFFF83  }
0x49: {  	[tilespmem:s23], [sflag:$0x1] =	stream.indirect.gather [spmem:s0], $0x1, s16, s22, $0xb8;
	[tilespmem:$0x5B00] =	vst v63  }
0x4a: {  	_ =	swait.ge [sflag:s28], $0x7D  }
0x4b: {  	[sflag:s28] =	ssyncset.done $0x0  }
.Ltmp0:
0x4c: {  	s16 =	sadd.s32 $0x2880, s1;
	[sflag:s28] =	ssyncadd.s32 $0xFFFFFF83;
	(pc) =	sbr.rel @p0 .LBB2_2-.Ltmp0, $4  }
0x4d: {  	[spmem:s4] =	stream.indirect.scatter.add.f32 [tilespmem:s25], [sflag:$0x3], $0x1, s16, s22, $0xb8;
	[tilespmem:$0x5B00] =	vst v63  }
0x4e: {  	_ =	swait.ge [sflag:s15], $0x7D  }
0x4f: {  	[sflag:s15] =	ssyncset.done $0x0  }
0x50: {  	s1 =	sadd.s32 $0x180, s1;
	[sflag:s15] =	ssyncadd.s32 $0xFFFFFF83  }
0x51: {  	[tilespmem:s25], [sflag:$0x2] =	stream.indirect.gather [spmem:s0], $0x1, s1, s22, $0xb8;
	[tilespmem:$0x5B00] =	vst v63  }
0x52: {  	_ =	swait.ge [sflag:s26], $0x7D  }
0x53: {  	[sflag:s26] =	ssyncset.done $0x0  }
0x54: {  	[sflag:s26] =	ssyncadd.s32 $0xFFFFFF83  }
0x55: {  	[spmem:s4] =	stream.indirect.scatter.add.f32 [tilespmem:s23], [sflag:$0x3], $0x1, s29, s22, $0xb8;
	[tilespmem:$0x5B00] =	vst v63  }
0x56: {  	_ =	swait.ge [sflag:s15], $0x7D  }
0x57: {  	[sflag:s15] =	ssyncset.done $0x0  }
0x58: {  	[sflag:s15] =	ssyncadd.s32 $0xFFFFFF83  }
0x59: {  	_ =	swait.ge [sflag:s28], $0x7D  }
0x5a: {  	[sflag:s28] =	ssyncset.done $0x0  }
0x5b: {  	[sflag:s28] =	ssyncadd.s32 $0xFFFFFF83  }
0x5c: {  	[spmem:s4] =	stream.indirect.scatter.add.f32 [tilespmem:s25], [sflag:$0x3], $0x1, s30, s22, $0xb8;
	[tilespmem:$0x5B00] =	vst v63  }
0x5d: {  	_ =	swait.ge [sflag:s15], $0x7D  }
0x5e: {  	[sflag:s15] =	ssyncset.done $0x0  }
0x5f: {  	s3 =	simm.s32 $0x0;
	[sflag:s15] =	ssyncadd.s32 $0xFFFFFF83  }
0x60: {  	[tilespmem:s23], [sflag:$0x1] =	stream.indirect.gather [spmem:s2], $0x1, s3, s22, $0xb8;
	[tilespmem:$0x5B00] =	vst v63  }
0x61: {  	_ = 	snop  }
0x62: {  	[tilespmem:s25], [sflag:$0x2] =	stream.indirect.gather [spmem:s2], $0x1, s24, s22, $0xb8;
	[tilespmem:$0x5B00] =	vst v63  }
0x63: {  	_ =	swait.ge [sflag:s26], $0x7D  }
0x64: {  	[sflag:s26] =	ssyncset.done $0x0  }
0x65: {  	s16 =	simm.s32 $0x2800;
	[sflag:s26] =	ssyncadd.s32 $0xFFFFFF83  }
0x66: {  	[spmem:s5] =	stream.indirect.scatter.add.f32 [tilespmem:s23], [sflag:$0x3], $0x1, s16, s22, $0xb8;
	[tilespmem:$0x5B00] =	vst v63  }
0x67: {  	_ =	swait.ge [sflag:s15], $0x7D  }
0x68: {  	[sflag:s15] =	ssyncset.done $0x0  }
0x69: {  	s3 =	simm.s32 $0x100;
	[sflag:s15] =	ssyncadd.s32 $0xFFFFFF83  }
0x6a: {  	[tilespmem:s23], [sflag:$0x1] =	stream.indirect.gather [spmem:s2], $0x1, s3, s22, $0xb8;
	[tilespmem:$0x5B00] =	vst v63  }
0x6b: {  	_ =	swait.ge [sflag:s28], $0x7D  }
0x6c: {  	[sflag:s28] =	ssyncset.done $0x0  }
0x6d: {  	s16 =	simm.s32 $0x2880;
	[sflag:s28] =	ssyncadd.s32 $0xFFFFFF83  }
0x6e: {  	[spmem:s5] =	stream.indirect.scatter.add.f32 [tilespmem:s25], [sflag:$0x3], $0x1, s16, s22, $0xb8;
	[tilespmem:$0x5B00] =	vst v63  }
0x6f: {  	_ =	swait.ge [sflag:s15], $0x7D  }
0x70: {  	[sflag:s15] =	ssyncset.done $0x0  }
0x71: {  	s1 =	simm.s32 $0x180;
	s3 =	simm.s32 $0x400;
	[sflag:s15] =	ssyncadd.s32 $0xFFFFFF83  }
.LBB2_4:
0x72: {  	[tilespmem:s25], [sflag:$0x2] =	stream.indirect.gather [spmem:s2], $0x1, s1, s22, $0xb8;
	[tilespmem:$0x5B00] =	vst v63  }
0x73: {  	s1 =	smov.u32 s3  }
0x74: {  	p0 =	sne.s32 s3, $0x9800;
	s3 =	sadd.s32 $0x400, s3;
	_ =	swait.ge [sflag:s26], $0x7D  }
0x75: {  	s1 =	sshra.s32 s1, $0x2;
	[sflag:s26] =	ssyncset.done $0x0  }
0x76: {  	s16 =	sadd.s32 $0x2800, s1;
	[sflag:s26] =	ssyncadd.s32 $0xFFFFFF83  }
0x77: {  	[spmem:s5] =	stream.indirect.scatter.add.f32 [tilespmem:s23], [sflag:$0x3], $0x1, s16, s22, $0xb8;
	[tilespmem:$0x5B00] =	vst v63  }
0x78: {  	_ =	swait.ge [sflag:s15], $0x7D  }
0x79: {  	[sflag:s15] =	ssyncset.done $0x0  }
0x7a: {  	s16 =	sadd.s32 $0x100, s1;
	[sflag:s15] =	ssyncadd.s32 $0xFFFFFF83  }
0x7b: {  	[tilespmem:s23], [sflag:$0x1] =	stream.indirect.gather [spmem:s2], $0x1, s16, s22, $0xb8;
	[tilespmem:$0x5B00] =	vst v63  }
0x7c: {  	_ =	swait.ge [sflag:s28], $0x7D  }
0x7d: {  	[sflag:s28] =	ssyncset.done $0x0  }
.Ltmp1:
0x7e: {  	s16 =	sadd.s32 $0x2880, s1;
	[sflag:s28] =	ssyncadd.s32 $0xFFFFFF83;
	(pc) =	sbr.rel @p0 .LBB2_4-.Ltmp1, $4  }
0x7f: {  	[spmem:s5] =	stream.indirect.scatter.add.f32 [tilespmem:s25], [sflag:$0x3], $0x1, s16, s22, $0xb8;
	[tilespmem:$0x5B00] =	vst v63  }
0x80: {  	_ =	swait.ge [sflag:s15], $0x7D  }
0x81: {  	[sflag:s15] =	ssyncset.done $0x0  }
0x82: {  	s1 =	sadd.s32 $0x180, s1;
	[sflag:s15] =	ssyncadd.s32 $0xFFFFFF83  }
0x83: {  	[tilespmem:s25], [sflag:$0x2] =	stream.indirect.gather [spmem:s2], $0x1, s1, s22, $0xb8;
	[tilespmem:$0x5B00] =	vst v63  }
0x84: {  	_ =	swait.ge [sflag:s26], $0x7D  }
0x85: {  	[sflag:s26] =	ssyncset.done $0x0  }
0x86: {  	[sflag:s26] =	ssyncadd.s32 $0xFFFFFF83  }
0x87: {  	[spmem:s5] =	stream.indirect.scatter.add.f32 [tilespmem:s23], [sflag:$0x3], $0x1, s29, s22, $0xb8;
	[tilespmem:$0x5B00] =	vst v63  }
0x88: {  	_ =	swait.ge [sflag:s15], $0x7D  }
0x89: {  	[sflag:s15] =	ssyncset.done $0x0  }
0x8a: {  	[sflag:s15] =	ssyncadd.s32 $0xFFFFFF83  }
0x8b: {  	_ =	swait.ge [sflag:s28], $0x7D  }
0x8c: {  	[sflag:s28] =	ssyncset.done $0x0  }
0x8d: {  	[sflag:s28] =	ssyncadd.s32 $0xFFFFFF83  }
0x8e: {  	[spmem:s5] =	stream.indirect.scatter.add.f32 [tilespmem:s25], [sflag:$0x3], $0x1, s30, s22, $0xb8;
	[tilespmem:$0x5B00] =	vst v63  }
0x8f: {  	_ =	swait.ge [sflag:s15], $0x7D  }
0x90: {  	[sflag:s15] =	ssyncset.done $0x0  }
0x91: {  	[sflag:s15] =	ssyncadd.s32 $0xFFFFFF83  }
0x92: {  	[bflag:$0x0] =	sbarrier.arrive $0xFFFF  }
0x93: {  	[hbm:s12], [sflag:s17] =	dma.local [spmem:s20], $0x50  }
0x94: {  	s31 =	sadd.s32 $0x1, s31;
	_ =	swait.ge [sflag:s15], $0x50  }
0x95: {  	p0 =	sne.s32 s31, s14;
	[sflag:s15] =	ssyncset.done $0x0  }
.Ltmp2:
0x96: {  	[sflag:s15] =	ssyncadd.s32 $0xFFFFFFB0;
	(pc) =	sbr.rel @p0 .LBB2_1-.Ltmp2, $4  }
0x97: {  	[hbm:s13], [sflag:s17] =	dma.local [spmem:s21], $0x50  }
0x98: {  	_ =	swait.ge [sflag:s15], $0x50  }
0x99: {  	[sflag:s15] =	ssyncset.done $0x0  }
0x9a: {  	[sflag:s15] =	ssyncadd.s32 $0xFFFFFFB0  }
0x9b: {  	_ =	sfence.sel $0x180000  }
0x9c: {  	[bflag:$0x0] =	sbarrier.arrive $0xFFFF  }
0x9d: {  	_ =	strace $0x9000004D  }
0x9e: {  	s0 =	stileid.u32;
	[bflag:$0x2] =	sbarrier.arrive $0xFFFF  }
0x9f: {  	p0 =	sne.s32 s0, $0x0;
	s0 =	rddreg [dreg:$0x5]  }
0xa0: {  	s0 =	sadd.s32 @!p0 $0x100000, s0  }
0xa1: {  	[sflag:s0] =	ssyncadd.tile.s32 @!p0 $0x1;
	_ =	shalt  }
.Lfunc_end2:
_tile_overlayer_lowered:
.L_overlay_start_2:
0xa2: {  	(tag) =	ssettag $0x2  }
0xa3: {  	s0 =	rddreg [dreg:$0x0];
	s2 =	stileid.u32  }
0xa4: {  	s1 =	rddreg [dreg:$0x1];
	p0 =	sne.s32 s2, $0x0  }
0xa5: {  	s3 =	rddreg [dreg:$0x2];
	[bflag:$0x3] =	sbarrier.arrive $0xFFFF;
	s2 =	simm.s32 @!p0 $0x1C03  }
0xa6: {  	[timem:s3], [sflag:s2] =	dma.local @!p0 [hbm:s0], s1  }
0xa7: {  	s0 =	simm.s32 @!p0 $0x3  }
0xa8: {  	_ =	swait.ge @!p0 [sflag:s0], s1  }
0xa9: {  	s1 =	ssub.s32 @!p0 $0x0, s1;
	[sflag:s0] =	ssyncset.done @!p0 $0x0  }
0xaa: {  	[sflag:s0] =	ssyncadd.s32 @!p0 s1  }
0xab: {  	[bflag:$0x3] =	sbarrier.arrive $0xFFFF  }
0xac: {  	_ =	shalt  }

// kernel: kernel.8.cloned.1.call-start
scs
__scs_entry_jumppad:
0x0: {  	(pc) =	sbr.rel $0x88, $3  }
0x1: {  	(tag) =	ssettag $0x0;
	lr =	simm.s32 $0x1  }
0x2: {  	[smem:$0x3F9B] =	sst lr;
	_ =	strace $0xD0000000  }
0x3: {  	_ = 	snop  }
0x4: {  	_ = 	snop  }
0x5: {  	_ = 	snop  }
0x6: {  	_ = 	snop  }
0x7: {  	_ = 	snop  }
__scs_overlays_trampoline_lowered:
0x8: {  	[smem:$0x3FAA] =	sst s0  }
0x9: {  	[smem:$0x3FAB] =	sst s1  }
0xa: {  	[smem:$0x3FAC] =	sst s2  }
0xb: {  	[smem:$0x3FAD] =	sst s3  }
0xc: {  	[smem:$0x3FAE] =	sst s4  }
0xd: {  	[smem:$0x3FAF] =	sst s5  }
0xe: {  	[smem:$0x3FB0] =	sst s6  }
0xf: {  	[smem:$0x3FB1] =	sst s7  }
0x10: {  	[smem:$0x3FB2] =	sst s8  }
0x11: {  	[smem:$0x3FB3] =	sst s9;
	s0 =	simm.s32 @!p0 $0x0  }
0x12: {  	s1 =	sld [smem:$0x3F99];
	s0 =	simm.s32 @p0 $0x1  }
0x13: {  	[smem:$0x3FB4] =	sst s0;
	s0 =	simm.s32 @!p1 $0x0  }
0x14: {  	s2 =	sld [smem:$0x3F98];
	s0 =	simm.s32 @p1 $0x1  }
0x15: {  	[smem:$0x3FB5] =	sst s0;
	s0 =	simm.s32 @!p2 $0x0  }
0x16: {  	s3 =	sld [smem:$0x3FDB];
	s0 =	simm.s32 @p2 $0x1  }
0x17: {  	s4 =	simm.s32 $0x1BF5;
	[smem:$0x3FB7] =	sst s0  }
0x18: {  	s0 =	sld [smem:$0x3F9A];
	_ =	swait.ge [sflag:s4], $0x0  }
0x19: {  	s7 =	sld [smem:$0x3F9B]  }
0x1a: {  	s8 =	sadd.s32 $0xFFFFE003, lr  }
0x1b: {  	s9 =	sadd.s32 $0xFFFFFEF7, lr;
	s5 =	simm.s32 $0xFFFFFFFF;
	p2 =	slt.u32 s8, $0xFFFFF086  }
0x1c: {  	p1 =	slt.u32 s9, $0xF7A;
	s5 =	simm.s32 @!p2 $0x0  }
0x1d: {  	s5 =	simm.s32 @p1 $0x1;
	p0 =	seq.s32 s7, s2  }
0x1e: {  	s7 =	smul.u32 @!p0 $0xF7A, s2;
	p2 =	seq.s32 @!p0 s5, $0x0  }
0x1f: {  	s9 =	smul.u32 $0xF7A, s1;
	s8 =	simm.s32 @!p0 $0x1BF5;
	p2 =	por !p2, p0  }
0x20: {  	[sflag:s8] =	ssyncset.s32 @!p0 $0xFFFFF086;
	s6 =	sadd.s32 @!p0 s3, s7;
	s7 =	simm.s32 @!p0 $0x108  }
0x21: {  	s3 =	sadd.s32 s3, s9;
	s6 =	sadd.s32 @!p0 $0x88, s6;
	s7 =	simm.s32 @p2 $0x1082  }
0x22: {  	[simem:s7], [sflag:s8] =	dma.local @!p0 [hbm:s6], $0xF7A  }
0x23: {  	s9 =	sor.u32 $0xD0000000, s2;
	s6 =	simm.s32 $0x108;
	_ =	swait.ge @!p0 [sflag:s8], $0x0  }
0x24: {  	s3 =	sadd.s32 $0x88, s3;
	s6 =	simm.s32 @!p1 $0x1082;
	[sflag:s4] =	ssyncset.s32 $0xFFFFF086  }
0x25: {  	[simem:s6], [sflag:s4] =	dma.local [hbm:s3], $0xF7A  }
0x26: {  	[smem:$0x3F9B] =	sst s1;
	(tag) =	ssettag s2;
	_ =	strace s9  }
0x27: {  	s1 =	sld [smem:$0x3FAB]  }
0x28: {  	s2 =	sld [smem:$0x3FAC]  }
0x29: {  	s4 =	sld [smem:$0x3FAE]  }
0x2a: {  	p0 =	seq.s32 s5, $0x0;
	s5 =	sld [smem:$0x3FAF]  }
0x2b: {  	s6 =	sld [smem:$0x3FB0]  }
0x2c: {  	s7 =	sld [smem:$0x3FB1]  }
0x2d: {  	s3 =	simm.s32 $0x108;
	s8 =	sld [smem:$0x3FB2]  }
0x2e: {  	s3 =	simm.s32 @!p0 $0x1082;
	s9 =	sld [smem:$0x3FB3]  }
0x2f: {  	lr =	sadd.s32 s0, s3;
	s0 =	sld [smem:$0x3FAA]  }
0x30: {  	s3 =	sld [smem:$0x3FAD]  }
0x31: {  	[smem:$0x3FB6] =	sst s10  }
0x32: {  	s10 =	sld [smem:$0x3FB4];
	_ =	sdelay $0x3  }
0x33: {  	p0 =	seq.s32 s10, $0x1;
	s10 =	sld [smem:$0x3FB6];
	_ =	sdelay $0x3  }
0x34: {  	[smem:$0x3FB6] =	sst s10  }
0x35: {  	s10 =	sld [smem:$0x3FB5];
	_ =	sdelay $0x3  }
0x36: {  	p1 =	seq.s32 s10, $0x1;
	s10 =	sld [smem:$0x3FB6];
	_ =	sdelay $0x3  }
0x37: {  	[smem:$0x3FB6] =	sst s10  }
0x38: {  	s10 =	sld [smem:$0x3FB7]  }
0x39: {  	_ = 	snop;
	(pc) =	sbr.ind lr, $3  }
0x3a: {  	_ = 	snop  }
0x3b: {  	_ = 	snop  }
0x3c: {  	p2 =	seq.s32 s10, $0x1;
	s10 =	sld [smem:$0x3FB6]  }
0x3d: {  	_ =	shalt  }
0x3e: {  	_ =	shalt  }
0x3f: {  	_ =	shalt  }
0x40: {  	_ =	shalt  }
0x41: {  	_ =	shalt  }
0x42: {  	_ =	shalt  }
0x43: {  	_ =	shalt  }
0x44: {  	_ =	shalt  }
0x45: {  	_ =	shalt  }
0x46: {  	_ =	shalt  }
0x47: {  	_ =	shalt  }
0x48: {  	_ =	shalt  }
0x49: {  	_ =	shalt  }
0x4a: {  	_ =	shalt  }
0x4b: {  	_ =	shalt  }
0x4c: {  	_ =	shalt  }
0x4d: {  	_ =	shalt  }
0x4e: {  	_ =	shalt  }
0x4f: {  	_ =	shalt  }
0x50: {  	_ =	shalt  }
0x51: {  	_ =	shalt  }
0x52: {  	_ =	shalt  }
0x53: {  	_ =	shalt  }
0x54: {  	_ =	shalt  }
0x55: {  	_ =	shalt  }
0x56: {  	_ =	shalt  }
0x57: {  	_ =	shalt  }
0x58: {  	_ =	shalt  }
0x59: {  	_ =	shalt  }
0x5a: {  	_ =	shalt  }
0x5b: {  	_ =	shalt  }
0x5c: {  	_ =	shalt  }
0x5d: {  	_ =	shalt  }
0x5e: {  	_ =	shalt  }
0x5f: {  	_ =	shalt  }
0x60: {  	_ =	shalt  }
0x61: {  	_ =	shalt  }
0x62: {  	_ =	shalt  }
0x63: {  	_ =	shalt  }
0x64: {  	_ =	shalt  }
0x65: {  	_ =	shalt  }
0x66: {  	_ =	shalt  }
0x67: {  	_ =	shalt  }
0x68: {  	_ =	shalt  }
0x69: {  	_ =	shalt  }
0x6a: {  	_ =	shalt  }
0x6b: {  	_ =	shalt  }
0x6c: {  	_ =	shalt  }
0x6d: {  	_ =	shalt  }
0x6e: {  	_ =	shalt  }
0x6f: {  	_ =	shalt  }
0x70: {  	_ =	shalt  }
0x71: {  	_ =	shalt  }
0x72: {  	_ =	shalt  }
0x73: {  	_ =	shalt  }
0x74: {  	_ =	shalt  }
0x75: {  	_ =	shalt  }
0x76: {  	_ =	shalt  }
0x77: {  	_ =	shalt  }
0x78: {  	_ =	shalt  }
0x79: {  	_ =	shalt  }
0x7a: {  	_ =	shalt  }
0x7b: {  	_ =	shalt  }
0x7c: {  	_ =	shalt  }
0x7d: {  	_ =	shalt  }
0x7e: {  	_ =	shalt  }
0x7f: {  	_ =	shalt  }
0x80: {  	_ =	shalt  }
0x81: {  	_ =	shalt  }
0x82: {  	_ =	shalt  }
0x83: {  	_ =	shalt  }
0x84: {  	_ =	shalt  }
0x85: {  	_ =	shalt  }
0x86: {  	_ =	shalt  }
0x87: {  	_ =	shalt  }
.Lfunc_end0:
.L_simem_size_0:
called_computation_lowered:
.L_overlay_start_0:
0x88: {  	s2 =	sld [smem:$0x3FD9]  }
0x89: {  	s3 =	sld [smem:$0x3FFE];
	_ =	sdelay $0x1  }
0x8a: {  	s1 =	srdreg.scid  }
0x8b: {  	s0 =	sand.u32 $0x1, s1  }
0x8c: {  	s17 =	sshll.u32 s0, $0xA;
	s2 =	sadd.s32 s3, s2  }
0x8d: {  	s2 =	sadd.s32 s2, s17  }
0x8e: {  	[smem:$0x3FC2] =	sst s2  }
0x8f: {  	_ = 	snop  }
0x90: {  	s2 =	sld [smem:$0x3FD0];
	(tm) =	ssettm $0x1  }
0x91: {  	s18 =	sld [smem:$0x3FFB];
	_ =	sdelay $0x3  }
0x92: {  	_ =	strace s18  }
0x93: {  	s3 =	sld [smem:$0x3FFC];
	_ =	sdelay $0x3  }
0x94: {  	_ =	strace s3  }
0x95: {  	s3 =	sld [smem:$0x3FFD];
	_ =	sdelay $0x3  }
0x96: {  	_ =	strace s3  }
0x97: {  	_ =	strace $0x8FFFFFFF  }
0x98: {  	s19 =	sld [smem:$0x3FDB];
	_ =	sdelay $0x1  }
0x99: {  	s4 =	simm.s32 $_scs_section_size  }
0x9a: {  	s5 =	simm.s32 $_size__tile_overlayer_lowered;
	s6 =	simm.s32 $_tile_overlayer_lowered  }
0x9b: {  	s22 =	simm.s32 $0x1BFF;
	s21 =	sshll.u32 s6, $0x1;
	s3 =	sadd.s32 s4, s19  }
0x9c: {  	s7 =	simm.s32 $0x0;
	s20 =	sshll.u32 s5, $0x1;
	s5 =	sadd.s32 s21, s3  }
0x9d: {  	[timem:s7], [sflag:s22] =	dma.local [hbm:s5], s20  }
0x9e: {  	_ =	swait.ge [sflag:s22], s20  }
0x9f: {  	s4 =	ssub.s32 $0x0, s20;
	[sflag:s22] =	ssyncset.done $0x0  }
0xa0: {  	[sflag:s22] =	ssyncadd.s32 s4;
	_ =	sdelay $0x1  }
0xa1: {  	s23 =	simm.s32 $0x1B8B  }
0xa2: {  	_ =	swait.ge [sflag:s23], $0x1  }
0xa3: {  	[sflag:s23] =	ssyncset.done $0x0  }
0xa4: {  	s25 =	simm.s32 $0x1B8E;
	s24 =	sld [smem:$0x3FFE];
	[sflag:s23] =	ssyncadd.s32 $0xFFFFFFFF  }
0xa5: {  	s26 =	simm.s32 $execute0_lowered;
	[smem:$0x3FD2] =	sst s25  }
0xa6: {  	s5 =	sshll.u32 s26, $0x1;
	_ =	strace $0x80000046;
	[dreg:$0x1] =	wrdreg $0xFFFFFFFF  }
0xa7: {  	s28 =	simm.s32 $_size_execute0_lowered;
	s3 =	sadd.s32 s3, s5;
	[dreg:$0x0] =	wrdreg $0x0  }
0xa8: {  	s5 =	sshll.u32 s28, $0x1;
	[dreg:$0x2] =	wrdreg s3  }
0xa9: {  	[dreg:$0x3] =	wrdreg s5  }
0xaa: {  	[dreg:$0x4] =	wrdreg $0xC0  }
0xab: {  	_ =	task [dreg:s7], $0x5FFFF  }
0xac: {  	[dreg:$0x1] =	wrdreg $0xFFFFFFFF  }
0xad: {  	[dreg:$0x0] =	wrdreg $0x60  }
0xae: {  	[dreg:$0x2] =	wrdreg s24  }
0xaf: {  	[dreg:$0x3] =	wrdreg s2  }
0xb0: {  	[dreg:$0x4] =	wrdreg $0x28800  }
0xb1: {  	[dreg:$0x5] =	wrdreg $0x9  }
0xb2: {  	_ =	task.clear_ibuf [dreg:s7], $0x6FFFF;
	_ =	strace $0x90000046  }
0xb3: {  	s29 =	simm.s32 $0x9;
	_ =	strace $0x80000048  }
0xb4: {  	_ =	swait.ge [sflag:s29], $0x1  }
0xb5: {  	[sflag:s29] =	ssyncadd.s32 $0xFFFFFFFF  }
0xb6: {  	_ =	strace $0x90000048  }
0xb7: {  	_ =	sfence  }
0xb8: {  	s30 =	sld [smem:$0x0];
	_ =	sdelay $0x2  }
0xb9: {  	s31 =	sshll.u32 s1, $0xD;
	s1 =	sshrl.u32 s1, $0x2  }
0xba: {  	s3 =	sand.u32 $0x4000, s31;
	s1 =	sadd.s32 s1, s30  }
0xbb: {  	s0 =	sor.u32 s3, s0;
	s1 =	sshll.u32 s1, $0x11  }
0xbc: {  	s0 =	sor.u32 s1, s0  }
0xbd: {  	s0 =	sadd.s32 $0x8F2B, s0  }
0xbe: {  	[sflag:s0] =	ssyncadd.remote.s32 $0x1  }
0xbf: {  	_ =	sfence.sel $0xFFFF  }
0xc0: {  	[dreg:$0x0] =	wrdreg $0xFFFFFFFF;
	(pc) =	sbr.abs _section_cstart, $3  }
0xc1: {  	[dreg:$0x1] =	wrdreg $0xFFFFFFFF  }
0xc2: {  	_ =	task.clear_ibuf [dreg:s7], $0x2FFFF;
	_ =	strace $0x9FFFFFFF  }
0xc3: {  	(tm) =	ssettm $0x7FFFFFFF  }
tec
execute0_lowered:
.L_overlay_start_1:
0x0: {  	(tag) =	ssettag $0x1  }
0x1: {  	s6 =	rddreg [dreg:$0x0]  }
0x2: {  	s2 =	rddreg [dreg:$0x1];
	s0 =	srdreg.scid  }
0x3: {  	s3 =	rddreg [dreg:$0x2];
	s1 =	stileid.u32  }
0x4: {  	s4 =	simm.s32 $0x0;
	s13 =	simm.s32 $0x7D;
	s14 =	simm.s32 $0x0  }
0x5: {  	s7 =	sand.u32 $0x1, s0;
	s0 =	rddreg [dreg:$0x3];
	s8 =	smul.u32 $0x280, s1  }
0x6: {  	[smem:$0x7FF] =	sst s4;
	s31 =	sshll.u32 s1, $0x6;
	s5 =	sshll.u32 s7, $0x4  }
0x7: {  	s9 =	smul.u32 $0x2800, s7;
	_ =	strace $0x80000047;
	s7 =	ssub.s32 $0x2, s7  }
0x8: {  	s5 =	sor.u32 s1, s5;
	s11 =	sshrl.u32 s7, $0x1;
	s12 =	sadd.s32 s8, s3  }
0x9: {  	s10 =	smul.u32 $0x2800, s5;
	s5 =	sadd.s32 $0x16000, s6;
	s9 =	sadd.s32 s8, s9  }
0xa: {  	s30 =	ssub.s32 s7, s11;
	s11 =	sor.u32 $0x1C01, s31;
	s9 =	sshrl.u32 s9, $0x3  }
0xb: {  	s12 =	sshrl.u32 s12, $0x3;
	s10 =	sshrl.u32 s10, $0x3;
	s9 =	sadd.s32 s9, s6  }
0xc: {  	s8 =	smax.u32 s30, $0x1;
	s6 =	sadd.s32 s6, s10;
	s7 =	sadd.s32 $0x16200, s9  }
0xd: {  	s9 =	simm.s32 $0x1;
	s10 =	simm.s32 $0x2800;
	s6 =	sadd.s32 $0xC000, s6  }
.LBB2_1:
0xe: {  	[tilespmem:s4], [sflag:$0x1] =	stream.linear.gather [hbm4b:s6+s4], $0x2800, $0x38;
	[tilespmem:$0x2B00] =	vst v63  }
0xf: {  	_ =	swait.ge [sflag:s9], $0x2800  }
0x10: {  	[sflag:s9] =	ssyncset.done $0x0  }
0x11: {  	[sflag:s9] =	ssyncadd.s32 $0xFFFFD800  }
0x12: {  	[tilespmem:s10], [sflag:$0x1] =	stream.linear.gather [hbm4b:s2+s4], $0x80, $0x38;
	[tilespmem:$0x2B00] =	vst v63  }
0x13: {  	_ =	swait.ge [sflag:s9], $0x80  }
0x14: {  	[sflag:s9] =	ssyncset.done $0x0  }
0x15: {  	[sflag:s9] =	ssyncadd.s32 $0xFFFFFF80  }
0x16: {  	[spmem:s12], [sflag:s11] =	dma.local [hbm:s5], $0x50  }
0x17: {  	_ =	swait.ge [sflag:s9], $0x50  }
0x18: {  	[sflag:s9] =	ssyncset.done $0x0  }
0x19: {  	[sflag:s9] =	ssyncadd.s32 $0xFFFFFFB0  }
0x1a: {  	s15 =	simm.s32 $0x0;
	[bflag:$0x0] =	sbarrier.arrive $0xFFFF  }
0x1b: {  	[spmem:s3] =	stream.indirect.scatter.add.f32 [tilespmem:s10], [sflag:$0x1], $0x1, s15, s13, $0xb8;
	[tilespmem:$0x2B00] =	vst v63  }
0x1c: {  	_ =	swait.ge [sflag:s9], $0x7D  }
0x1d: {  	s15 =	simm.s32 $0x200;
	[sflag:s9] =	ssyncset.done $0x0  }
.LBB2_2:
0x1e: {  	s16 =	sshra.s32 s15, $0x2;
	[sflag:s9] =	ssyncadd.s32 $0xFFFFFF83;
	p0 =	sne.s32 s15, $0x9E00  }
0x1f: {  	[spmem:s3] =	stream.indirect.scatter.add.f32 [tilespmem:s10], [sflag:$0x1], $0x1, s16, s13, $0xb8;
	[tilespmem:$0x2B00] =	vst v63  }
.Ltmp0:
0x20: {  	_ = 	snop;
	(pc) =	sbr.rel @p0 .LBB2_2-.Ltmp0, $4  }
0x21: {  	_ = 	snop  }
0x22: {  	s15 =	sadd.s32 $0x200, s15  }
0x23: {  	_ =	swait.ge [sflag:s9], $0x7D  }
0x24: {  	[sflag:s9] =	ssyncset.done $0x0  }
0x25: {  	s14 =	sadd.s32 $0x1, s14  }
0x26: {  	[sflag:s9] =	ssyncadd.s32 $0xFFFFFF83;
	p0 =	sne.s32 s14, s8  }
.Ltmp1:
0x27: {  	[bflag:$0x0] =	sbarrier.arrive $0xFFFF;
	(pc) =	sbr.rel @p0 .LBB2_1-.Ltmp1, $4  }
0x28: {  	[hbm:s7], [sflag:s11] =	dma.local [spmem:s12], $0x50  }
0x29: {  	_ =	swait.ge [sflag:s9], $0x50  }
0x2a: {  	[sflag:s9] =	ssyncset.done $0x0  }
0x2b: {  	[sflag:s9] =	ssyncadd.s32 $0xFFFFFFB0  }
0x2c: {  	_ =	sfence.sel $0x180000  }
0x2d: {  	[bflag:$0x0] =	sbarrier.arrive $0xFFFF  }
0x2e: {  	p0 =	sne.s32 s1, $0x0;
	_ =	strace $0x90000047  }
0x2f: {  	s0 =	sadd.s32 @!p0 $0x100000, s0;
	[bflag:$0x2] =	sbarrier.arrive $0xFFFF  }
0x30: {  	[sflag:s0] =	ssyncadd.tile.s32 @!p0 $0x1;
	_ =	shalt  }
.Lfunc_end2:
_tile_overlayer_lowered:
.L_overlay_start_2:
0x31: {  	(tag) =	ssettag $0x2  }
0x32: {  	s0 =	rddreg [dreg:$0x0];
	s2 =	stileid.u32  }
0x33: {  	s1 =	rddreg [dreg:$0x1];
	p0 =	sne.s32 s2, $0x0  }
0x34: {  	s3 =	rddreg [dreg:$0x2];
	[bflag:$0x3] =	sbarrier.arrive $0xFFFF;
	s2 =	simm.s32 @!p0 $0x1C01  }
0x35: {  	[timem:s3], [sflag:s2] =	dma.local @!p0 [hbm:s0], s1  }
0x36: {  	s0 =	simm.s32 @!p0 $0x1  }
0x37: {  	_ =	swait.ge @!p0 [sflag:s0], s1  }
0x38: {  	s1 =	ssub.s32 @!p0 $0x0, s1;
	[sflag:s0] =	ssyncset.done @!p0 $0x0  }
0x39: {  	[sflag:s0] =	ssyncadd.s32 @!p0 s1  }
0x3a: {  	[bflag:$0x3] =	sbarrier.arrive $0xFFFF  }
0x3b: {  	_ =	shalt  }

</sc_bundles>
